<compile_context>
chip_gen: v7x
topology: tpu7x:2x2x1
jax: 0.10.2.dev20260603
libtpu: 0.0.44.dev20260713+nightly
codegen_flags: <defaults>
</compile_context>

<pallas_src>
import jax
import jax.numpy as jnp
from jax import lax
from jax.experimental import pallas as pl
from jax.experimental.pallas import tpu as pltpu
from jax.experimental.pallas import tpu_sc as plsc

L = 16
N_IN = 4
N_OUT = 2


def kernel(target, permutation, inv_permutation):
    batch, d = target.shape
    nc, ns = 2, 16
    nw = nc * ns
    rows_per_w = batch // nw
    r_tile = 8
    nt = rows_per_w // r_tile
    g = d // L

    def body(target_hbm, iperm_hbm, out_hbm, iperm_v, *scratch):
        in_bufs = scratch[0:N_IN]
        out_bufs = scratch[N_IN:N_IN + N_OUT]
        in_sems = scratch[N_IN + N_OUT:2 * N_IN + N_OUT]
        out_sems = scratch[2 * N_IN + N_OUT:]
        wid = lax.axis_index("s") * nc + lax.axis_index("c")
        base = wid * rows_per_w
        pltpu.sync_copy(iperm_hbm, iperm_v)

        def in_copy(t, k):
            return pltpu.make_async_copy(
                target_hbm.at[pl.ds(base + t * r_tile, r_tile)],
                in_bufs[k], in_sems[k])

        def out_copy(t, k):
            return pltpu.make_async_copy(
                out_bufs[k], out_hbm.at[pl.ds(base + t * r_tile, r_tile)],
                out_sems[k])

        def permute(inb, outb):
            def g_body(gi):
                idx = iperm_v[pl.ds(gi * L, L)]
                col0 = gi * L
                for r in range(r_tile):
                    v = inb[r, pl.ds(col0, L)]
                    rsplat = jnp.full((L,), r, jnp.int32)
                    plsc.store_scatter(outb, [rsplat, idx], v)

            plsc.parallel_loop(0, g, 1, unroll=8)(g_body)

        for k in range(N_IN):
            in_copy(k, k).start()

        def step(t, k):
            ko = k % N_OUT
            in_copy(t, k).wait()

            @pl.when(t >= N_OUT)
            def _():
                out_copy(t - N_OUT, ko).wait()

            permute(in_bufs[k], out_bufs[ko])
            out_copy(t, ko).start()

            @pl.when(t + N_IN < nt)
            def _():
                in_copy(t + N_IN, k).start()

        def ring_body(q, carry):
            t0 = q * N_IN
            for k in range(N_IN):
                step(t0 + k, k)
            return carry

        lax.fori_loop(0, nt // N_IN, ring_body, 0)
        out_copy(nt - 2, (nt - 2) % N_OUT).wait()
        out_copy(nt - 1, (nt - 1) % N_OUT).wait()

    f = pl.kernel(
        body,
        out_type=jax.ShapeDtypeStruct((batch, d), jnp.float32),
        mesh=plsc.VectorSubcoreMesh(
            core_axis_name="c", subcore_axis_name="s", num_cores=nc, num_subcores=ns
        ),
        compiler_params=pltpu.CompilerParams(needs_layout_passes=False),
        scratch_types=[pltpu.VMEM((d,), jnp.int32)]
        + [pltpu.VMEM((r_tile, d), jnp.float32) for _ in range(N_IN + N_OUT)]
        + [pltpu.SemaphoreType.DMA for _ in range(N_IN + N_OUT)],
    )
    return f(target, inv_permutation)

# --- scband reference (transcript-rebuilt; emitter-appended) ---
"""Pipeline reference for scband-permutation-1992864825448 (READ-ONLY COPY).

The authoritative reference and input builder live on the scoring server;
editing this copy changes nothing except your own understanding.
"""

import jax, jax.numpy as jnp
import numpy as np

INPUT_DIM = 2048
BATCH = 16384


def setup_inputs(seed: int = 0) -> dict:
    key = jax.random.key(seed)
    target = jax.random.normal(key, (BATCH, INPUT_DIM), dtype=jnp.float32)
    # Non-trainable permutation parameters created in __init__ (fixed seed for reproducibility)
    perm_np = np.random.default_rng(0).permutation(INPUT_DIM)
    permutation = jnp.asarray(perm_np, dtype=jnp.int32)
    inv_permutation = jnp.asarray(np.argsort(perm_np), dtype=jnp.int32)
    return {"target": target, "permutation": permutation, "inv_permutation": inv_permutation}


def reference(target, permutation, inv_permutation):
    # Faithful to: tf.transpose(tf.gather(tf.transpose(target), self.permutation))
    # gather on rows of target^T == gather on columns (feature dim) of target.
    # Forward pass (inverse=False) uses `permutation`.
    out = jnp.transpose(jnp.take(jnp.transpose(target), permutation, axis=0))
    return out

if __name__ == "__main__":
    import jax
    _d = setup_inputs()
    print(jax.jit(kernel)(*tuple(_d.values())))

</pallas_src>

<mosaic_0001>
#map = affine_map<(d0, d1) -> (0, 0)>
#map1 = affine_map<(d0, d1) -> (0)>
module attributes {stable_mosaic.version = 14 : i64} {
  func.func @body(%arg0: i32, %arg1: i32, %arg2: memref<16384x2048xf32, #tpu.memory_space<hbm>>, %arg3: memref<2048xi32, #tpu.memory_space<hbm>>, %arg4: memref<16384x2048xf32, #tpu.memory_space<hbm>>, %arg5: memref<2048xi32, #tpu.memory_space<vmem>>, %arg6: memref<8x2048xf32, #tpu.memory_space<vmem>>, %arg7: memref<8x2048xf32, #tpu.memory_space<vmem>>, %arg8: memref<8x2048xf32, #tpu.memory_space<vmem>>, %arg9: memref<8x2048xf32, #tpu.memory_space<vmem>>, %arg10: memref<8x2048xf32, #tpu.memory_space<vmem>>, %arg11: memref<8x2048xf32, #tpu.memory_space<vmem>>, %arg12: memref<!tpu.dma_semaphore, #tpu.memory_space<semaphore_mem>>, %arg13: memref<!tpu.dma_semaphore, #tpu.memory_space<semaphore_mem>>, %arg14: memref<!tpu.dma_semaphore, #tpu.memory_space<semaphore_mem>>, %arg15: memref<!tpu.dma_semaphore, #tpu.memory_space<semaphore_mem>>, %arg16: memref<!tpu.dma_semaphore, #tpu.memory_space<semaphore_mem>>, %arg17: memref<!tpu.dma_semaphore, #tpu.memory_space<semaphore_mem>>) attributes {dimension_semantics = [#tpu.dimension_semantics<core_parallel>, #tpu.dimension_semantics<subcore_parallel>], iteration_bounds = array<i64: 2, 16>, scalar_prefetch = 0 : i64, scratch_operands = 13 : i64, tpu.core_type = #tpu.core_type<sc_vector_subcore>, window_params = [{transform_indices = #map}, {transform_indices = #map1}, {transform_indices = #map}]} {
    %mul3A = arith.constant 2 : i32
    %mul3A_0 = arith.muli %arg1, %mul3A : i32
    %add3A = arith.addi %mul3A_0, %arg0 : i32
    %mul3A_1 = arith.constant 512 : i32
    %mul3A_2 = arith.muli %add3A, %mul3A_1 : i32
    "tpu.region"() ({
      %run_scoped3A = tpu.sem_alloc : memref<!tpu.dma_semaphore, #tpu.memory_space<semaphore_mem>>
      tpu.enqueue_dma source(%arg3 : memref<2048xi32, #tpu.memory_space<hbm>>) target(%arg5 : memref<2048xi32, #tpu.memory_space<vmem>>) target_semaphore(%run_scoped3A : memref<!tpu.dma_semaphore, #tpu.memory_space<semaphore_mem>>)
      tpu.wait_dma2 semaphore(%run_scoped3A : memref<!tpu.dma_semaphore, #tpu.memory_space<semaphore_mem>>) src(%arg3 : memref<2048xi32, #tpu.memory_space<hbm>>) dst(%arg5 : memref<2048xi32, #tpu.memory_space<vmem>>)
      tpu.yield
    }) : () -> ()
    %add3A_3 = arith.constant 0 : i32
    %add3A_4 = arith.addi %mul3A_2, %add3A_3 : i32
    %dma_start3A = arith.constant 0 : i32
    %dma_start3A_5 = tpu.memref_slice %arg2[%add3A_4, %dma_start3A] : memref<16384x2048xf32, #tpu.memory_space<hbm>> -> memref<8x2048xf32, #tpu.memory_space<hbm>>
    %dma_start3A_6 = arith.constant 0 : i32
    %dma_start3A_7 = tpu.memref_slice %arg2[%add3A_4, %dma_start3A_6] : memref<16384x2048xf32, #tpu.memory_space<hbm>> -> memref<8x2048xf32, #tpu.memory_space<hbm>>
    tpu.enqueue_dma source(%dma_start3A_7 : memref<8x2048xf32, #tpu.memory_space<hbm>>) target(%arg6 : memref<8x2048xf32, #tpu.memory_space<vmem>>) target_semaphore(%arg12 : memref<!tpu.dma_semaphore, #tpu.memory_space<semaphore_mem>>)
    %add3A_8 = arith.constant 8 : i32
    %add3A_9 = arith.addi %mul3A_2, %add3A_8 : i32
    %dma_start3A_10 = arith.constant 0 : i32
    %dma_start3A_11 = tpu.memref_slice %arg2[%add3A_9, %dma_start3A_10] : memref<16384x2048xf32, #tpu.memory_space<hbm>> -> memref<8x2048xf32, #tpu.memory_space<hbm>>
    %dma_start3A_12 = arith.constant 0 : i32
    %dma_start3A_13 = tpu.memref_slice %arg2[%add3A_9, %dma_start3A_12] : memref<16384x2048xf32, #tpu.memory_space<hbm>> -> memref<8x2048xf32, #tpu.memory_space<hbm>>
    tpu.enqueue_dma source(%dma_start3A_13 : memref<8x2048xf32, #tpu.memory_space<hbm>>) target(%arg7 : memref<8x2048xf32, #tpu.memory_space<vmem>>) target_semaphore(%arg13 : memref<!tpu.dma_semaphore, #tpu.memory_space<semaphore_mem>>)
    %add3A_14 = arith.constant 16 : i32
    %add3A_15 = arith.addi %mul3A_2, %add3A_14 : i32
    %dma_start3A_16 = arith.constant 0 : i32
    %dma_start3A_17 = tpu.memref_slice %arg2[%add3A_15, %dma_start3A_16] : memref<16384x2048xf32, #tpu.memory_space<hbm>> -> memref<8x2048xf32, #tpu.memory_space<hbm>>
    %dma_start3A_18 = arith.constant 0 : i32
    %dma_start3A_19 = tpu.memref_slice %arg2[%add3A_15, %dma_start3A_18] : memref<16384x2048xf32, #tpu.memory_space<hbm>> -> memref<8x2048xf32, #tpu.memory_space<hbm>>
    tpu.enqueue_dma source(%dma_start3A_19 : memref<8x2048xf32, #tpu.memory_space<hbm>>) target(%arg8 : memref<8x2048xf32, #tpu.memory_space<vmem>>) target_semaphore(%arg14 : memref<!tpu.dma_semaphore, #tpu.memory_space<semaphore_mem>>)
    %add3A_20 = arith.constant 24 : i32
    %add3A_21 = arith.addi %mul3A_2, %add3A_20 : i32
    %dma_start3A_22 = arith.constant 0 : i32
    %dma_start3A_23 = tpu.memref_slice %arg2[%add3A_21, %dma_start3A_22] : memref<16384x2048xf32, #tpu.memory_space<hbm>> -> memref<8x2048xf32, #tpu.memory_space<hbm>>
    %dma_start3A_24 = arith.constant 0 : i32
    %dma_start3A_25 = tpu.memref_slice %arg2[%add3A_21, %dma_start3A_24] : memref<16384x2048xf32, #tpu.memory_space<hbm>> -> memref<8x2048xf32, #tpu.memory_space<hbm>>
    tpu.enqueue_dma source(%dma_start3A_25 : memref<8x2048xf32, #tpu.memory_space<hbm>>) target(%arg9 : memref<8x2048xf32, #tpu.memory_space<vmem>>) target_semaphore(%arg15 : memref<!tpu.dma_semaphore, #tpu.memory_space<semaphore_mem>>)
    %scan3A = arith.constant 0 : i32
    %scan3A_26 = arith.constant 0 : i32
    %scan3A_27 = arith.constant 16 : i32
    %scan3A_28 = arith.addi %scan3A_26, %scan3A_27 : i32
    %scan3A_29 = arith.constant 1 : i32
    scf.for %scan3A_42 = %scan3A_26 to %scan3A_28 step %scan3A_29  : i32 {
      %mul3A_43 = arith.constant 4 : i32
      %mul3A_44 = arith.muli %scan3A_42, %mul3A_43 : i32
      %add3A_45 = arith.constant 0 : i32
      %add3A_46 = arith.addi %mul3A_44, %add3A_45 : i32
      %mul3A_47 = arith.constant 8 : i32
      %mul3A_48 = arith.muli %add3A_46, %mul3A_47 : i32
      %add3A_49 = arith.addi %mul3A_2, %mul3A_48 : i32
      %dma_wait3A_50 = arith.constant 0 : i32
      %dma_wait3A_51 = tpu.memref_slice %arg2[%add3A_49, %dma_wait3A_50] : memref<16384x2048xf32, #tpu.memory_space<hbm>> -> memref<8x2048xf32, #tpu.memory_space<hbm>>
      %dma_wait3A_52 = arith.constant 0 : i32
      %dma_wait3A_53 = tpu.memref_slice %arg2[%add3A_49, %dma_wait3A_52] : memref<16384x2048xf32, #tpu.memory_space<hbm>> -> memref<8x2048xf32, #tpu.memory_space<hbm>>
      tpu.wait_dma2 semaphore(%arg12 : memref<!tpu.dma_semaphore, #tpu.memory_space<semaphore_mem>>) src(%dma_wait3A_53 : memref<8x2048xf32, #tpu.memory_space<hbm>>) dst(%arg6 : memref<8x2048xf32, #tpu.memory_space<vmem>>)
      %ge3A = arith.constant 2 : i32
      %ge3A_54 = arith.cmpi sge, %add3A_46, %ge3A : i32
      %convert_element_type3A = arith.extui %ge3A_54 : i1 to i32
      %cond3A = arith.constant 0 : i32
      %cond3A_55 = arith.cmpi ne, %convert_element_type3A, %cond3A : i32
      scf.if %cond3A_55 {
        %sub3A = arith.constant 2 : i32
        %sub3A_164 = arith.subi %add3A_46, %sub3A : i32
        %mul3A_165 = arith.constant 8 : i32
        %mul3A_166 = arith.muli %sub3A_164, %mul3A_165 : i32
        %add3A_167 = arith.addi %mul3A_2, %mul3A_166 : i32
        %dma_wait3A_168 = arith.constant 0 : i32
        %dma_wait3A_169 = tpu.memref_slice %arg4[%add3A_167, %dma_wait3A_168] : memref<16384x2048xf32, #tpu.memory_space<hbm>> -> memref<8x2048xf32, #tpu.memory_space<hbm>>
        %dma_wait3A_170 = arith.constant 0 : i32
        %dma_wait3A_171 = tpu.memref_slice %arg4[%add3A_167, %dma_wait3A_170] : memref<16384x2048xf32, #tpu.memory_space<hbm>> -> memref<8x2048xf32, #tpu.memory_space<hbm>>
        tpu.wait_dma2 semaphore(%arg16 : memref<!tpu.dma_semaphore, #tpu.memory_space<semaphore_mem>>) src(%arg10 : memref<8x2048xf32, #tpu.memory_space<vmem>>) dst(%dma_wait3A_171 : memref<8x2048xf32, #tpu.memory_space<hbm>>)
      } else {
      }
      %parallel_loop3A = arith.constant 0 : i32
      %parallel_loop3A_56 = arith.constant 128 : i32
      %parallel_loop3A_57 = arith.constant 1 : i32
      scf.for %parallel_loop3A_164 = %parallel_loop3A to %parallel_loop3A_56 step %parallel_loop3A_57  : i32 {
        %parallel_loop3A_165 = arith.constant 16 : i32
        %parallel_loop3A_166 = arith.muli %parallel_loop3A_164, %parallel_loop3A_165 : i32
        %parallel_loop3A_167 = arith.index_cast %parallel_loop3A_166 : i32 to index
        %parallel_loop3A_168 = tpu.vector_load %arg5[%parallel_loop3A_167] {strides = array<i32>} : memref<2048xi32, #tpu.memory_space<vmem>>, vector<16xi32>,
        %parallel_loop3A_169 = arith.constant 16 : i32
        %parallel_loop3A_170 = arith.muli %parallel_loop3A_164, %parallel_loop3A_169 : i32
        %parallel_loop3A_171 = arith.constant 0 : i32
        %parallel_loop3A_172 = arith.index_cast %parallel_loop3A_171 : i32 to index
        %parallel_loop3A_173 = arith.index_cast %parallel_loop3A_170 : i32 to index
        %parallel_loop3A_174 = tpu.vector_load %arg6[%parallel_loop3A_172, %parallel_loop3A_173] {strides = array<i32>} : memref<8x2048xf32, #tpu.memory_space<vmem>>, vector<16xf32>,
        %parallel_loop3A_175 = arith.constant 0 : i32
        %parallel_loop3A_176 = vector.broadcast %parallel_loop3A_175 : i32 to vector<16xi32>
        tpu.vector_store_idx %arg10[%parallel_loop3A_176, %parallel_loop3A_168], %parallel_loop3A_174 : memref<8x2048xf32, #tpu.memory_space<vmem>>[vector<16xi32>, vector<16xi32>], vector<16xf32>,
        %parallel_loop3A_177 = arith.constant 1 : i32
        %parallel_loop3A_178 = arith.index_cast %parallel_loop3A_177 : i32 to index
        %parallel_loop3A_179 = arith.index_cast %parallel_loop3A_170 : i32 to index
        %parallel_loop3A_180 = tpu.vector_load %arg6[%parallel_loop3A_178, %parallel_loop3A_179] {strides = array<i32>} : memref<8x2048xf32, #tpu.memory_space<vmem>>, vector<16xf32>,
        %parallel_loop3A_181 = arith.constant 1 : i32
        %parallel_loop3A_182 = vector.broadcast %parallel_loop3A_181 : i32 to vector<16xi32>
        tpu.vector_store_idx %arg10[%parallel_loop3A_182, %parallel_loop3A_168], %parallel_loop3A_180 : memref<8x2048xf32, #tpu.memory_space<vmem>>[vector<16xi32>, vector<16xi32>], vector<16xf32>,
        %parallel_loop3A_183 = arith.constant 2 : i32
        %parallel_loop3A_184 = arith.index_cast %parallel_loop3A_183 : i32 to index
        %parallel_loop3A_185 = arith.index_cast %parallel_loop3A_170 : i32 to index
        %parallel_loop3A_186 = tpu.vector_load %arg6[%parallel_loop3A_184, %parallel_loop3A_185] {strides = array<i32>} : memref<8x2048xf32, #tpu.memory_space<vmem>>, vector<16xf32>,
        %parallel_loop3A_187 = arith.constant 2 : i32
        %parallel_loop3A_188 = vector.broadcast %parallel_loop3A_187 : i32 to vector<16xi32>
        tpu.vector_store_idx %arg10[%parallel_loop3A_188, %parallel_loop3A_168], %parallel_loop3A_186 : memref<8x2048xf32, #tpu.memory_space<vmem>>[vector<16xi32>, vector<16xi32>], vector<16xf32>,
        %parallel_loop3A_189 = arith.constant 3 : i32
        %parallel_loop3A_190 = arith.index_cast %parallel_loop3A_189 : i32 to index
        %parallel_loop3A_191 = arith.index_cast %parallel_loop3A_170 : i32 to index
        %parallel_loop3A_192 = tpu.vector_load %arg6[%parallel_loop3A_190, %parallel_loop3A_191] {strides = array<i32>} : memref<8x2048xf32, #tpu.memory_space<vmem>>, vector<16xf32>,
        %parallel_loop3A_193 = arith.constant 3 : i32
        %parallel_loop3A_194 = vector.broadcast %parallel_loop3A_193 : i32 to vector<16xi32>
        tpu.vector_store_idx %arg10[%parallel_loop3A_194, %parallel_loop3A_168], %parallel_loop3A_192 : memref<8x2048xf32, #tpu.memory_space<vmem>>[vector<16xi32>, vector<16xi32>], vector<16xf32>,
        %parallel_loop3A_195 = arith.constant 4 : i32
        %parallel_loop3A_196 = arith.index_cast %parallel_loop3A_195 : i32 to index
        %parallel_loop3A_197 = arith.index_cast %parallel_loop3A_170 : i32 to index
        %parallel_loop3A_198 = tpu.vector_load %arg6[%parallel_loop3A_196, %parallel_loop3A_197] {strides = array<i32>} : memref<8x2048xf32, #tpu.memory_space<vmem>>, vector<16xf32>,
        %parallel_loop3A_199 = arith.constant 4 : i32
        %parallel_loop3A_200 = vector.broadcast %parallel_loop3A_199 : i32 to vector<16xi32>
        tpu.vector_store_idx %arg10[%parallel_loop3A_200, %parallel_loop3A_168], %parallel_loop3A_198 : memref<8x2048xf32, #tpu.memory_space<vmem>>[vector<16xi32>, vector<16xi32>], vector<16xf32>,
        %parallel_loop3A_201 = arith.constant 5 : i32
        %parallel_loop3A_202 = arith.index_cast %parallel_loop3A_201 : i32 to index
        %parallel_loop3A_203 = arith.index_cast %parallel_loop3A_170 : i32 to index
        %parallel_loop3A_204 = tpu.vector_load %arg6[%parallel_loop3A_202, %parallel_loop3A_203] {strides = array<i32>} : memref<8x2048xf32, #tpu.memory_space<vmem>>, vector<16xf32>,
        %parallel_loop3A_205 = arith.constant 5 : i32
        %parallel_loop3A_206 = vector.broadcast %parallel_loop3A_205 : i32 to vector<16xi32>
        tpu.vector_store_idx %arg10[%parallel_loop3A_206, %parallel_loop3A_168], %parallel_loop3A_204 : memref<8x2048xf32, #tpu.memory_space<vmem>>[vector<16xi32>, vector<16xi32>], vector<16xf32>,
        %parallel_loop3A_207 = arith.constant 6 : i32
        %parallel_loop3A_208 = arith.index_cast %parallel_loop3A_207 : i32 to index
        %parallel_loop3A_209 = arith.index_cast %parallel_loop3A_170 : i32 to index
        %parallel_loop3A_210 = tpu.vector_load %arg6[%parallel_loop3A_208, %parallel_loop3A_209] {strides = array<i32>} : memref<8x2048xf32, #tpu.memory_space<vmem>>, vector<16xf32>,
        %parallel_loop3A_211 = arith.constant 6 : i32
        %parallel_loop3A_212 = vector.broadcast %parallel_loop3A_211 : i32 to vector<16xi32>
        tpu.vector_store_idx %arg10[%parallel_loop3A_212, %parallel_loop3A_168], %parallel_loop3A_210 : memref<8x2048xf32, #tpu.memory_space<vmem>>[vector<16xi32>, vector<16xi32>], vector<16xf32>,
        %parallel_loop3A_213 = arith.constant 7 : i32
        %parallel_loop3A_214 = arith.index_cast %parallel_loop3A_213 : i32 to index
        %parallel_loop3A_215 = arith.index_cast %parallel_loop3A_170 : i32 to index
        %parallel_loop3A_216 = tpu.vector_load %arg6[%parallel_loop3A_214, %parallel_loop3A_215] {strides = array<i32>} : memref<8x2048xf32, #tpu.memory_space<vmem>>, vector<16xf32>,
        %parallel_loop3A_217 = arith.constant 7 : i32
        %parallel_loop3A_218 = vector.broadcast %parallel_loop3A_217 : i32 to vector<16xi32>
        tpu.vector_store_idx %arg10[%parallel_loop3A_218, %parallel_loop3A_168], %parallel_loop3A_216 : memref<8x2048xf32, #tpu.memory_space<vmem>>[vector<16xi32>, vector<16xi32>], vector<16xf32>,
      } {sc.loop_unroll_factor = 8 : i64, sc.parallel_access}
      %mul3A_58 = arith.constant 8 : i32
      %mul3A_59 = arith.muli %add3A_46, %mul3A_58 : i32
      %add3A_60 = arith.addi %mul3A_2, %mul3A_59 : i32
      %dma_start3A_61 = arith.constant 0 : i32
      %dma_start3A_62 = tpu.memref_slice %arg4[%add3A_60, %dma_start3A_61] : memref<16384x2048xf32, #tpu.memory_space<hbm>> -> memref<8x2048xf32, #tpu.memory_space<hbm>>
      %dma_start3A_63 = arith.constant 0 : i32
      %dma_start3A_64 = tpu.memref_slice %arg4[%add3A_60, %dma_start3A_63] : memref<16384x2048xf32, #tpu.memory_space<hbm>> -> memref<8x2048xf32, #tpu.memory_space<hbm>>
      tpu.enqueue_dma source(%arg10 : memref<8x2048xf32, #tpu.memory_space<vmem>>) target(%dma_start3A_64 : memref<8x2048xf32, #tpu.memory_space<hbm>>) target_semaphore(%arg16 : memref<!tpu.dma_semaphore, #tpu.memory_space<semaphore_mem>>)
      %add3A_65 = arith.constant 4 : i32
      %add3A_66 = arith.addi %add3A_46, %add3A_65 : i32
      %lt3A = arith.constant 64 : i32
      %lt3A_67 = arith.cmpi slt, %add3A_66, %lt3A : i32
      %convert_element_type3A_68 = arith.extui %lt3A_67 : i1 to i32
      %cond3A_69 = arith.constant 0 : i32
      %cond3A_70 = arith.cmpi ne, %convert_element_type3A_68, %cond3A_69 : i32
      scf.if %cond3A_70 {
        %add3A_164 = arith.constant 4 : i32
        %add3A_165 = arith.addi %add3A_46, %add3A_164 : i32
        %mul3A_166 = arith.constant 8 : i32
        %mul3A_167 = arith.muli %add3A_165, %mul3A_166 : i32
        %add3A_168 = arith.addi %mul3A_2, %mul3A_167 : i32
        %dma_start3A_169 = arith.constant 0 : i32
        %dma_start3A_170 = tpu.memref_slice %arg2[%add3A_168, %dma_start3A_169] : memref<16384x2048xf32, #tpu.memory_space<hbm>> -> memref<8x2048xf32, #tpu.memory_space<hbm>>
        %dma_start3A_171 = arith.constant 0 : i32
        %dma_start3A_172 = tpu.memref_slice %arg2[%add3A_168, %dma_start3A_171] : memref<16384x2048xf32, #tpu.memory_space<hbm>> -> memref<8x2048xf32, #tpu.memory_space<hbm>>
        tpu.enqueue_dma source(%dma_start3A_172 : memref<8x2048xf32, #tpu.memory_space<hbm>>) target(%arg6 : memref<8x2048xf32, #tpu.memory_space<vmem>>) target_semaphore(%arg12 : memref<!tpu.dma_semaphore, #tpu.memory_space<semaphore_mem>>)
      } else {
      }
      %add3A_71 = arith.constant 1 : i32
      %add3A_72 = arith.addi %mul3A_44, %add3A_71 : i32
      %mul3A_73 = arith.constant 8 : i32
      %mul3A_74 = arith.muli %add3A_72, %mul3A_73 : i32
      %add3A_75 = arith.addi %mul3A_2, %mul3A_74 : i32
      %dma_wait3A_76 = arith.constant 0 : i32
      %dma_wait3A_77 = tpu.memref_slice %arg2[%add3A_75, %dma_wait3A_76] : memref<16384x2048xf32, #tpu.memory_space<hbm>> -> memref<8x2048xf32, #tpu.memory_space<hbm>>
      %dma_wait3A_78 = arith.constant 0 : i32
      %dma_wait3A_79 = tpu.memref_slice %arg2[%add3A_75, %dma_wait3A_78] : memref<16384x2048xf32, #tpu.memory_space<hbm>> -> memref<8x2048xf32, #tpu.memory_space<hbm>>
      tpu.wait_dma2 semaphore(%arg13 : memref<!tpu.dma_semaphore, #tpu.memory_space<semaphore_mem>>) src(%dma_wait3A_79 : memref<8x2048xf32, #tpu.memory_space<hbm>>) dst(%arg7 : memref<8x2048xf32, #tpu.memory_space<vmem>>)
      %ge3A_80 = arith.constant 2 : i32
      %ge3A_81 = arith.cmpi sge, %add3A_72, %ge3A_80 : i32
      %convert_element_type3A_82 = arith.extui %ge3A_81 : i1 to i32
      %cond3A_83 = arith.constant 0 : i32
      %cond3A_84 = arith.cmpi ne, %convert_element_type3A_82, %cond3A_83 : i32
      scf.if %cond3A_84 {
        %sub3A = arith.constant 2 : i32
        %sub3A_164 = arith.subi %add3A_72, %sub3A : i32
        %mul3A_165 = arith.constant 8 : i32
        %mul3A_166 = arith.muli %sub3A_164, %mul3A_165 : i32
        %add3A_167 = arith.addi %mul3A_2, %mul3A_166 : i32
        %dma_wait3A_168 = arith.constant 0 : i32
        %dma_wait3A_169 = tpu.memref_slice %arg4[%add3A_167, %dma_wait3A_168] : memref<16384x2048xf32, #tpu.memory_space<hbm>> -> memref<8x2048xf32, #tpu.memory_space<hbm>>
        %dma_wait3A_170 = arith.constant 0 : i32
        %dma_wait3A_171 = tpu.memref_slice %arg4[%add3A_167, %dma_wait3A_170] : memref<16384x2048xf32, #tpu.memory_space<hbm>> -> memref<8x2048xf32, #tpu.memory_space<hbm>>
        tpu.wait_dma2 semaphore(%arg17 : memref<!tpu.dma_semaphore, #tpu.memory_space<semaphore_mem>>) src(%arg11 : memref<8x2048xf32, #tpu.memory_space<vmem>>) dst(%dma_wait3A_171 : memref<8x2048xf32, #tpu.memory_space<hbm>>)
      } else {
      }
      %parallel_loop3A_85 = arith.constant 0 : i32
      %parallel_loop3A_86 = arith.constant 128 : i32
      %parallel_loop3A_87 = arith.constant 1 : i32
      scf.for %parallel_loop3A_164 = %parallel_loop3A_85 to %parallel_loop3A_86 step %parallel_loop3A_87  : i32 {
        %parallel_loop3A_165 = arith.constant 16 : i32
        %parallel_loop3A_166 = arith.muli %parallel_loop3A_164, %parallel_loop3A_165 : i32
        %parallel_loop3A_167 = arith.index_cast %parallel_loop3A_166 : i32 to index
        %parallel_loop3A_168 = tpu.vector_load %arg5[%parallel_loop3A_167] {strides = array<i32>} : memref<2048xi32, #tpu.memory_space<vmem>>, vector<16xi32>,
        %parallel_loop3A_169 = arith.constant 16 : i32
        %parallel_loop3A_170 = arith.muli %parallel_loop3A_164, %parallel_loop3A_169 : i32
        %parallel_loop3A_171 = arith.constant 0 : i32
        %parallel_loop3A_172 = arith.index_cast %parallel_loop3A_171 : i32 to index
        %parallel_loop3A_173 = arith.index_cast %parallel_loop3A_170 : i32 to index
        %parallel_loop3A_174 = tpu.vector_load %arg7[%parallel_loop3A_172, %parallel_loop3A_173] {strides = array<i32>} : memref<8x2048xf32, #tpu.memory_space<vmem>>, vector<16xf32>,
        %parallel_loop3A_175 = arith.constant 0 : i32
        %parallel_loop3A_176 = vector.broadcast %parallel_loop3A_175 : i32 to vector<16xi32>
        tpu.vector_store_idx %arg11[%parallel_loop3A_176, %parallel_loop3A_168], %parallel_loop3A_174 : memref<8x2048xf32, #tpu.memory_space<vmem>>[vector<16xi32>, vector<16xi32>], vector<16xf32>,
        %parallel_loop3A_177 = arith.constant 1 : i32
        %parallel_loop3A_178 = arith.index_cast %parallel_loop3A_177 : i32 to index
        %parallel_loop3A_179 = arith.index_cast %parallel_loop3A_170 : i32 to index
        %parallel_loop3A_180 = tpu.vector_load %arg7[%parallel_loop3A_178, %parallel_loop3A_179] {strides = array<i32>} : memref<8x2048xf32, #tpu.memory_space<vmem>>, vector<16xf32>,
        %parallel_loop3A_181 = arith.constant 1 : i32
        %parallel_loop3A_182 = vector.broadcast %parallel_loop3A_181 : i32 to vector<16xi32>
        tpu.vector_store_idx %arg11[%parallel_loop3A_182, %parallel_loop3A_168], %parallel_loop3A_180 : memref<8x2048xf32, #tpu.memory_space<vmem>>[vector<16xi32>, vector<16xi32>], vector<16xf32>,
        %parallel_loop3A_183 = arith.constant 2 : i32
        %parallel_loop3A_184 = arith.index_cast %parallel_loop3A_183 : i32 to index
        %parallel_loop3A_185 = arith.index_cast %parallel_loop3A_170 : i32 to index
        %parallel_loop3A_186 = tpu.vector_load %arg7[%parallel_loop3A_184, %parallel_loop3A_185] {strides = array<i32>} : memref<8x2048xf32, #tpu.memory_space<vmem>>, vector<16xf32>,
        %parallel_loop3A_187 = arith.constant 2 : i32
        %parallel_loop3A_188 = vector.broadcast %parallel_loop3A_187 : i32 to vector<16xi32>
        tpu.vector_store_idx %arg11[%parallel_loop3A_188, %parallel_loop3A_168], %parallel_loop3A_186 : memref<8x2048xf32, #tpu.memory_space<vmem>>[vector<16xi32>, vector<16xi32>], vector<16xf32>,
        %parallel_loop3A_189 = arith.constant 3 : i32
        %parallel_loop3A_190 = arith.index_cast %parallel_loop3A_189 : i32 to index
        %parallel_loop3A_191 = arith.index_cast %parallel_loop3A_170 : i32 to index
        %parallel_loop3A_192 = tpu.vector_load %arg7[%parallel_loop3A_190, %parallel_loop3A_191] {strides = array<i32>} : memref<8x2048xf32, #tpu.memory_space<vmem>>, vector<16xf32>,
        %parallel_loop3A_193 = arith.constant 3 : i32
        %parallel_loop3A_194 = vector.broadcast %parallel_loop3A_193 : i32 to vector<16xi32>
        tpu.vector_store_idx %arg11[%parallel_loop3A_194, %parallel_loop3A_168], %parallel_loop3A_192 : memref<8x2048xf32, #tpu.memory_space<vmem>>[vector<16xi32>, vector<16xi32>], vector<16xf32>,
        %parallel_loop3A_195 = arith.constant 4 : i32
        %parallel_loop3A_196 = arith.index_cast %parallel_loop3A_195 : i32 to index
        %parallel_loop3A_197 = arith.index_cast %parallel_loop3A_170 : i32 to index
        %parallel_loop3A_198 = tpu.vector_load %arg7[%parallel_loop3A_196, %parallel_loop3A_197] {strides = array<i32>} : memref<8x2048xf32, #tpu.memory_space<vmem>>, vector<16xf32>,
        %parallel_loop3A_199 = arith.constant 4 : i32
        %parallel_loop3A_200 = vector.broadcast %parallel_loop3A_199 : i32 to vector<16xi32>
        tpu.vector_store_idx %arg11[%parallel_loop3A_200, %parallel_loop3A_168], %parallel_loop3A_198 : memref<8x2048xf32, #tpu.memory_space<vmem>>[vector<16xi32>, vector<16xi32>], vector<16xf32>,
        %parallel_loop3A_201 = arith.constant 5 : i32
        %parallel_loop3A_202 = arith.index_cast %parallel_loop3A_201 : i32 to index
        %parallel_loop3A_203 = arith.index_cast %parallel_loop3A_170 : i32 to index
        %parallel_loop3A_204 = tpu.vector_load %arg7[%parallel_loop3A_202, %parallel_loop3A_203] {strides = array<i32>} : memref<8x2048xf32, #tpu.memory_space<vmem>>, vector<16xf32>,
        %parallel_loop3A_205 = arith.constant 5 : i32
        %parallel_loop3A_206 = vector.broadcast %parallel_loop3A_205 : i32 to vector<16xi32>
        tpu.vector_store_idx %arg11[%parallel_loop3A_206, %parallel_loop3A_168], %parallel_loop3A_204 : memref<8x2048xf32, #tpu.memory_space<vmem>>[vector<16xi32>, vector<16xi32>], vector<16xf32>,
        %parallel_loop3A_207 = arith.constant 6 : i32
        %parallel_loop3A_208 = arith.index_cast %parallel_loop3A_207 : i32 to index
        %parallel_loop3A_209 = arith.index_cast %parallel_loop3A_170 : i32 to index
        %parallel_loop3A_210 = tpu.vector_load %arg7[%parallel_loop3A_208, %parallel_loop3A_209] {strides = array<i32>} : memref<8x2048xf32, #tpu.memory_space<vmem>>, vector<16xf32>,
        %parallel_loop3A_211 = arith.constant 6 : i32
        %parallel_loop3A_212 = vector.broadcast %parallel_loop3A_211 : i32 to vector<16xi32>
        tpu.vector_store_idx %arg11[%parallel_loop3A_212, %parallel_loop3A_168], %parallel_loop3A_210 : memref<8x2048xf32, #tpu.memory_space<vmem>>[vector<16xi32>, vector<16xi32>], vector<16xf32>,
        %parallel_loop3A_213 = arith.constant 7 : i32
        %parallel_loop3A_214 = arith.index_cast %parallel_loop3A_213 : i32 to index
        %parallel_loop3A_215 = arith.index_cast %parallel_loop3A_170 : i32 to index
        %parallel_loop3A_216 = tpu.vector_load %arg7[%parallel_loop3A_214, %parallel_loop3A_215] {strides = array<i32>} : memref<8x2048xf32, #tpu.memory_space<vmem>>, vector<16xf32>,
        %parallel_loop3A_217 = arith.constant 7 : i32
        %parallel_loop3A_218 = vector.broadcast %parallel_loop3A_217 : i32 to vector<16xi32>
        tpu.vector_store_idx %arg11[%parallel_loop3A_218, %parallel_loop3A_168], %parallel_loop3A_216 : memref<8x2048xf32, #tpu.memory_space<vmem>>[vector<16xi32>, vector<16xi32>], vector<16xf32>,
      } {sc.loop_unroll_factor = 8 : i64, sc.parallel_access}
      %mul3A_88 = arith.constant 8 : i32
      %mul3A_89 = arith.muli %add3A_72, %mul3A_88 : i32
      %add3A_90 = arith.addi %mul3A_2, %mul3A_89 : i32
      %dma_start3A_91 = arith.constant 0 : i32
      %dma_start3A_92 = tpu.memref_slice %arg4[%add3A_90, %dma_start3A_91] : memref<16384x2048xf32, #tpu.memory_space<hbm>> -> memref<8x2048xf32, #tpu.memory_space<hbm>>
      %dma_start3A_93 = arith.constant 0 : i32
      %dma_start3A_94 = tpu.memref_slice %arg4[%add3A_90, %dma_start3A_93] : memref<16384x2048xf32, #tpu.memory_space<hbm>> -> memref<8x2048xf32, #tpu.memory_space<hbm>>
      tpu.enqueue_dma source(%arg11 : memref<8x2048xf32, #tpu.memory_space<vmem>>) target(%dma_start3A_94 : memref<8x2048xf32, #tpu.memory_space<hbm>>) target_semaphore(%arg17 : memref<!tpu.dma_semaphore, #tpu.memory_space<semaphore_mem>>)
      %add3A_95 = arith.constant 4 : i32
      %add3A_96 = arith.addi %add3A_72, %add3A_95 : i32
      %lt3A_97 = arith.constant 64 : i32
      %lt3A_98 = arith.cmpi slt, %add3A_96, %lt3A_97 : i32
      %convert_element_type3A_99 = arith.extui %lt3A_98 : i1 to i32
      %cond3A_100 = arith.constant 0 : i32
      %cond3A_101 = arith.cmpi ne, %convert_element_type3A_99, %cond3A_100 : i32
      scf.if %cond3A_101 {
        %add3A_164 = arith.constant 4 : i32
        %add3A_165 = arith.addi %add3A_72, %add3A_164 : i32
        %mul3A_166 = arith.constant 8 : i32
        %mul3A_167 = arith.muli %add3A_165, %mul3A_166 : i32
        %add3A_168 = arith.addi %mul3A_2, %mul3A_167 : i32
        %dma_start3A_169 = arith.constant 0 : i32
        %dma_start3A_170 = tpu.memref_slice %arg2[%add3A_168, %dma_start3A_169] : memref<16384x2048xf32, #tpu.memory_space<hbm>> -> memref<8x2048xf32, #tpu.memory_space<hbm>>
        %dma_start3A_171 = arith.constant 0 : i32
        %dma_start3A_172 = tpu.memref_slice %arg2[%add3A_168, %dma_start3A_171] : memref<16384x2048xf32, #tpu.memory_space<hbm>> -> memref<8x2048xf32, #tpu.memory_space<hbm>>
        tpu.enqueue_dma source(%dma_start3A_172 : memref<8x2048xf32, #tpu.memory_space<hbm>>) target(%arg7 : memref<8x2048xf32, #tpu.memory_space<vmem>>) target_semaphore(%arg13 : memref<!tpu.dma_semaphore, #tpu.memory_space<semaphore_mem>>)
      } else {
      }
      %add3A_102 = arith.constant 2 : i32
      %add3A_103 = arith.addi %mul3A_44, %add3A_102 : i32
      %mul3A_104 = arith.constant 8 : i32
      %mul3A_105 = arith.muli %add3A_103, %mul3A_104 : i32
      %add3A_106 = arith.addi %mul3A_2, %mul3A_105 : i32
      %dma_wait3A_107 = arith.constant 0 : i32
      %dma_wait3A_108 = tpu.memref_slice %arg2[%add3A_106, %dma_wait3A_107] : memref<16384x2048xf32, #tpu.memory_space<hbm>> -> memref<8x2048xf32, #tpu.memory_space<hbm>>
      %dma_wait3A_109 = arith.constant 0 : i32
      %dma_wait3A_110 = tpu.memref_slice %arg2[%add3A_106, %dma_wait3A_109] : memref<16384x2048xf32, #tpu.memory_space<hbm>> -> memref<8x2048xf32, #tpu.memory_space<hbm>>
      tpu.wait_dma2 semaphore(%arg14 : memref<!tpu.dma_semaphore, #tpu.memory_space<semaphore_mem>>) src(%dma_wait3A_110 : memref<8x2048xf32, #tpu.memory_space<hbm>>) dst(%arg8 : memref<8x2048xf32, #tpu.memory_space<vmem>>)
      %ge3A_111 = arith.constant 2 : i32
      %ge3A_112 = arith.cmpi sge, %add3A_103, %ge3A_111 : i32
      %convert_element_type3A_113 = arith.extui %ge3A_112 : i1 to i32
      %cond3A_114 = arith.constant 0 : i32
      %cond3A_115 = arith.cmpi ne, %convert_element_type3A_113, %cond3A_114 : i32
      scf.if %cond3A_115 {
        %sub3A = arith.constant 2 : i32
        %sub3A_164 = arith.subi %add3A_103, %sub3A : i32
        %mul3A_165 = arith.constant 8 : i32
        %mul3A_166 = arith.muli %sub3A_164, %mul3A_165 : i32
        %add3A_167 = arith.addi %mul3A_2, %mul3A_166 : i32
        %dma_wait3A_168 = arith.constant 0 : i32
        %dma_wait3A_169 = tpu.memref_slice %arg4[%add3A_167, %dma_wait3A_168] : memref<16384x2048xf32, #tpu.memory_space<hbm>> -> memref<8x2048xf32, #tpu.memory_space<hbm>>
        %dma_wait3A_170 = arith.constant 0 : i32
        %dma_wait3A_171 = tpu.memref_slice %arg4[%add3A_167, %dma_wait3A_170] : memref<16384x2048xf32, #tpu.memory_space<hbm>> -> memref<8x2048xf32, #tpu.memory_space<hbm>>
        tpu.wait_dma2 semaphore(%arg16 : memref<!tpu.dma_semaphore, #tpu.memory_space<semaphore_mem>>) src(%arg10 : memref<8x2048xf32, #tpu.memory_space<vmem>>) dst(%dma_wait3A_171 : memref<8x2048xf32, #tpu.memory_space<hbm>>)
      } else {
      }
      %parallel_loop3A_116 = arith.constant 0 : i32
      %parallel_loop3A_117 = arith.constant 128 : i32
      %parallel_loop3A_118 = arith.constant 1 : i32
      scf.for %parallel_loop3A_164 = %parallel_loop3A_116 to %parallel_loop3A_117 step %parallel_loop3A_118  : i32 {
        %parallel_loop3A_165 = arith.constant 16 : i32
        %parallel_loop3A_166 = arith.muli %parallel_loop3A_164, %parallel_loop3A_165 : i32
        %parallel_loop3A_167 = arith.index_cast %parallel_loop3A_166 : i32 to index
        %parallel_loop3A_168 = tpu.vector_load %arg5[%parallel_loop3A_167] {strides = array<i32>} : memref<2048xi32, #tpu.memory_space<vmem>>, vector<16xi32>,
        %parallel_loop3A_169 = arith.constant 16 : i32
        %parallel_loop3A_170 = arith.muli %parallel_loop3A_164, %parallel_loop3A_169 : i32
        %parallel_loop3A_171 = arith.constant 0 : i32
        %parallel_loop3A_172 = arith.index_cast %parallel_loop3A_171 : i32 to index
        %parallel_loop3A_173 = arith.index_cast %parallel_loop3A_170 : i32 to index
        %parallel_loop3A_174 = tpu.vector_load %arg8[%parallel_loop3A_172, %parallel_loop3A_173] {strides = array<i32>} : memref<8x2048xf32, #tpu.memory_space<vmem>>, vector<16xf32>,
        %parallel_loop3A_175 = arith.constant 0 : i32
        %parallel_loop3A_176 = vector.broadcast %parallel_loop3A_175 : i32 to vector<16xi32>
        tpu.vector_store_idx %arg10[%parallel_loop3A_176, %parallel_loop3A_168], %parallel_loop3A_174 : memref<8x2048xf32, #tpu.memory_space<vmem>>[vector<16xi32>, vector<16xi32>], vector<16xf32>,
        %parallel_loop3A_177 = arith.constant 1 : i32
        %parallel_loop3A_178 = arith.index_cast %parallel_loop3A_177 : i32 to index
        %parallel_loop3A_179 = arith.index_cast %parallel_loop3A_170 : i32 to index
        %parallel_loop3A_180 = tpu.vector_load %arg8[%parallel_loop3A_178, %parallel_loop3A_179] {strides = array<i32>} : memref<8x2048xf32, #tpu.memory_space<vmem>>, vector<16xf32>,
        %parallel_loop3A_181 = arith.constant 1 : i32
        %parallel_loop3A_182 = vector.broadcast %parallel_loop3A_181 : i32 to vector<16xi32>
        tpu.vector_store_idx %arg10[%parallel_loop3A_182, %parallel_loop3A_168], %parallel_loop3A_180 : memref<8x2048xf32, #tpu.memory_space<vmem>>[vector<16xi32>, vector<16xi32>], vector<16xf32>,
        %parallel_loop3A_183 = arith.constant 2 : i32
        %parallel_loop3A_184 = arith.index_cast %parallel_loop3A_183 : i32 to index
        %parallel_loop3A_185 = arith.index_cast %parallel_loop3A_170 : i32 to index
        %parallel_loop3A_186 = tpu.vector_load %arg8[%parallel_loop3A_184, %parallel_loop3A_185] {strides = array<i32>} : memref<8x2048xf32, #tpu.memory_space<vmem>>, vector<16xf32>,
        %parallel_loop3A_187 = arith.constant 2 : i32
        %parallel_loop3A_188 = vector.broadcast %parallel_loop3A_187 : i32 to vector<16xi32>
        tpu.vector_store_idx %arg10[%parallel_loop3A_188, %parallel_loop3A_168], %parallel_loop3A_186 : memref<8x2048xf32, #tpu.memory_space<vmem>>[vector<16xi32>, vector<16xi32>], vector<16xf32>,
        %parallel_loop3A_189 = arith.constant 3 : i32
        %parallel_loop3A_190 = arith.index_cast %parallel_loop3A_189 : i32 to index
        %parallel_loop3A_191 = arith.index_cast %parallel_loop3A_170 : i32 to index
        %parallel_loop3A_192 = tpu.vector_load %arg8[%parallel_loop3A_190, %parallel_loop3A_191] {strides = array<i32>} : memref<8x2048xf32, #tpu.memory_space<vmem>>, vector<16xf32>,
        %parallel_loop3A_193 = arith.constant 3 : i32
        %parallel_loop3A_194 = vector.broadcast %parallel_loop3A_193 : i32 to vector<16xi32>
        tpu.vector_store_idx %arg10[%parallel_loop3A_194, %parallel_loop3A_168], %parallel_loop3A_192 : memref<8x2048xf32, #tpu.memory_space<vmem>>[vector<16xi32>, vector<16xi32>], vector<16xf32>,
        %parallel_loop3A_195 = arith.constant 4 : i32
        %parallel_loop3A_196 = arith.index_cast %parallel_loop3A_195 : i32 to index
        %parallel_loop3A_197 = arith.index_cast %parallel_loop3A_170 : i32 to index
        %parallel_loop3A_198 = tpu.vector_load %arg8[%parallel_loop3A_196, %parallel_loop3A_197] {strides = array<i32>} : memref<8x2048xf32, #tpu.memory_space<vmem>>, vector<16xf32>,
        %parallel_loop3A_199 = arith.constant 4 : i32
        %parallel_loop3A_200 = vector.broadcast %parallel_loop3A_199 : i32 to vector<16xi32>
        tpu.vector_store_idx %arg10[%parallel_loop3A_200, %parallel_loop3A_168], %parallel_loop3A_198 : memref<8x2048xf32, #tpu.memory_space<vmem>>[vector<16xi32>, vector<16xi32>], vector<16xf32>,
        %parallel_loop3A_201 = arith.constant 5 : i32
        %parallel_loop3A_202 = arith.index_cast %parallel_loop3A_201 : i32 to index
        %parallel_loop3A_203 = arith.index_cast %parallel_loop3A_170 : i32 to index
        %parallel_loop3A_204 = tpu.vector_load %arg8[%parallel_loop3A_202, %parallel_loop3A_203] {strides = array<i32>} : memref<8x2048xf32, #tpu.memory_space<vmem>>, vector<16xf32>,
        %parallel_loop3A_205 = arith.constant 5 : i32
        %parallel_loop3A_206 = vector.broadcast %parallel_loop3A_205 : i32 to vector<16xi32>
        tpu.vector_store_idx %arg10[%parallel_loop3A_206, %parallel_loop3A_168], %parallel_loop3A_204 : memref<8x2048xf32, #tpu.memory_space<vmem>>[vector<16xi32>, vector<16xi32>], vector<16xf32>,
        %parallel_loop3A_207 = arith.constant 6 : i32
        %parallel_loop3A_208 = arith.index_cast %parallel_loop3A_207 : i32 to index
        %parallel_loop3A_209 = arith.index_cast %parallel_loop3A_170 : i32 to index
        %parallel_loop3A_210 = tpu.vector_load %arg8[%parallel_loop3A_208, %parallel_loop3A_209] {strides = array<i32>} : memref<8x2048xf32, #tpu.memory_space<vmem>>, vector<16xf32>,
        %parallel_loop3A_211 = arith.constant 6 : i32
        %parallel_loop3A_212 = vector.broadcast %parallel_loop3A_211 : i32 to vector<16xi32>
        tpu.vector_store_idx %arg10[%parallel_loop3A_212, %parallel_loop3A_168], %parallel_loop3A_210 : memref<8x2048xf32, #tpu.memory_space<vmem>>[vector<16xi32>, vector<16xi32>], vector<16xf32>,
        %parallel_loop3A_213 = arith.constant 7 : i32
        %parallel_loop3A_214 = arith.index_cast %parallel_loop3A_213 : i32 to index
        %parallel_loop3A_215 = arith.index_cast %parallel_loop3A_170 : i32 to index
        %parallel_loop3A_216 = tpu.vector_load %arg8[%parallel_loop3A_214, %parallel_loop3A_215] {strides = array<i32>} : memref<8x2048xf32, #tpu.memory_space<vmem>>, vector<16xf32>,
        %parallel_loop3A_217 = arith.constant 7 : i32
        %parallel_loop3A_218 = vector.broadcast %parallel_loop3A_217 : i32 to vector<16xi32>
        tpu.vector_store_idx %arg10[%parallel_loop3A_218, %parallel_loop3A_168], %parallel_loop3A_216 : memref<8x2048xf32, #tpu.memory_space<vmem>>[vector<16xi32>, vector<16xi32>], vector<16xf32>,
      } {sc.loop_unroll_factor = 8 : i64, sc.parallel_access}
      %mul3A_119 = arith.constant 8 : i32
      %mul3A_120 = arith.muli %add3A_103, %mul3A_119 : i32
      %add3A_121 = arith.addi %mul3A_2, %mul3A_120 : i32
      %dma_start3A_122 = arith.constant 0 : i32
      %dma_start3A_123 = tpu.memref_slice %arg4[%add3A_121, %dma_start3A_122] : memref<16384x2048xf32, #tpu.memory_space<hbm>> -> memref<8x2048xf32, #tpu.memory_space<hbm>>
      %dma_start3A_124 = arith.constant 0 : i32
      %dma_start3A_125 = tpu.memref_slice %arg4[%add3A_121, %dma_start3A_124] : memref<16384x2048xf32, #tpu.memory_space<hbm>> -> memref<8x2048xf32, #tpu.memory_space<hbm>>
      tpu.enqueue_dma source(%arg10 : memref<8x2048xf32, #tpu.memory_space<vmem>>) target(%dma_start3A_125 : memref<8x2048xf32, #tpu.memory_space<hbm>>) target_semaphore(%arg16 : memref<!tpu.dma_semaphore, #tpu.memory_space<semaphore_mem>>)
      %add3A_126 = arith.constant 4 : i32
      %add3A_127 = arith.addi %add3A_103, %add3A_126 : i32
      %lt3A_128 = arith.constant 64 : i32
      %lt3A_129 = arith.cmpi slt, %add3A_127, %lt3A_128 : i32
      %convert_element_type3A_130 = arith.extui %lt3A_129 : i1 to i32
      %cond3A_131 = arith.constant 0 : i32
      %cond3A_132 = arith.cmpi ne, %convert_element_type3A_130, %cond3A_131 : i32
      scf.if %cond3A_132 {
        %add3A_164 = arith.constant 4 : i32
        %add3A_165 = arith.addi %add3A_103, %add3A_164 : i32
        %mul3A_166 = arith.constant 8 : i32
        %mul3A_167 = arith.muli %add3A_165, %mul3A_166 : i32
        %add3A_168 = arith.addi %mul3A_2, %mul3A_167 : i32
        %dma_start3A_169 = arith.constant 0 : i32
        %dma_start3A_170 = tpu.memref_slice %arg2[%add3A_168, %dma_start3A_169] : memref<16384x2048xf32, #tpu.memory_space<hbm>> -> memref<8x2048xf32, #tpu.memory_space<hbm>>
        %dma_start3A_171 = arith.constant 0 : i32
        %dma_start3A_172 = tpu.memref_slice %arg2[%add3A_168, %dma_start3A_171] : memref<16384x2048xf32, #tpu.memory_space<hbm>> -> memref<8x2048xf32, #tpu.memory_space<hbm>>
        tpu.enqueue_dma source(%dma_start3A_172 : memref<8x2048xf32, #tpu.memory_space<hbm>>) target(%arg8 : memref<8x2048xf32, #tpu.memory_space<vmem>>) target_semaphore(%arg14 : memref<!tpu.dma_semaphore, #tpu.memory_space<semaphore_mem>>)
      } else {
      }
      %add3A_133 = arith.constant 3 : i32
      %add3A_134 = arith.addi %mul3A_44, %add3A_133 : i32
      %mul3A_135 = arith.constant 8 : i32
      %mul3A_136 = arith.muli %add3A_134, %mul3A_135 : i32
      %add3A_137 = arith.addi %mul3A_2, %mul3A_136 : i32
      %dma_wait3A_138 = arith.constant 0 : i32
      %dma_wait3A_139 = tpu.memref_slice %arg2[%add3A_137, %dma_wait3A_138] : memref<16384x2048xf32, #tpu.memory_space<hbm>> -> memref<8x2048xf32, #tpu.memory_space<hbm>>
      %dma_wait3A_140 = arith.constant 0 : i32
      %dma_wait3A_141 = tpu.memref_slice %arg2[%add3A_137, %dma_wait3A_140] : memref<16384x2048xf32, #tpu.memory_space<hbm>> -> memref<8x2048xf32, #tpu.memory_space<hbm>>
      tpu.wait_dma2 semaphore(%arg15 : memref<!tpu.dma_semaphore, #tpu.memory_space<semaphore_mem>>) src(%dma_wait3A_141 : memref<8x2048xf32, #tpu.memory_space<hbm>>) dst(%arg9 : memref<8x2048xf32, #tpu.memory_space<vmem>>)
      %ge3A_142 = arith.constant 2 : i32
      %ge3A_143 = arith.cmpi sge, %add3A_134, %ge3A_142 : i32
      %convert_element_type3A_144 = arith.extui %ge3A_143 : i1 to i32
      %cond3A_145 = arith.constant 0 : i32
      %cond3A_146 = arith.cmpi ne, %convert_element_type3A_144, %cond3A_145 : i32
      scf.if %cond3A_146 {
        %sub3A = arith.constant 2 : i32
        %sub3A_164 = arith.subi %add3A_134, %sub3A : i32
        %mul3A_165 = arith.constant 8 : i32
        %mul3A_166 = arith.muli %sub3A_164, %mul3A_165 : i32
        %add3A_167 = arith.addi %mul3A_2, %mul3A_166 : i32
        %dma_wait3A_168 = arith.constant 0 : i32
        %dma_wait3A_169 = tpu.memref_slice %arg4[%add3A_167, %dma_wait3A_168] : memref<16384x2048xf32, #tpu.memory_space<hbm>> -> memref<8x2048xf32, #tpu.memory_space<hbm>>
        %dma_wait3A_170 = arith.constant 0 : i32
        %dma_wait3A_171 = tpu.memref_slice %arg4[%add3A_167, %dma_wait3A_170] : memref<16384x2048xf32, #tpu.memory_space<hbm>> -> memref<8x2048xf32, #tpu.memory_space<hbm>>
        tpu.wait_dma2 semaphore(%arg17 : memref<!tpu.dma_semaphore, #tpu.memory_space<semaphore_mem>>) src(%arg11 : memref<8x2048xf32, #tpu.memory_space<vmem>>) dst(%dma_wait3A_171 : memref<8x2048xf32, #tpu.memory_space<hbm>>)
      } else {
      }
      %parallel_loop3A_147 = arith.constant 0 : i32
      %parallel_loop3A_148 = arith.constant 128 : i32
      %parallel_loop3A_149 = arith.constant 1 : i32
      scf.for %parallel_loop3A_164 = %parallel_loop3A_147 to %parallel_loop3A_148 step %parallel_loop3A_149  : i32 {
        %parallel_loop3A_165 = arith.constant 16 : i32
        %parallel_loop3A_166 = arith.muli %parallel_loop3A_164, %parallel_loop3A_165 : i32
        %parallel_loop3A_167 = arith.index_cast %parallel_loop3A_166 : i32 to index
        %parallel_loop3A_168 = tpu.vector_load %arg5[%parallel_loop3A_167] {strides = array<i32>} : memref<2048xi32, #tpu.memory_space<vmem>>, vector<16xi32>,
        %parallel_loop3A_169 = arith.constant 16 : i32
        %parallel_loop3A_170 = arith.muli %parallel_loop3A_164, %parallel_loop3A_169 : i32
        %parallel_loop3A_171 = arith.constant 0 : i32
        %parallel_loop3A_172 = arith.index_cast %parallel_loop3A_171 : i32 to index
        %parallel_loop3A_173 = arith.index_cast %parallel_loop3A_170 : i32 to index
        %parallel_loop3A_174 = tpu.vector_load %arg9[%parallel_loop3A_172, %parallel_loop3A_173] {strides = array<i32>} : memref<8x2048xf32, #tpu.memory_space<vmem>>, vector<16xf32>,
        %parallel_loop3A_175 = arith.constant 0 : i32
        %parallel_loop3A_176 = vector.broadcast %parallel_loop3A_175 : i32 to vector<16xi32>
        tpu.vector_store_idx %arg11[%parallel_loop3A_176, %parallel_loop3A_168], %parallel_loop3A_174 : memref<8x2048xf32, #tpu.memory_space<vmem>>[vector<16xi32>, vector<16xi32>], vector<16xf32>,
        %parallel_loop3A_177 = arith.constant 1 : i32
        %parallel_loop3A_178 = arith.index_cast %parallel_loop3A_177 : i32 to index
        %parallel_loop3A_179 = arith.index_cast %parallel_loop3A_170 : i32 to index
        %parallel_loop3A_180 = tpu.vector_load %arg9[%parallel_loop3A_178, %parallel_loop3A_179] {strides = array<i32>} : memref<8x2048xf32, #tpu.memory_space<vmem>>, vector<16xf32>,
        %parallel_loop3A_181 = arith.constant 1 : i32
        %parallel_loop3A_182 = vector.broadcast %parallel_loop3A_181 : i32 to vector<16xi32>
        tpu.vector_store_idx %arg11[%parallel_loop3A_182, %parallel_loop3A_168], %parallel_loop3A_180 : memref<8x2048xf32, #tpu.memory_space<vmem>>[vector<16xi32>, vector<16xi32>], vector<16xf32>,
        %parallel_loop3A_183 = arith.constant 2 : i32
        %parallel_loop3A_184 = arith.index_cast %parallel_loop3A_183 : i32 to index
        %parallel_loop3A_185 = arith.index_cast %parallel_loop3A_170 : i32 to index
        %parallel_loop3A_186 = tpu.vector_load %arg9[%parallel_loop3A_184, %parallel_loop3A_185] {strides = array<i32>} : memref<8x2048xf32, #tpu.memory_space<vmem>>, vector<16xf32>,
        %parallel_loop3A_187 = arith.constant 2 : i32
        %parallel_loop3A_188 = vector.broadcast %parallel_loop3A_187 : i32 to vector<16xi32>
        tpu.vector_store_idx %arg11[%parallel_loop3A_188, %parallel_loop3A_168], %parallel_loop3A_186 : memref<8x2048xf32, #tpu.memory_space<vmem>>[vector<16xi32>, vector<16xi32>], vector<16xf32>,
        %parallel_loop3A_189 = arith.constant 3 : i32
        %parallel_loop3A_190 = arith.index_cast %parallel_loop3A_189 : i32 to index
        %parallel_loop3A_191 = arith.index_cast %parallel_loop3A_170 : i32 to index
        %parallel_loop3A_192 = tpu.vector_load %arg9[%parallel_loop3A_190, %parallel_loop3A_191] {strides = array<i32>} : memref<8x2048xf32, #tpu.memory_space<vmem>>, vector<16xf32>,
        %parallel_loop3A_193 = arith.constant 3 : i32
        %parallel_loop3A_194 = vector.broadcast %parallel_loop3A_193 : i32 to vector<16xi32>
        tpu.vector_store_idx %arg11[%parallel_loop3A_194, %parallel_loop3A_168], %parallel_loop3A_192 : memref<8x2048xf32, #tpu.memory_space<vmem>>[vector<16xi32>, vector<16xi32>], vector<16xf32>,
        %parallel_loop3A_195 = arith.constant 4 : i32
        %parallel_loop3A_196 = arith.index_cast %parallel_loop3A_195 : i32 to index
        %parallel_loop3A_197 = arith.index_cast %parallel_loop3A_170 : i32 to index
        %parallel_loop3A_198 = tpu.vector_load %arg9[%parallel_loop3A_196, %parallel_loop3A_197] {strides = array<i32>} : memref<8x2048xf32, #tpu.memory_space<vmem>>, vector<16xf32>,
        %parallel_loop3A_199 = arith.constant 4 : i32
        %parallel_loop3A_200 = vector.broadcast %parallel_loop3A_199 : i32 to vector<16xi32>
        tpu.vector_store_idx %arg11[%parallel_loop3A_200, %parallel_loop3A_168], %parallel_loop3A_198 : memref<8x2048xf32, #tpu.memory_space<vmem>>[vector<16xi32>, vector<16xi32>], vector<16xf32>,
        %parallel_loop3A_201 = arith.constant 5 : i32
        %parallel_loop3A_202 = arith.index_cast %parallel_loop3A_201 : i32 to index
        %parallel_loop3A_203 = arith.index_cast %parallel_loop3A_170 : i32 to index
        %parallel_loop3A_204 = tpu.vector_load %arg9[%parallel_loop3A_202, %parallel_loop3A_203] {strides = array<i32>} : memref<8x2048xf32, #tpu.memory_space<vmem>>, vector<16xf32>,
        %parallel_loop3A_205 = arith.constant 5 : i32
        %parallel_loop3A_206 = vector.broadcast %parallel_loop3A_205 : i32 to vector<16xi32>
        tpu.vector_store_idx %arg11[%parallel_loop3A_206, %parallel_loop3A_168], %parallel_loop3A_204 : memref<8x2048xf32, #tpu.memory_space<vmem>>[vector<16xi32>, vector<16xi32>], vector<16xf32>,
        %parallel_loop3A_207 = arith.constant 6 : i32
        %parallel_loop3A_208 = arith.index_cast %parallel_loop3A_207 : i32 to index
        %parallel_loop3A_209 = arith.index_cast %parallel_loop3A_170 : i32 to index
        %parallel_loop3A_210 = tpu.vector_load %arg9[%parallel_loop3A_208, %parallel_loop3A_209] {strides = array<i32>} : memref<8x2048xf32, #tpu.memory_space<vmem>>, vector<16xf32>,
        %parallel_loop3A_211 = arith.constant 6 : i32
        %parallel_loop3A_212 = vector.broadcast %parallel_loop3A_211 : i32 to vector<16xi32>
        tpu.vector_store_idx %arg11[%parallel_loop3A_212, %parallel_loop3A_168], %parallel_loop3A_210 : memref<8x2048xf32, #tpu.memory_space<vmem>>[vector<16xi32>, vector<16xi32>], vector<16xf32>,
        %parallel_loop3A_213 = arith.constant 7 : i32
        %parallel_loop3A_214 = arith.index_cast %parallel_loop3A_213 : i32 to index
        %parallel_loop3A_215 = arith.index_cast %parallel_loop3A_170 : i32 to index
        %parallel_loop3A_216 = tpu.vector_load %arg9[%parallel_loop3A_214, %parallel_loop3A_215] {strides = array<i32>} : memref<8x2048xf32, #tpu.memory_space<vmem>>, vector<16xf32>,
        %parallel_loop3A_217 = arith.constant 7 : i32
        %parallel_loop3A_218 = vector.broadcast %parallel_loop3A_217 : i32 to vector<16xi32>
        tpu.vector_store_idx %arg11[%parallel_loop3A_218, %parallel_loop3A_168], %parallel_loop3A_216 : memref<8x2048xf32, #tpu.memory_space<vmem>>[vector<16xi32>, vector<16xi32>], vector<16xf32>,
      } {sc.loop_unroll_factor = 8 : i64, sc.parallel_access}
      %mul3A_150 = arith.constant 8 : i32
      %mul3A_151 = arith.muli %add3A_134, %mul3A_150 : i32
      %add3A_152 = arith.addi %mul3A_2, %mul3A_151 : i32
      %dma_start3A_153 = arith.constant 0 : i32
      %dma_start3A_154 = tpu.memref_slice %arg4[%add3A_152, %dma_start3A_153] : memref<16384x2048xf32, #tpu.memory_space<hbm>> -> memref<8x2048xf32, #tpu.memory_space<hbm>>
      %dma_start3A_155 = arith.constant 0 : i32
      %dma_start3A_156 = tpu.memref_slice %arg4[%add3A_152, %dma_start3A_155] : memref<16384x2048xf32, #tpu.memory_space<hbm>> -> memref<8x2048xf32, #tpu.memory_space<hbm>>
      tpu.enqueue_dma source(%arg11 : memref<8x2048xf32, #tpu.memory_space<vmem>>) target(%dma_start3A_156 : memref<8x2048xf32, #tpu.memory_space<hbm>>) target_semaphore(%arg17 : memref<!tpu.dma_semaphore, #tpu.memory_space<semaphore_mem>>)
      %add3A_157 = arith.constant 4 : i32
      %add3A_158 = arith.addi %add3A_134, %add3A_157 : i32
      %lt3A_159 = arith.constant 64 : i32
      %lt3A_160 = arith.cmpi slt, %add3A_158, %lt3A_159 : i32
      %convert_element_type3A_161 = arith.extui %lt3A_160 : i1 to i32
      %cond3A_162 = arith.constant 0 : i32
      %cond3A_163 = arith.cmpi ne, %convert_element_type3A_161, %cond3A_162 : i32
      scf.if %cond3A_163 {
        %add3A_164 = arith.constant 4 : i32
        %add3A_165 = arith.addi %add3A_134, %add3A_164 : i32
        %mul3A_166 = arith.constant 8 : i32
        %mul3A_167 = arith.muli %add3A_165, %mul3A_166 : i32
        %add3A_168 = arith.addi %mul3A_2, %mul3A_167 : i32
        %dma_start3A_169 = arith.constant 0 : i32
        %dma_start3A_170 = tpu.memref_slice %arg2[%add3A_168, %dma_start3A_169] : memref<16384x2048xf32, #tpu.memory_space<hbm>> -> memref<8x2048xf32, #tpu.memory_space<hbm>>
        %dma_start3A_171 = arith.constant 0 : i32
        %dma_start3A_172 = tpu.memref_slice %arg2[%add3A_168, %dma_start3A_171] : memref<16384x2048xf32, #tpu.memory_space<hbm>> -> memref<8x2048xf32, #tpu.memory_space<hbm>>
        tpu.enqueue_dma source(%dma_start3A_172 : memref<8x2048xf32, #tpu.memory_space<hbm>>) target(%arg9 : memref<8x2048xf32, #tpu.memory_space<vmem>>) target_semaphore(%arg15 : memref<!tpu.dma_semaphore, #tpu.memory_space<semaphore_mem>>)
      } else {
      }
    }
    %scan3A_30 = arith.constant 16 : i32
    %add3A_31 = arith.constant 496 : i32
    %add3A_32 = arith.addi %mul3A_2, %add3A_31 : i32
    %dma_wait3A = arith.constant 0 : i32
    %dma_wait3A_33 = tpu.memref_slice %arg4[%add3A_32, %dma_wait3A] : memref<16384x2048xf32, #tpu.memory_space<hbm>> -> memref<8x2048xf32, #tpu.memory_space<hbm>>
    %dma_wait3A_34 = arith.constant 0 : i32
    %dma_wait3A_35 = tpu.memref_slice %arg4[%add3A_32, %dma_wait3A_34] : memref<16384x2048xf32, #tpu.memory_space<hbm>> -> memref<8x2048xf32, #tpu.memory_space<hbm>>
    tpu.wait_dma2 semaphore(%arg16 : memref<!tpu.dma_semaphore, #tpu.memory_space<semaphore_mem>>) src(%arg10 : memref<8x2048xf32, #tpu.memory_space<vmem>>) dst(%dma_wait3A_35 : memref<8x2048xf32, #tpu.memory_space<hbm>>)
    %add3A_36 = arith.constant 504 : i32
    %add3A_37 = arith.addi %mul3A_2, %add3A_36 : i32
    %dma_wait3A_38 = arith.constant 0 : i32
    %dma_wait3A_39 = tpu.memref_slice %arg4[%add3A_37, %dma_wait3A_38] : memref<16384x2048xf32, #tpu.memory_space<hbm>> -> memref<8x2048xf32, #tpu.memory_space<hbm>>
    %dma_wait3A_40 = arith.constant 0 : i32
    %dma_wait3A_41 = tpu.memref_slice %arg4[%add3A_37, %dma_wait3A_40] : memref<16384x2048xf32, #tpu.memory_space<hbm>> -> memref<8x2048xf32, #tpu.memory_space<hbm>>
    tpu.wait_dma2 semaphore(%arg17 : memref<!tpu.dma_semaphore, #tpu.memory_space<semaphore_mem>>) src(%arg11 : memref<8x2048xf32, #tpu.memory_space<vmem>>) dst(%dma_wait3A_41 : memref<8x2048xf32, #tpu.memory_space<hbm>>)
    return
  }
}

</mosaic_0001>

<sc_bundles>
// kernel: kernel.3.cloned.1.call-start
scs
__scs_entry_jumppad:
0x0: {  	(pc) =	sbr.rel $0x88, $3  }
0x1: {  	(tag) =	ssettag $0x0;
	lr =	simm.s32 $0x1  }
0x2: {  	[smem:$0x3F9F] =	sst lr;
	_ =	strace $0xD0000000  }
0x3: {  	_ = 	snop  }
0x4: {  	_ = 	snop  }
0x5: {  	_ = 	snop  }
0x6: {  	_ = 	snop  }
0x7: {  	_ = 	snop  }
__scs_overlays_trampoline_lowered:
0x8: {  	[smem:$0x3FAE] =	sst s0  }
0x9: {  	[smem:$0x3FAF] =	sst s1  }
0xa: {  	[smem:$0x3FB0] =	sst s2  }
0xb: {  	[smem:$0x3FB1] =	sst s3  }
0xc: {  	[smem:$0x3FB2] =	sst s4  }
0xd: {  	[smem:$0x3FB3] =	sst s5  }
0xe: {  	[smem:$0x3FB4] =	sst s6  }
0xf: {  	[smem:$0x3FB5] =	sst s7  }
0x10: {  	[smem:$0x3FB6] =	sst s8  }
0x11: {  	[smem:$0x3FB7] =	sst s9;
	s0 =	simm.s32 @!p0 $0x0  }
0x12: {  	s1 =	sld [smem:$0x3F9D];
	s0 =	simm.s32 @p0 $0x1  }
0x13: {  	[smem:$0x3FB8] =	sst s0;
	s0 =	simm.s32 @!p1 $0x0  }
0x14: {  	s2 =	sld [smem:$0x3F9C];
	s0 =	simm.s32 @p1 $0x1  }
0x15: {  	[smem:$0x3FB9] =	sst s0;
	s0 =	simm.s32 @!p2 $0x0  }
0x16: {  	s3 =	sld [smem:$0x3FDB];
	s0 =	simm.s32 @p2 $0x1  }
0x17: {  	s4 =	simm.s32 $0x1BF5;
	[smem:$0x3FBB] =	sst s0  }
0x18: {  	s0 =	sld [smem:$0x3F9E];
	_ =	swait.ge [sflag:s4], $0x0  }
0x19: {  	s7 =	sld [smem:$0x3F9F]  }
0x1a: {  	s8 =	sadd.s32 $0xFFFFE003, lr  }
0x1b: {  	s9 =	sadd.s32 $0xFFFFFEF7, lr;
	s5 =	simm.s32 $0xFFFFFFFF;
	p2 =	slt.u32 s8, $0xFFFFF086  }
0x1c: {  	p1 =	slt.u32 s9, $0xF7A;
	s5 =	simm.s32 @!p2 $0x0  }
0x1d: {  	s5 =	simm.s32 @p1 $0x1;
	p0 =	seq.s32 s7, s2  }
0x1e: {  	s7 =	smul.u32 @!p0 $0xF7A, s2;
	p2 =	seq.s32 @!p0 s5, $0x0  }
0x1f: {  	s9 =	smul.u32 $0xF7A, s1;
	s8 =	simm.s32 @!p0 $0x1BF5;
	p2 =	por !p2, p0  }
0x20: {  	[sflag:s8] =	ssyncset.s32 @!p0 $0xFFFFF086;
	s6 =	sadd.s32 @!p0 s3, s7;
	s7 =	simm.s32 @!p0 $0x108  }
0x21: {  	s3 =	sadd.s32 s3, s9;
	s6 =	sadd.s32 @!p0 $0x88, s6;
	s7 =	simm.s32 @p2 $0x1082  }
0x22: {  	[simem:s7], [sflag:s8] =	dma.local @!p0 [hbm:s6], $0xF7A  }
0x23: {  	s9 =	sor.u32 $0xD0000000, s2;
	s6 =	simm.s32 $0x108;
	_ =	swait.ge @!p0 [sflag:s8], $0x0  }
0x24: {  	s3 =	sadd.s32 $0x88, s3;
	s6 =	simm.s32 @!p1 $0x1082;
	[sflag:s4] =	ssyncset.s32 $0xFFFFF086  }
0x25: {  	[simem:s6], [sflag:s4] =	dma.local [hbm:s3], $0xF7A  }
0x26: {  	[smem:$0x3F9F] =	sst s1;
	(tag) =	ssettag s2;
	_ =	strace s9  }
0x27: {  	s1 =	sld [smem:$0x3FAF]  }
0x28: {  	s2 =	sld [smem:$0x3FB0]  }
0x29: {  	s4 =	sld [smem:$0x3FB2]  }
0x2a: {  	p0 =	seq.s32 s5, $0x0;
	s5 =	sld [smem:$0x3FB3]  }
0x2b: {  	s6 =	sld [smem:$0x3FB4]  }
0x2c: {  	s7 =	sld [smem:$0x3FB5]  }
0x2d: {  	s3 =	simm.s32 $0x108;
	s8 =	sld [smem:$0x3FB6]  }
0x2e: {  	s3 =	simm.s32 @!p0 $0x1082;
	s9 =	sld [smem:$0x3FB7]  }
0x2f: {  	lr =	sadd.s32 s0, s3;
	s0 =	sld [smem:$0x3FAE]  }
0x30: {  	s3 =	sld [smem:$0x3FB1]  }
0x31: {  	[smem:$0x3FBA] =	sst s10  }
0x32: {  	s10 =	sld [smem:$0x3FB8];
	_ =	sdelay $0x3  }
0x33: {  	p0 =	seq.s32 s10, $0x1;
	s10 =	sld [smem:$0x3FBA];
	_ =	sdelay $0x3  }
0x34: {  	[smem:$0x3FBA] =	sst s10  }
0x35: {  	s10 =	sld [smem:$0x3FB9];
	_ =	sdelay $0x3  }
0x36: {  	p1 =	seq.s32 s10, $0x1;
	s10 =	sld [smem:$0x3FBA];
	_ =	sdelay $0x3  }
0x37: {  	[smem:$0x3FBA] =	sst s10  }
0x38: {  	s10 =	sld [smem:$0x3FBB]  }
0x39: {  	_ = 	snop;
	(pc) =	sbr.ind lr, $3  }
0x3a: {  	_ = 	snop  }
0x3b: {  	_ = 	snop  }
0x3c: {  	p2 =	seq.s32 s10, $0x1;
	s10 =	sld [smem:$0x3FBA]  }
0x3d: {  	_ =	shalt  }
0x3e: {  	_ =	shalt  }
0x3f: {  	_ =	shalt  }
0x40: {  	_ =	shalt  }
0x41: {  	_ =	shalt  }
0x42: {  	_ =	shalt  }
0x43: {  	_ =	shalt  }
0x44: {  	_ =	shalt  }
0x45: {  	_ =	shalt  }
0x46: {  	_ =	shalt  }
0x47: {  	_ =	shalt  }
0x48: {  	_ =	shalt  }
0x49: {  	_ =	shalt  }
0x4a: {  	_ =	shalt  }
0x4b: {  	_ =	shalt  }
0x4c: {  	_ =	shalt  }
0x4d: {  	_ =	shalt  }
0x4e: {  	_ =	shalt  }
0x4f: {  	_ =	shalt  }
0x50: {  	_ =	shalt  }
0x51: {  	_ =	shalt  }
0x52: {  	_ =	shalt  }
0x53: {  	_ =	shalt  }
0x54: {  	_ =	shalt  }
0x55: {  	_ =	shalt  }
0x56: {  	_ =	shalt  }
0x57: {  	_ =	shalt  }
0x58: {  	_ =	shalt  }
0x59: {  	_ =	shalt  }
0x5a: {  	_ =	shalt  }
0x5b: {  	_ =	shalt  }
0x5c: {  	_ =	shalt  }
0x5d: {  	_ =	shalt  }
0x5e: {  	_ =	shalt  }
0x5f: {  	_ =	shalt  }
0x60: {  	_ =	shalt  }
0x61: {  	_ =	shalt  }
0x62: {  	_ =	shalt  }
0x63: {  	_ =	shalt  }
0x64: {  	_ =	shalt  }
0x65: {  	_ =	shalt  }
0x66: {  	_ =	shalt  }
0x67: {  	_ =	shalt  }
0x68: {  	_ =	shalt  }
0x69: {  	_ =	shalt  }
0x6a: {  	_ =	shalt  }
0x6b: {  	_ =	shalt  }
0x6c: {  	_ =	shalt  }
0x6d: {  	_ =	shalt  }
0x6e: {  	_ =	shalt  }
0x6f: {  	_ =	shalt  }
0x70: {  	_ =	shalt  }
0x71: {  	_ =	shalt  }
0x72: {  	_ =	shalt  }
0x73: {  	_ =	shalt  }
0x74: {  	_ =	shalt  }
0x75: {  	_ =	shalt  }
0x76: {  	_ =	shalt  }
0x77: {  	_ =	shalt  }
0x78: {  	_ =	shalt  }
0x79: {  	_ =	shalt  }
0x7a: {  	_ =	shalt  }
0x7b: {  	_ =	shalt  }
0x7c: {  	_ =	shalt  }
0x7d: {  	_ =	shalt  }
0x7e: {  	_ =	shalt  }
0x7f: {  	_ =	shalt  }
0x80: {  	_ =	shalt  }
0x81: {  	_ =	shalt  }
0x82: {  	_ =	shalt  }
0x83: {  	_ =	shalt  }
0x84: {  	_ =	shalt  }
0x85: {  	_ =	shalt  }
0x86: {  	_ =	shalt  }
0x87: {  	_ =	shalt  }
.Lfunc_end0:
.L_simem_size_0:
called_computation_lowered:
.L_overlay_start_0:
0x88: {  	s2 =	sld [smem:$0x3FD9]  }
0x89: {  	s3 =	sld [smem:$0x3FFE];
	_ =	sdelay $0x1  }
0x8a: {  	s1 =	srdreg.scid  }
0x8b: {  	s0 =	sand.u32 $0x1, s1  }
0x8c: {  	s18 =	sshll.u32 s0, $0xA;
	s2 =	sadd.s32 s3, s2  }
0x8d: {  	s2 =	sadd.s32 s2, s18  }
0x8e: {  	[smem:$0x3FC6] =	sst s2  }
0x8f: {  	_ = 	snop  }
0x90: {  	s2 =	sld [smem:$0x3FC9]  }
0x91: {  	s19 =	sld [smem:$0x3FC8]  }
0x92: {  	s4 =	sld [smem:$0x3FD0];
	(tm) =	ssettm $0x1  }
0x93: {  	s5 =	sld [smem:$0x3FFB];
	_ =	sdelay $0x3  }
0x94: {  	_ =	strace s5  }
0x95: {  	s5 =	sld [smem:$0x3FFC];
	_ =	sdelay $0x3  }
0x96: {  	_ =	strace s5  }
0x97: {  	s5 =	sld [smem:$0x3FFD];
	_ =	sdelay $0x3  }
0x98: {  	_ =	strace s5  }
0x99: {  	_ =	strace $0x8FFFFFFF  }
0x9a: {  	s20 =	sld [smem:$0x3FDB];
	_ =	sdelay $0x1  }
0x9b: {  	s6 =	simm.s32 $_scs_section_size  }
0x9c: {  	s7 =	simm.s32 $_size__tile_overlayer_lowered;
	s8 =	simm.s32 $_tile_overlayer_lowered  }
0x9d: {  	s23 =	simm.s32 $0x1BFF;
	s22 =	sshll.u32 s8, $0x1;
	s5 =	sadd.s32 s6, s20  }
0x9e: {  	s9 =	simm.s32 $0x0;
	s21 =	sshll.u32 s7, $0x1;
	s7 =	sadd.s32 s22, s5  }
0x9f: {  	[timem:s9], [sflag:s23] =	dma.local [hbm:s7], s21  }
0xa0: {  	_ =	swait.ge [sflag:s23], s21  }
0xa1: {  	s6 =	ssub.s32 $0x0, s21;
	[sflag:s23] =	ssyncset.done $0x0  }
0xa2: {  	[sflag:s23] =	ssyncadd.s32 s6;
	_ =	sdelay $0x1  }
0xa3: {  	s24 =	simm.s32 $0x1B8B  }
0xa4: {  	_ =	swait.ge [sflag:s24], $0x1  }
0xa5: {  	[sflag:s24] =	ssyncset.done $0x0  }
0xa6: {  	s25 =	simm.s32 $0x1B8E;
	[sflag:s24] =	ssyncadd.s32 $0xFFFFFFFF  }
0xa7: {  	s26 =	simm.s32 $execute0_lowered;
	[smem:$0x3FD2] =	sst s25  }
0xa8: {  	s6 =	sshll.u32 s26, $0x1;
	_ =	strace $0x80000046;
	[dreg:$0x1] =	wrdreg $0xFFFFFFFF  }
0xa9: {  	s28 =	simm.s32 $_size_execute0_lowered;
	s5 =	sadd.s32 s5, s6;
	[dreg:$0x0] =	wrdreg $0x0  }
0xaa: {  	s6 =	sshll.u32 s28, $0x1;
	[dreg:$0x2] =	wrdreg s5  }
0xab: {  	[dreg:$0x3] =	wrdreg s6  }
0xac: {  	[dreg:$0x4] =	wrdreg $0xC0  }
0xad: {  	_ =	task [dreg:s9], $0x5FFFF  }
0xae: {  	[dreg:$0x1] =	wrdreg $0xFFFFFFFF  }
0xaf: {  	[dreg:$0x0] =	wrdreg $0x60  }
0xb0: {  	[dreg:$0x2] =	wrdreg s2  }
0xb1: {  	[dreg:$0x3] =	wrdreg s19  }
0xb2: {  	[dreg:$0x4] =	wrdreg s4  }
0xb3: {  	[dreg:$0x5] =	wrdreg $0x9  }
0xb4: {  	_ =	task.clear_ibuf [dreg:s9], $0x6FFFF;
	_ =	strace $0x90000046  }
0xb5: {  	s29 =	simm.s32 $0x9;
	_ =	strace $0x80000048  }
0xb6: {  	_ =	swait.ge [sflag:s29], $0x1  }
0xb7: {  	[sflag:s29] =	ssyncadd.s32 $0xFFFFFFFF  }
0xb8: {  	_ =	strace $0x90000048  }
0xb9: {  	_ =	sfence  }
0xba: {  	s30 =	sld [smem:$0x0];
	_ =	sdelay $0x2  }
0xbb: {  	s31 =	sshll.u32 s1, $0xD;
	s1 =	sshrl.u32 s1, $0x2  }
0xbc: {  	s3 =	sand.u32 $0x4000, s31;
	s1 =	sadd.s32 s1, s30  }
0xbd: {  	s0 =	sor.u32 s3, s0;
	s1 =	sshll.u32 s1, $0x11  }
0xbe: {  	s0 =	sor.u32 s1, s0  }
0xbf: {  	s0 =	sadd.s32 $0x8F2B, s0  }
0xc0: {  	[sflag:s0] =	ssyncadd.remote.s32 $0x1  }
0xc1: {  	_ =	sfence.sel $0xFFFF  }
0xc2: {  	[dreg:$0x0] =	wrdreg $0xFFFFFFFF;
	(pc) =	sbr.abs _section_cstart, $3  }
0xc3: {  	[dreg:$0x1] =	wrdreg $0xFFFFFFFF  }
0xc4: {  	_ =	task.clear_ibuf [dreg:s9], $0x2FFFF;
	_ =	strace $0x9FFFFFFF  }
0xc5: {  	(tm) =	ssettm $0x7FFFFFFF  }
tec
execute0_lowered:
.L_overlay_start_1:
0x0: {  	(tag) =	ssettag $0x1  }
0x1: {  	s2 =	rddreg [dreg:$0x0];
	s0 =	srdreg.scid  }
0x2: {  	s4 =	rddreg [dreg:$0x2];
	s1 =	stileid.u32  }
0x3: {  	s5 =	simm.s32 $0x0;
	s17 =	simm.s32 $0x7;
	s21 =	simm.s32 $0xC800  }
0x4: {  	s22 =	simm.s32 $0x1;
	s28 =	simm.s32 $0x5;
	s29 =	simm.s32 $0x4  }
0x5: {  	s30 =	simm.s32 $0x6;
	s31 =	simm.s32 $0x0;
	s0 =	sand.u32 $0x1, s0  }
0x6: {  	s1 =	sshll.u32 s1, $0xA;
	s3 =	sshll.u32 s0, $0x9;
	s0 =	ssub.s32 $0x2, s0  }
0x7: {  	[smem:$0x7FF] =	sst s5;
	s6 =	sor.u32 s3, s1;
	s23 =	sshrl.u32 s0, $0x1  }
0x8: {  	_ =	strace $0x80000047;
	s3 =	sshll.u32 s6, $0x8;
	s0 =	ssub.s32 s0, s23  }
0x9: {  	s26 =	sshrl.u32 s6, $0x3;
	s23 =	simm.s32 $0x10800;
	s7 =	sadd.s32 s2, s3  }
.Ltmp0:
0xa: {  	s11 =	sadd.s32 s4, s3;
	s12 =	sor.u32 $0x4, s26;
	(pc) =	sbr.rel .LBB2_1-.Ltmp0, $4  }
0xb: {  	s13 =	sor.u32 $0x5, s26;
	s14 =	sor.u32 $0x6, s26;
	s15 =	sor.u32 $0x7, s26  }
0xc: {  	s16 =	smax.u32 s0, $0x1;
	s26 =	simm.s32 $0x3;
	s24 =	sadd.s32 $0x800, s7  }
0xd: {  	s25 =	sadd.s32 $0x1000, s7;
	s10 =	sadd.s32 $0x1800, s7;
	[dreg:$0x4] =	wrdreg s24  }
0xe: {  	[dreg:$0x5] =	wrdreg s25;
	s24 =	simm.s32 $0x2;
	s25 =	simm.s32 $0x14800  }
.LBB2_12:
0xf: {  	s31 =	sadd.s32 $0x1, s31  }
0x10: {  	_ =	swait.ge [sflag:s28], $0x4000;
	p0 =	sne.s32 s31, s16  }
.Ltmp1:
0x11: {  	[sflag:s28] =	ssyncset.done $0x0;
	(pc) =	sbr.rel @!p0 .LBB2_13-.Ltmp1, $4  }
0x12: {  	[sflag:s28] =	ssyncadd.s32 $0xFFFFC000  }
0x13: {  	_ =	swait.ge [sflag:s30], $0x4000  }
0x14: {  	[sflag:s30] =	ssyncset.done $0x0  }
0x15: {  	[sflag:s30] =	ssyncadd.s32 $0xFFFFC000  }
.LBB2_1:
0x16: {  	s0 =	rddreg [dreg:$0x1]  }
0x17: {  	[tilespmem:s5], [sflag:$0x7] =	stream.linear.gather [hbm4b:s0+s5], $0x800, $0x38;
	[tilespmem:$0x18800] =	vst v63  }
0x18: {  	_ =	swait.ge [sflag:s17], $0x800  }
0x19: {  	[sflag:s17] =	ssyncset.done $0x0  }
0x1a: {  	s9 =	simm.s32 $0x800;
	[sflag:s17] =	ssyncadd.s32 $0xFFFFF800  }
0x1b: {  	[tilespmem:s9], [sflag:$0x1] =	stream.linear.gather [hbm4b:s7+s5], $0x4000, $0x38;
	[tilespmem:$0x18800] =	vst v63  }
0x1c: {  	s1 =	simm.s32 $0x4800;
	s18 =	rddreg [dreg:$0x4]  }
0x1d: {  	[tilespmem:s1], [sflag:$0x2] =	stream.linear.gather [hbm4b:s18+s5], $0x4000, $0x38;
	[tilespmem:$0x18800] =	vst v63  }
0x1e: {  	s20 =	simm.s32 $0x8800;
	s19 =	rddreg [dreg:$0x5]  }
0x1f: {  	[tilespmem:s20], [sflag:$0x3] =	stream.linear.gather [hbm4b:s19+s5], $0x4000, $0x38;
	[tilespmem:$0x18800] =	vst v63  }
0x20: {  	s0 =	simm.s32 $0x0  }
0x21: {  	[tilespmem:s21], [sflag:$0x4] =	stream.linear.gather [hbm4b:s10+s5], $0x4000, $0x38;
	[tilespmem:$0x18800] =	vst v63  }
.LBB2_2:
0x22: {  	_ =	swait.ge [sflag:s22], $0x4000  }
0x23: {  	p1 =	seq.s32 s0, $0x0;
	[sflag:s22] =	ssyncset.done $0x0  }
0x24: {  	s1 =	simm.s32 @!p1 $0x5;
	[sflag:s22] =	ssyncadd.s32 $0xFFFFC000  }
0x25: {  	_ =	swait.ge @!p1 [sflag:s1], $0x4000  }
0x26: {  	[sflag:s1] =	ssyncset.done @!p1 $0x0  }
0x27: {  	s3 =	simm.s32 $0x40;
	[sflag:s1] =	ssyncadd.s32 @!p1 $0xFFFFC000  }
0x28: {  	v0 =	vld [tilespmem:s3+$0x30]  }
0x29: {  	v1 =	vld [tilespmem:s3+$0xFFFFFFD0]  }
0x2a: {  	v2 =	vld [tilespmem:s3+$0xFFFFFFE0]  }
0x2b: {  	v3 =	vld [tilespmem:s3+$0xFFFFFFF0]  }
0x2c: {  	s20 =	simm.s32 $0xA00;
	v6 =	vld [tilespmem:s3+$0x0]  }
0x2d: {  	v5 =	vld [tilespmem:s20+$0xFFFFFE70]  }
0x2e: {  	v8 =	vld [tilespmem:s3+$0x10];
	v4 =	vshll.u32 v0, $0x3  }
0x2f: {  	v9 =	vld [tilespmem:s3+$0x20];
	v0 =	vand.u32 $0x7F, v0;
	v4 =	vand.u32 $0xFFFFFC00, v4  }
0x30: {  	v0 =	vor.u32 v0, v4;
	v4 =	vld [tilespmem:s3+$0xFFFFFFC0]  }
0x31: {  	v11 =	vld [tilespmem:s20+$0xFFFFFE00]  }
0x32: {  	v13 =	vld [tilespmem:s20+$0xFFFFFE10];
	v7 =	vshll.u32 v1, $0x3  }
0x33: {  	v16 =	vld [tilespmem:s20+$0xFFFFFE20];
	v10 =	vshll.u32 v2, $0x3;
	v1 =	vand.u32 $0x7F, v1;
	v12 =	vshll.u32 v3, $0x3  }
0x34: {  	s8 =	simm.s32 $0xC0;
	v18 =	vld [tilespmem:s20+$0xFFFFFE30];
	v2 =	vand.u32 $0x7F, v2;
	v17 =	vshll.u32 v6, $0x3;
	v7 =	vand.u32 $0xFFFFFC00, v7  }
0x35: {  	v22 =	vld [tilespmem:s8+$0x10];
	v3 =	vand.u32 $0x7F, v3;
	v1 =	vor.u32 v1, v7;
	[tilespmem:v0+s23+$0x0] =	vst.idx.msk $0xffff, v5;
	v5 =	vshll.u32 v4, $0x3  }
0x36: {  	v15 =	vor.u32 $0x80, v0;
	v4 =	vand.u32 $0x7F, v4;
	v14 =	vld [tilespmem:s20+$0xFFFFFEF0];
	v5 =	vand.u32 $0xFFFFFC00, v5  }
0x37: {  	v27 =	vld [tilespmem:s8+$0xFFFFFFC0];
	v10 =	vand.u32 $0xFFFFFC00, v10;
	v12 =	vand.u32 $0xFFFFFC00, v12;
	s3 =	simm.s32 $0xE00;
	v7 =	vor.u32 v4, v5  }
0x38: {  	v26 =	vld [tilespmem:s3+$0xFFFFFE70];
	v4 =	vand.u32 $0xFFFFFC00, v17;
	v5 =	vor.u32 v2, v10;
	v2 =	vshll.u32 v8, $0x3  }
0x39: {  	v10 =	vld [tilespmem:s20+$0xFFFFFE40];
	v17 =	vand.u32 $0x7F, v6;
	v6 =	vor.u32 v3, v12;
	v8 =	vand.u32 $0x7F, v8  }
0x3a: {  	[tilespmem:v1+s23+$0x0] =	vst.idx.msk $0xffff, v13;
	v12 =	vld [tilespmem:s20+$0xFFFFFE50];
	v3 =	vand.u32 $0xFFFFFC00, v2;
	v2 =	vor.u32 v17, v4;
	v4 =	vshll.u32 v9, $0x3  }
0x3b: {  	v17 =	vld [tilespmem:s20+$0xFFFFFE60];
	v9 =	vand.u32 $0x7F, v9;
	v4 =	vand.u32 $0xFFFFFC00, v4;
	v3 =	vor.u32 v8, v3;
	[tilespmem:v15+s23+$0x0] =	vst.idx.msk $0xffff, v14  }
0x3c: {  	v8 =	vld [tilespmem:s20+$0xFFFFFE90];
	v4 =	vor.u32 v9, v4;
	[tilespmem:v7+s23+$0x0] =	vst.idx.msk $0xffff, v11  }
0x3d: {  	v14 =	vor.u32 $0x100, v0;
	v13 =	vld [tilespmem:s20+$0xFFFFFF70];
	[tilespmem:v5+s23+$0x0] =	vst.idx.msk $0xffff, v16  }
0x3e: {  	[tilespmem:v6+s23+$0x0] =	vst.idx.msk $0xffff, v18;
	v16 =	vor.u32 $0x80, v1;
	v9 =	vld [tilespmem:s20+$0xFFFFFE80]  }
0x3f: {  	v11 =	vor.u32 $0x80, v7;
	v15 =	vld [tilespmem:s20+$0xFFFFFEA0];
	[tilespmem:v2+s23+$0x0] =	vst.idx.msk $0xffff, v10  }
0x40: {  	v18 =	vld [tilespmem:s20+$0xFFFFFEB0];
	v10 =	vor.u32 $0x80, v5;
	[tilespmem:v3+s23+$0x0] =	vst.idx.msk $0xffff, v12  }
0x41: {  	v19 =	vld [tilespmem:s20+$0xFFFFFEC0];
	[tilespmem:v4+s23+$0x0] =	vst.idx.msk $0xffff, v17;
	v17 =	vor.u32 $0x80, v2  }
0x42: {  	v20 =	vld [tilespmem:s20+$0xFFFFFED0];
	[tilespmem:v14+s23+$0x0] =	vst.idx.msk $0xffff, v13;
	v14 =	vor.u32 $0x80, v6  }
0x43: {  	v13 =	vor.u32 $0x180, v0;
	[tilespmem:v16+s23+$0x0] =	vst.idx.msk $0xffff, v8;
	v12 =	vld [tilespmem:s20+$0xFFFFFFF0]  }
0x44: {  	[tilespmem:v11+s23+$0x0] =	vst.idx.msk $0xffff, v9;
	v9 =	vld [tilespmem:s20+$0xFFFFFEE0];
	v11 =	vor.u32 $0x80, v3  }
0x45: {  	v8 =	vor.u32 $0x80, v4;
	v16 =	vld [tilespmem:s20+$0xFFFFFF10];
	[tilespmem:v10+s23+$0x0] =	vst.idx.msk $0xffff, v15  }
0x46: {  	v10 =	vor.u32 $0x100, v7;
	v21 =	vld [tilespmem:s20+$0xFFFFFF00];
	[tilespmem:v17+s23+$0x0] =	vst.idx.msk $0xffff, v19  }
0x47: {  	v15 =	vld [tilespmem:s20+$0xFFFFFF20];
	v17 =	vor.u32 $0x100, v5;
	[tilespmem:v14+s23+$0x0] =	vst.idx.msk $0xffff, v18  }
0x48: {  	v19 =	vld [tilespmem:s20+$0xFFFFFF40];
	v14 =	vor.u32 $0x100, v1;
	[tilespmem:v13+s23+$0x0] =	vst.idx.msk $0xffff, v12  }
0x49: {  	v18 =	vld [tilespmem:s20+$0xFFFFFF30];
	[tilespmem:v11+s23+$0x0] =	vst.idx.msk $0xffff, v20;
	v11 =	vor.u32 $0x100, v6  }
0x4a: {  	[tilespmem:v8+s23+$0x0] =	vst.idx.msk $0xffff, v9;
	v8 =	vor.u32 $0x100, v2;
	v12 =	vld [tilespmem:s20+$0x70]  }
0x4b: {  	v13 =	vor.u32 $0x200, v0;
	v20 =	vld [tilespmem:s20+$0xFFFFFF50];
	[tilespmem:v10+s23+$0x0] =	vst.idx.msk $0xffff, v21  }
0x4c: {  	v9 =	vld [tilespmem:s20+$0xFFFFFF60];
	v10 =	vor.u32 $0x100, v3;
	[tilespmem:v17+s23+$0x0] =	vst.idx.msk $0xffff, v15  }
0x4d: {  	v21 =	vld [tilespmem:s20+$0xFFFFFF80];
	v15 =	vor.u32 $0x180, v7;
	[tilespmem:v14+s23+$0x0] =	vst.idx.msk $0xffff, v16  }
0x4e: {  	v17 =	vld [tilespmem:s20+$0xFFFFFFA0];
	v14 =	vor.u32 $0x100, v4;
	[tilespmem:v11+s23+$0x0] =	vst.idx.msk $0xffff, v18  }
0x4f: {  	v16 =	vld [tilespmem:s20+$0xFFFFFF90];
	v11 =	vor.u32 $0x180, v1;
	[tilespmem:v8+s23+$0x0] =	vst.idx.msk $0xffff, v19  }
0x50: {  	v8 =	vor.u32 $0x180, v5;
	[tilespmem:v13+s23+$0x0] =	vst.idx.msk $0xffff, v12;
	v18 =	vld [tilespmem:s20+$0xFFFFFFB0]  }
0x51: {  	v19 =	vld [tilespmem:s20+$0xFFFFFFC0];
	[tilespmem:v10+s23+$0x0] =	vst.idx.msk $0xffff, v20;
	v10 =	vor.u32 $0x180, v6  }
0x52: {  	v13 =	vor.u32 $0x280, v0;
	v12 =	vld [tilespmem:s20+$0xF0];
	[tilespmem:v15+s23+$0x0] =	vst.idx.msk $0xffff, v21  }
0x53: {  	v20 =	vld [tilespmem:s20+$0xFFFFFFD0];
	v15 =	vor.u32 $0x180, v3;
	[tilespmem:v14+s23+$0x0] =	vst.idx.msk $0xffff, v9  }
0x54: {  	v14 =	vld [tilespmem:s20+$0xFFFFFFE0];
	[tilespmem:v11+s23+$0x0] =	vst.idx.msk $0xffff, v16;
	v11 =	vor.u32 $0x180, v4  }
0x55: {  	v21 =	vld [tilespmem:s20+$0x0];
	[tilespmem:v8+s23+$0x0] =	vst.idx.msk $0xffff, v17;
	v8 =	vor.u32 $0x200, v7  }
0x56: {  	v16 =	vld [tilespmem:s20+$0x10];
	[tilespmem:v10+s23+$0x0] =	vst.idx.msk $0xffff, v18;
	v10 =	vor.u32 $0x200, v1  }
0x57: {  	v17 =	vld [tilespmem:s20+$0x20];
	[tilespmem:v13+s23+$0x0] =	vst.idx.msk $0xffff, v12;
	v13 =	vor.u32 $0x180, v2  }
0x58: {  	v12 =	vor.u32 $0x300, v0;
	[tilespmem:v15+s23+$0x0] =	vst.idx.msk $0xffff, v20;
	v9 =	vld [tilespmem:s20+$0x170]  }
0x59: {  	v20 =	vld [tilespmem:s20+$0x50];
	[tilespmem:v11+s23+$0x0] =	vst.idx.msk $0xffff, v14;
	v11 =	vor.u32 $0x200, v3  }
0x5a: {  	[tilespmem:v8+s23+$0x0] =	vst.idx.msk $0xffff, v21;
	v14 =	vor.u32 $0x200, v4;
	v8 =	vld [tilespmem:s20+$0x60]  }
0x5b: {  	v21 =	vld [tilespmem:s20+$0x80];
	[tilespmem:v10+s23+$0x0] =	vst.idx.msk $0xffff, v16;
	v10 =	vor.u32 $0x280, v7  }
0x5c: {  	v18 =	vld [tilespmem:s20+$0x30];
	[tilespmem:v13+s23+$0x0] =	vst.idx.msk $0xffff, v19;
	v13 =	vor.u32 $0x200, v6  }
0x5d: {  	v16 =	vld [tilespmem:s20+$0x90];
	[tilespmem:v12+s23+$0x0] =	vst.idx.msk $0xffff, v9;
	v9 =	vor.u32 $0x200, v5  }
0x5e: {  	v15 =	vor.u32 $0x200, v2;
	v19 =	vld [tilespmem:s20+$0x40];
	[tilespmem:v11+s23+$0x0] =	vst.idx.msk $0xffff, v20  }
0x5f: {  	v12 =	vld [tilespmem:s20+$0x1F0];
	[tilespmem:v14+s23+$0x0] =	vst.idx.msk $0xffff, v8  }
0x60: {  	v20 =	vld [tilespmem:s20+$0xD0];
	v8 =	vor.u32 $0x280, v3;
	[tilespmem:v10+s23+$0x0] =	vst.idx.msk $0xffff, v21  }
0x61: {  	v14 =	vor.u32 $0x280, v4;
	[tilespmem:v13+s23+$0x0] =	vst.idx.msk $0xffff, v18;
	v10 =	vld [tilespmem:s20+$0xE0]  }
0x62: {  	v21 =	vld [tilespmem:s20+$0x100];
	[tilespmem:v9+s23+$0x0] =	vst.idx.msk $0xffff, v17;
	v9 =	vor.u32 $0x280, v1  }
0x63: {  	v18 =	vld [tilespmem:s20+$0xB0];
	[tilespmem:v15+s23+$0x0] =	vst.idx.msk $0xffff, v19;
	v15 =	vor.u32 $0x280, v6  }
0x64: {  	v13 =	vor.u32 $0x280, v5;
	v17 =	vld [tilespmem:s20+$0xA0]  }
0x65: {  	v11 =	vor.u32 $0x280, v2;
	v19 =	vld [tilespmem:s20+$0xC0];
	[tilespmem:v8+s23+$0x0] =	vst.idx.msk $0xffff, v20  }
0x66: {  	v8 =	vld [tilespmem:s20+$0x150];
	[tilespmem:v14+s23+$0x0] =	vst.idx.msk $0xffff, v10  }
0x67: {  	v10 =	vld [tilespmem:s8+$0x30];
	[tilespmem:v9+s23+$0x0] =	vst.idx.msk $0xffff, v16;
	v9 =	vor.u32 $0x300, v7  }
0x68: {  	v0 =	vor.u32 $0x380, v0;
	[tilespmem:v15+s23+$0x0] =	vst.idx.msk $0xffff, v18;
	v16 =	vld [tilespmem:s20+$0x110]  }
0x69: {  	[tilespmem:v13+s23+$0x0] =	vst.idx.msk $0xffff, v17;
	v13 =	vor.u32 $0x300, v1;
	v18 =	vld [tilespmem:s20+$0x130]  }
0x6a: {  	[tilespmem:v11+s23+$0x0] =	vst.idx.msk $0xffff, v19;
	v11 =	vor.u32 $0x300, v6;
	v17 =	vld [tilespmem:s20+$0x120]  }
0x6b: {  	v15 =	vor.u32 $0x300, v5;
	v19 =	vld [tilespmem:s20+$0x140]  }
0x6c: {  	v24 =	vor.u32 $0x300, v3;
	v23 =	vshll.u32 v10, $0x3;
	[tilespmem:v9+s23+$0x0] =	vst.idx.msk $0xffff, v21;
	v9 =	vld [tilespmem:s20+$0x160]  }
0x6d: {  	[tilespmem:v0+s23+$0x0] =	vst.idx.msk $0xffff, v12;
	v10 =	vand.u32 $0x7F, v10;
	v21 =	vor.u32 $0x300, v2;
	v23 =	vand.u32 $0xFFFFFC00, v23;
	v14 =	vld [tilespmem:s20+$0x180]  }
0x6e: {  	[tilespmem:v13+s23+$0x0] =	vst.idx.msk $0xffff, v16;
	v16 =	vld [tilespmem:s8+$0xFFFFFFD0];
	v10 =	vor.u32 v10, v23  }
0x6f: {  	[tilespmem:v11+s23+$0x0] =	vst.idx.msk $0xffff, v18;
	v18 =	vld [tilespmem:s8+$0xFFFFFFF0];
	v23 =	vor.u32 $0x300, v4  }
0x70: {  	v7 =	vor.u32 $0x380, v7;
	[tilespmem:v15+s23+$0x0] =	vst.idx.msk $0xffff, v17;
	v17 =	vld [tilespmem:s8+$0xFFFFFFE0]  }
0x71: {  	v20 =	vld [tilespmem:s8+$0x0];
	[tilespmem:v24+s23+$0x0] =	vst.idx.msk $0xffff, v8  }
0x72: {  	v0 =	vor.u32 $0x380, v1;
	v13 =	vld [tilespmem:s20+$0x190];
	[tilespmem:v21+s23+$0x0] =	vst.idx.msk $0xffff, v19  }
0x73: {  	v1 =	vor.u32 $0x380, v5;
	v15 =	vld [tilespmem:s20+$0x1A0];
	v21 =	vor.u32 $0x380, v6;
	v5 =	vshll.u32 v16, $0x3;
	[tilespmem:v10+s23+$0x0] =	vst.idx.msk $0xffff, v26  }
0x74: {  	v25 =	vld [tilespmem:s8+$0x20];
	v8 =	vand.u32 $0x7F, v16;
	v28 =	vshll.u32 v18, $0x3;
	[tilespmem:v23+s23+$0x0] =	vst.idx.msk $0xffff, v9;
	v23 =	vor.u32 $0x80, v10  }
0x75: {  	v11 =	vld [tilespmem:s20+$0x1B0];
	[tilespmem:v7+s23+$0x0] =	vst.idx.msk $0xffff, v14;
	v7 =	vand.u32 $0x7F, v27;
	v5 =	vand.u32 $0xFFFFFC00, v5;
	v6 =	vshll.u32 v17, $0x3  }
0x76: {  	v9 =	vand.u32 $0x7F, v17;
	v17 =	vld [tilespmem:s3+$0xFFFFFEF0];
	v16 =	vand.u32 $0xFFFFFC00, v6;
	v6 =	vshll.u32 v27, $0x3  }
0x77: {  	v19 =	vld [tilespmem:s3+$0xFFFFFE10];
	[tilespmem:v0+s23+$0x0] =	vst.idx.msk $0xffff, v13;
	v0 =	vand.u32 $0xFFFFFC00, v28;
	v14 =	vand.u32 $0xFFFFFC00, v6;
	v6 =	vor.u32 v8, v5  }
0x78: {  	v12 =	vld [tilespmem:s3+$0xFFFFFE00];
	v13 =	vshll.u32 v20, $0x3;
	[tilespmem:v1+s23+$0x0] =	vst.idx.msk $0xffff, v15;
	v1 =	vand.u32 $0x7F, v18;
	v8 =	vor.u32 v7, v14  }
0x79: {  	v52 =	vld [tilespmem:s3+$0xFFFFFE20];
	v13 =	vand.u32 $0xFFFFFC00, v13;
	v7 =	vor.u32 v9, v16;
	v9 =	vshll.u32 v22, $0x3  }
0x7a: {  	v29 =	vld [tilespmem:s3+$0xFFFFFE30];
	[tilespmem:v21+s23+$0x0] =	vst.idx.msk $0xffff, v11;
	v16 =	vand.u32 $0x7F, v20;
	v11 =	vor.u32 v1, v0;
	v18 =	vand.u32 $0xFFFFFC00, v9  }
0x7b: {  	v5 =	vld [tilespmem:s3+$0xFFFFFE40];
	v9 =	vor.u32 v16, v13;
	v13 =	vshll.u32 v25, $0x3;
	v16 =	vand.u32 $0x7F, v22;
	[tilespmem:v23+s23+$0x0] =	vst.idx.msk $0xffff, v17  }
0x7c: {  	v14 =	vld [tilespmem:s3+$0xFFFFFE50];
	v21 =	vand.u32 $0x7F, v25;
	v13 =	vand.u32 $0xFFFFFC00, v13;
	v17 =	vor.u32 v16, v18;
	[tilespmem:v6+s23+$0x0] =	vst.idx.msk $0xffff, v19  }
0x7d: {  	v15 =	vld [tilespmem:s3+$0xFFFFFE60];
	v18 =	vor.u32 v21, v13;
	[tilespmem:v8+s23+$0x0] =	vst.idx.msk $0xffff, v12  }
0x7e: {  	v20 =	vor.u32 $0x100, v10;
	v19 =	vld [tilespmem:s3+$0xFFFFFF70];
	[tilespmem:v7+s23+$0x0] =	vst.idx.msk $0xffff, v52  }
0x7f: {  	v22 =	vor.u32 $0x80, v6;
	v12 =	vld [tilespmem:s3+$0xFFFFFE90];
	[tilespmem:v11+s23+$0x0] =	vst.idx.msk $0xffff, v29  }
0x80: {  	v16 =	vor.u32 $0x80, v8;
	v13 =	vld [tilespmem:s3+$0xFFFFFE80];
	[tilespmem:v9+s23+$0x0] =	vst.idx.msk $0xffff, v5  }
0x81: {  	v21 =	vld [tilespmem:s3+$0xFFFFFEA0];
	v5 =	vor.u32 $0x80, v7;
	[tilespmem:v17+s23+$0x0] =	vst.idx.msk $0xffff, v14  }
0x82: {  	v53 =	vld [tilespmem:s3+$0xFFFFFEC0];
	[tilespmem:v18+s23+$0x0] =	vst.idx.msk $0xffff, v15;
	v15 =	vor.u32 $0x80, v9  }
0x83: {  	v23 =	vld [tilespmem:s3+$0xFFFFFEB0];
	[tilespmem:v20+s23+$0x0] =	vst.idx.msk $0xffff, v19;
	v20 =	vor.u32 $0x80, v11  }
0x84: {  	v19 =	vor.u32 $0x180, v10;
	v14 =	vld [tilespmem:s3+$0xFFFFFFF0];
	[tilespmem:v22+s23+$0x0] =	vst.idx.msk $0xffff, v12  }
0x85: {  	v54 =	vld [tilespmem:s3+$0xFFFFFED0];
	[tilespmem:v16+s23+$0x0] =	vst.idx.msk $0xffff, v13;
	v16 =	vor.u32 $0x80, v17  }
0x86: {  	v12 =	vor.u32 $0x80, v18;
	v13 =	vld [tilespmem:s3+$0xFFFFFEE0];
	[tilespmem:v5+s23+$0x0] =	vst.idx.msk $0xffff, v21  }
0x87: {  	v5 =	vor.u32 $0x100, v8;
	v55 =	vld [tilespmem:s3+$0xFFFFFF00];
	[tilespmem:v15+s23+$0x0] =	vst.idx.msk $0xffff, v53  }
0x88: {  	v21 =	vld [tilespmem:s3+$0xFFFFFF20];
	v15 =	vor.u32 $0x100, v7;
	[tilespmem:v20+s23+$0x0] =	vst.idx.msk $0xffff, v23  }
0x89: {  	v22 =	vld [tilespmem:s3+$0xFFFFFF10];
	v20 =	vor.u32 $0x100, v6;
	[tilespmem:v19+s23+$0x0] =	vst.idx.msk $0xffff, v14  }
0x8a: {  	v19 =	vor.u32 $0x200, v10;
	v14 =	vld [tilespmem:s3+$0x70];
	[tilespmem:v16+s23+$0x0] =	vst.idx.msk $0xffff, v54  }
0x8b: {  	v23 =	vld [tilespmem:s3+$0xFFFFFF30];
	v16 =	vor.u32 $0x100, v11;
	[tilespmem:v12+s23+$0x0] =	vst.idx.msk $0xffff, v13  }
0x8c: {  	v24 =	vld [tilespmem:s3+$0xFFFFFF40];
	v12 =	vor.u32 $0x100, v9;
	[tilespmem:v5+s23+$0x0] =	vst.idx.msk $0xffff, v55  }
0x8d: {  	v13 =	vor.u32 $0x100, v17;
	v25 =	vld [tilespmem:s3+$0xFFFFFF50];
	[tilespmem:v15+s23+$0x0] =	vst.idx.msk $0xffff, v21  }
0x8e: {  	v26 =	vld [tilespmem:s3+$0xFFFFFF80];
	v15 =	vor.u32 $0x180, v8;
	[tilespmem:v20+s23+$0x0] =	vst.idx.msk $0xffff, v22  }
0x8f: {  	v5 =	vld [tilespmem:s3+$0xFFFFFF60];
	v20 =	vor.u32 $0x100, v18;
	[tilespmem:v19+s23+$0x0] =	vst.idx.msk $0xffff, v14  }
0x90: {  	v22 =	vld [tilespmem:s3+$0xFFFFFF90];
	[tilespmem:v16+s23+$0x0] =	vst.idx.msk $0xffff, v23;
	v16 =	vor.u32 $0x180, v6  }
0x91: {  	v19 =	vor.u32 $0x280, v10;
	[tilespmem:v12+s23+$0x0] =	vst.idx.msk $0xffff, v24;
	v14 =	vld [tilespmem:s3+$0xF0]  }
0x92: {  	v23 =	vld [tilespmem:s3+$0xFFFFFFB0];
	[tilespmem:v13+s23+$0x0] =	vst.idx.msk $0xffff, v25;
	v13 =	vor.u32 $0x180, v11  }
0x93: {  	v21 =	vld [tilespmem:s3+$0xFFFFFFA0];
	v12 =	vor.u32 $0x180, v7;
	[tilespmem:v15+s23+$0x0] =	vst.idx.msk $0xffff, v26  }
0x94: {  	v25 =	vld [tilespmem:s3+$0xFFFFFFD0];
	[tilespmem:v20+s23+$0x0] =	vst.idx.msk $0xffff, v5;
	v20 =	vor.u32 $0x180, v17  }
0x95: {  	v15 =	vld [tilespmem:s3+$0xFFFFFFE0];
	[tilespmem:v16+s23+$0x0] =	vst.idx.msk $0xffff, v22;
	v16 =	vor.u32 $0x180, v18  }
0x96: {  	v24 =	vld [tilespmem:s3+$0xFFFFFFC0];
	[tilespmem:v19+s23+$0x0] =	vst.idx.msk $0xffff, v14;
	v19 =	vor.u32 $0x180, v9  }
0x97: {  	v22 =	vld [tilespmem:s3+$0x10];
	[tilespmem:v13+s23+$0x0] =	vst.idx.msk $0xffff, v23;
	v13 =	vor.u32 $0x200, v6  }
0x98: {  	[tilespmem:v12+s23+$0x0] =	vst.idx.msk $0xffff, v21;
	v14 =	vor.u32 $0x300, v10;
	v5 =	vld [tilespmem:s3+$0x170]  }
0x99: {  	v26 =	vld [tilespmem:s3+$0x0];
	v12 =	vor.u32 $0x200, v8;
	[tilespmem:v20+s23+$0x0] =	vst.idx.msk $0xffff, v25  }
0x9a: {  	v23 =	vld [tilespmem:s3+$0x30];
	v20 =	vor.u32 $0x200, v11;
	[tilespmem:v16+s23+$0x0] =	vst.idx.msk $0xffff, v15  }
0x9b: {  	v57 =	vor.u32 $0x200, v17;
	v56 =	vld [tilespmem:s3+$0x50];
	[tilespmem:v19+s23+$0x0] =	vst.idx.msk $0xffff, v24  }
0x9c: {  	v16 =	vld [tilespmem:s3+$0x60];
	[tilespmem:v13+s23+$0x0] =	vst.idx.msk $0xffff, v22;
	v13 =	vor.u32 $0x200, v18  }
0x9d: {  	v21 =	vld [tilespmem:s3+$0x20];
	[tilespmem:v14+s23+$0x0] =	vst.idx.msk $0xffff, v5;
	v14 =	vor.u32 $0x200, v7  }
0x9e: {  	v15 =	vor.u32 $0x200, v9;
	[tilespmem:v12+s23+$0x0] =	vst.idx.msk $0xffff, v26;
	v19 =	vld [tilespmem:s3+$0x40]  }
0x9f: {  	v10 =	vor.u32 $0x380, v10;
	v5 =	vld [tilespmem:s3+$0x1F0];
	[tilespmem:v20+s23+$0x0] =	vst.idx.msk $0xffff, v23  }
0xa0: {  	v0 =	vld [tilespmem:s20+$0x1C0];
	[tilespmem:v57+s23+$0x0] =	vst.idx.msk $0xffff, v56  }
0xa1: {  	v1 =	vld [tilespmem:s20+$0x1D0];
	[tilespmem:v13+s23+$0x0] =	vst.idx.msk $0xffff, v16  }
0xa2: {  	v24 =	vld [tilespmem:s3+$0xD0];
	v13 =	vor.u32 $0x280, v17;
	[tilespmem:v14+s23+$0x0] =	vst.idx.msk $0xffff, v21  }
0xa3: {  	v21 =	vld [tilespmem:s3+$0xB0];
	[tilespmem:v15+s23+$0x0] =	vst.idx.msk $0xffff, v19;
	v15 =	vor.u32 $0x280, v11  }
0xa4: {  	v26 =	vld [tilespmem:s3+$0x80];
	[tilespmem:v10+s23+$0x0] =	vst.idx.msk $0xffff, v5;
	v5 =	vor.u32 $0x280, v8  }
0xa5: {  	v23 =	vor.u32 $0x280, v9;
	v19 =	vld [tilespmem:s3+$0xC0]  }
0xa6: {  	v22 =	vld [tilespmem:s3+$0x90];
	v10 =	vor.u32 $0x280, v6  }
0xa7: {  	v20 =	vor.u32 $0x280, v7;
	v14 =	vld [tilespmem:s3+$0xA0];
	[tilespmem:v13+s23+$0x0] =	vst.idx.msk $0xffff, v24  }
0xa8: {  	v12 =	vld [tilespmem:s20+$0x1E0];
	[tilespmem:v15+s23+$0x0] =	vst.idx.msk $0xffff, v21  }
0xa9: {  	v16 =	vor.u32 $0x280, v18;
	[tilespmem:v5+s23+$0x0] =	vst.idx.msk $0xffff, v26;
	v5 =	vld [tilespmem:s3+$0xE0]  }
0xaa: {  	v61 =	vld [tilespmem:s3+$0x130];
	[tilespmem:v23+s23+$0x0] =	vst.idx.msk $0xffff, v19;
	v23 =	vor.u32 $0x300, v11  }
0xab: {  	[tilespmem:v10+s23+$0x0] =	vst.idx.msk $0xffff, v22;
	v10 =	vor.u32 $0x300, v8;
	v58 =	vld [tilespmem:s3+$0x100]  }
0xac: {  	[tilespmem:v20+s23+$0x0] =	vst.idx.msk $0xffff, v14;
	v14 =	vor.u32 $0x300, v6;
	v59 =	vld [tilespmem:s3+$0x110]  }
0xad: {  	v22 =	vld [tilespmem:s3+$0x150]  }
0xae: {  	v21 =	vor.u32 $0x300, v7;
	v60 =	vld [tilespmem:s3+$0x120];
	[tilespmem:v16+s23+$0x0] =	vst.idx.msk $0xffff, v5  }
0xaf: {  	v63 =	vor.u32 $0x300, v9;
	v62 =	vld [tilespmem:s3+$0x140];
	[tilespmem:v23+s23+$0x0] =	vst.idx.msk $0xffff, v61  }
0xb0: {  	v13 =	vor.u32 $0x300, v17;
	v15 =	vor.u32 $0x300, v18;
	[tilespmem:v10+s23+$0x0] =	vst.idx.msk $0xffff, v58;
	v20 =	vld [tilespmem:s3+$0x160]  }
0xb1: {  	v5 =	vor.u32 $0x380, v2;
	[tilespmem:v14+s23+$0x0] =	vst.idx.msk $0xffff, v59;
	v14 =	vor.u32 $0x380, v7;
	v7 =	vor.u32 $0x380, v17;
	v17 =	vld [tilespmem:s3+$0x1B0]  }
0xb2: {  	v2 =	vor.u32 $0x380, v3;
	v3 =	vor.u32 $0x380, v4;
	v10 =	vor.u32 $0x380, v8;
	v4 =	vld [tilespmem:s3+$0x180]  }
0xb3: {  	s19 =	simm.s32 $0x8;
	v16 =	vor.u32 $0x380, v6;
	[tilespmem:v21+s23+$0x0] =	vst.idx.msk $0xffff, v60;
	v19 =	vld [tilespmem:s3+$0x190]  }
0xb4: {  	s18 =	simm.s32 $0xE00;
	s1 =	sshll.u32 s0, $0x2;
	s8 =	simm.s32 $0x140;
	v11 =	vor.u32 $0x380, v11;
	v6 =	vor.u32 $0x380, v18;
	v8 =	vor.u32 $0x380, v9;
	[tilespmem:v63+s23+$0x0] =	vst.idx.msk $0xffff, v62;
	v21 =	vld [tilespmem:s3+$0x1A0]  }
.LBB2_3:
0xb5: {  	v9 =	vld [tilespmem:s8+$0x30];
	s19 =	sadd.s32 $0x8, s19;
	[tilespmem:v13+s23+$0x0] =	vst.idx.msk $0xffff, v22  }
0xb6: {  	v13 =	vld [tilespmem:s8+$0xFFFFFFD0];
	p0 =	slt.u32 s19, $0x78;
	[tilespmem:v15+s23+$0x0] =	vst.idx.msk $0xffff, v20  }
0xb7: {  	v15 =	vld [tilespmem:s8+$0xFFFFFFE0];
	[tilespmem:v10+s23+$0x0] =	vst.idx.msk $0xffff, v4  }
0xb8: {  	v10 =	vld [tilespmem:s8+$0xFFFFFFF0];
	[tilespmem:v16+s23+$0x0] =	vst.idx.msk $0xffff, v19  }
0xb9: {  	v16 =	vld [tilespmem:s8+$0x0];
	[tilespmem:v14+s23+$0x0] =	vst.idx.msk $0xffff, v21  }
0xba: {  	v14 =	vld [tilespmem:s8+$0x10];
	v4 =	vshll.u32 v9, $0x3;
	[tilespmem:v11+s23+$0x0] =	vst.idx.msk $0xffff, v17  }
0xbb: {  	s3 =	sadd.s32 $0x400, s3;
	v9 =	vand.u32 $0x7F, v9;
	v11 =	vshll.u32 v13, $0x3;
	v17 =	vld [tilespmem:s8+$0x20];
	v4 =	vand.u32 $0xFFFFFC00, v4;
	[tilespmem:v5+s23+$0x0] =	vst.idx.msk $0xffff, v0;
	v5 =	vmovc v8  }
0xbc: {  	v0 =	vand.u32 $0xFFFFFC00, v11;
	v8 =	vshll.u32 v15, $0x3;
	v11 =	vld [tilespmem:s3+$0xFFFFFE70];
	v4 =	vor.u32 v9, v4;
	[tilespmem:v2+s23+$0x0] =	vst.idx.msk $0xffff, v1;
	v2 =	vmovc v7  }
0xbd: {  	v7 =	vand.u32 $0x7F, v13;
	v1 =	vld [tilespmem:s8+$0xFFFFFFC0];
	v8 =	vand.u32 $0xFFFFFC00, v8;
	v9 =	vshll.u32 v10, $0x3;
	[tilespmem:v3+s23+$0x0] =	vst.idx.msk $0xffff, v12;
	v3 =	vmovc v6  }
0xbe: {  	v12 =	vand.u32 $0x7F, v15;
	v6 =	vld [tilespmem:s3+$0xFFFFFE00];
	v9 =	vand.u32 $0xFFFFFC00, v9;
	v13 =	vshll.u32 v16, $0x3  }
0xbf: {  	v10 =	vand.u32 $0x7F, v10;
	v15 =	vld [tilespmem:s3+$0xFFFFFE10];
	v13 =	vand.u32 $0xFFFFFC00, v13;
	v18 =	vshll.u32 v14, $0x3  }
0xc0: {  	v16 =	vand.u32 $0x7F, v16;
	v19 =	vld [tilespmem:s3+$0xFFFFFE20];
	v18 =	vand.u32 $0xFFFFFC00, v18;
	v20 =	vshll.u32 v17, $0x3  }
0xc1: {  	v14 =	vand.u32 $0x7F, v14;
	v17 =	vand.u32 $0x7F, v17;
	v21 =	vld [tilespmem:s3+$0xFFFFFE30];
	v20 =	vand.u32 $0xFFFFFC00, v20;
	[tilespmem:v4+s23+$0x0] =	vst.idx.msk $0xffff, v11  }
0xc2: {  	v23 =	vor.u32 $0x80, v4;
	v11 =	vand.u32 $0x7F, v1;
	v1 =	vshll.u32 v1, $0x3;
	v22 =	vld [tilespmem:s3+$0xFFFFFEF0]  }
0xc3: {  	v7 =	vor.u32 v7, v0;
	v8 =	vor.u32 v12, v8;
	v1 =	vand.u32 $0xFFFFFC00, v1;
	v12 =	vld [tilespmem:s3+$0xFFFFFE40]  }
0xc4: {  	v27 =	vor.u32 v10, v9;
	v28 =	vor.u32 v16, v13;
	v11 =	vor.u32 v11, v1;
	v9 =	vld [tilespmem:s3+$0xFFFFFE50]  }
0xc5: {  	v29 =	vor.u32 v14, v18;
	v30 =	vor.u32 v17, v20;
	v10 =	vor.u32 $0x80, v11;
	v13 =	vld [tilespmem:s3+$0xFFFFFE60]  }
0xc6: {  	v16 =	vor.u32 $0x80, v8;
	v31 =	vor.u32 $0x80, v27;
	v14 =	vor.u32 $0x80, v7;
	v0 =	vld [tilespmem:s18+$0x1C0]  }
0xc7: {  	v32 =	vor.u32 $0x80, v28;
	v33 =	vor.u32 $0x80, v29;
	v34 =	vor.u32 $0x80, v30;
	[tilespmem:v23+s23+$0x0] =	vst.idx.msk $0xffff, v22;
	v1 =	vld [tilespmem:s18+$0x1D0]  }
0xc8: {  	v36 =	vor.u32 $0x100, v7;
	v17 =	vor.u32 $0x100, v4;
	v35 =	vor.u32 $0x100, v11;
	[tilespmem:v7+s23+$0x0] =	vst.idx.msk $0xffff, v15;
	v15 =	vld [tilespmem:s3+$0xFFFFFF70]  }
0xc9: {  	v37 =	vor.u32 $0x100, v8;
	v38 =	vor.u32 $0x100, v27;
	v39 =	vor.u32 $0x100, v28;
	[tilespmem:v11+s23+$0x0] =	vst.idx.msk $0xffff, v6;
	v6 =	vld [tilespmem:s3+$0xFFFFFE90]  }
0xca: {  	v41 =	vor.u32 $0x100, v29;
	v42 =	vor.u32 $0x100, v30;
	v40 =	vor.u32 $0x180, v11;
	v18 =	vld [tilespmem:s3+$0xFFFFFE80];
	[tilespmem:v8+s23+$0x0] =	vst.idx.msk $0xffff, v19  }
0xcb: {  	v43 =	vor.u32 $0x180, v7;
	v45 =	vor.u32 $0x180, v8;
	v46 =	vor.u32 $0x180, v27;
	v44 =	vld [tilespmem:s3+$0xFFFFFEA0];
	[tilespmem:v27+s23+$0x0] =	vst.idx.msk $0xffff, v21  }
0xcc: {  	v48 =	vor.u32 $0x180, v29;
	v49 =	vor.u32 $0x180, v30;
	v47 =	vld [tilespmem:s3+$0xFFFFFEB0];
	[tilespmem:v28+s23+$0x0] =	vst.idx.msk $0xffff, v12;
	v12 =	vor.u32 $0x180, v28  }
0xcd: {  	v51 =	vor.u32 $0x200, v7;
	v52 =	vor.u32 $0x200, v8;
	v50 =	vor.u32 $0x200, v11;
	v53 =	vld [tilespmem:s3+$0xFFFFFEC0];
	[tilespmem:v17+s23+$0x0] =	vst.idx.msk $0xffff, v15  }
0xce: {  	v56 =	vor.u32 $0x180, v4;
	v54 =	vor.u32 $0x200, v27;
	v55 =	vor.u32 $0x200, v28;
	[tilespmem:v29+s23+$0x0] =	vst.idx.msk $0xffff, v9;
	v15 =	vld [tilespmem:s3+$0xFFFFFFF0]  }
0xcf: {  	v58 =	vor.u32 $0x200, v29;
	v59 =	vor.u32 $0x200, v30;
	v24 =	vor.u32 $0x280, v11;
	v57 =	vld [tilespmem:s3+$0xFFFFFED0];
	[tilespmem:v30+s23+$0x0] =	vst.idx.msk $0xffff, v13  }
0xd0: {  	v60 =	vor.u32 $0x280, v7;
	v25 =	vor.u32 $0x280, v8;
	v22 =	vor.u32 $0x280, v27;
	[tilespmem:v10+s23+$0x0] =	vst.idx.msk $0xffff, v18;
	v61 =	vld [tilespmem:s3+$0xFFFFFEE0]  }
0xd1: {  	v26 =	vor.u32 $0x280, v28;
	v23 =	vor.u32 $0x280, v29;
	v21 =	vor.u32 $0x280, v30;
	v62 =	vld [tilespmem:s3+$0xFFFFFF00];
	[tilespmem:v14+s23+$0x0] =	vst.idx.msk $0xffff, v6  }
0xd2: {  	v20 =	vor.u32 $0x300, v11;
	v19 =	vor.u32 $0x300, v7;
	v17 =	vor.u32 $0x300, v8;
	v63 =	vld [tilespmem:s3+$0xFFFFFF10];
	[tilespmem:v16+s23+$0x0] =	vst.idx.msk $0xffff, v44  }
0xd3: {  	v9 =	vor.u32 $0x300, v28;
	v13 =	vor.u32 $0x300, v29;
	v18 =	vor.u32 $0x300, v27;
	v44 =	vld [tilespmem:s3+$0xFFFFFF20];
	[tilespmem:v56+s23+$0x0] =	vst.idx.msk $0xffff, v15  }
0xd4: {  	v10 =	vor.u32 $0x380, v11;
	v15 =	vor.u32 $0x300, v30;
	[tilespmem:v31+s23+$0x0] =	vst.idx.msk $0xffff, v47;
	v31 =	vld [tilespmem:s3+$0x70];
	v47 =	vor.u32 $0x200, v4  }
0xd5: {  	v11 =	vor.u32 $0x380, v27;
	v14 =	vor.u32 $0x380, v8;
	v16 =	vor.u32 $0x380, v7;
	v56 =	vld [tilespmem:s3+$0xFFFFFF30];
	[tilespmem:v32+s23+$0x0] =	vst.idx.msk $0xffff, v53  }
0xd6: {  	v8 =	vor.u32 $0x380, v28;
	v6 =	vor.u32 $0x380, v30;
	v7 =	vor.u32 $0x380, v29;
	v27 =	vld [tilespmem:s3+$0xFFFFFF40];
	[tilespmem:v33+s23+$0x0] =	vst.idx.msk $0xffff, v57  }
0xd7: {  	v28 =	vld [tilespmem:s3+$0xFFFFFF50];
	[tilespmem:v34+s23+$0x0] =	vst.idx.msk $0xffff, v61  }
0xd8: {  	[tilespmem:v35+s23+$0x0] =	vst.idx.msk $0xffff, v62;
	v29 =	vld [tilespmem:s3+$0xFFFFFF60]  }
0xd9: {  	v30 =	vld [tilespmem:s3+$0xFFFFFF80];
	[tilespmem:v47+s23+$0x0] =	vst.idx.msk $0xffff, v31  }
0xda: {  	v32 =	vor.u32 $0x280, v4;
	[tilespmem:v36+s23+$0x0] =	vst.idx.msk $0xffff, v63;
	v31 =	vld [tilespmem:s3+$0xF0]  }
0xdb: {  	v33 =	vld [tilespmem:s3+$0xFFFFFF90];
	[tilespmem:v37+s23+$0x0] =	vst.idx.msk $0xffff, v44  }
0xdc: {  	v34 =	vld [tilespmem:s3+$0xFFFFFFA0];
	[tilespmem:v38+s23+$0x0] =	vst.idx.msk $0xffff, v56  }
0xdd: {  	v35 =	vld [tilespmem:s3+$0xFFFFFFB0];
	[tilespmem:v39+s23+$0x0] =	vst.idx.msk $0xffff, v27  }
0xde: {  	v27 =	vld [tilespmem:s3+$0xFFFFFFC0];
	[tilespmem:v41+s23+$0x0] =	vst.idx.msk $0xffff, v28  }
0xdf: {  	v28 =	vld [tilespmem:s3+$0xFFFFFFD0];
	[tilespmem:v32+s23+$0x0] =	vst.idx.msk $0xffff, v31  }
0xe0: {  	v31 =	vor.u32 $0x300, v4;
	[tilespmem:v42+s23+$0x0] =	vst.idx.msk $0xffff, v29;
	v29 =	vld [tilespmem:s3+$0x170]  }
0xe1: {  	[tilespmem:v40+s23+$0x0] =	vst.idx.msk $0xffff, v30;
	v30 =	vld [tilespmem:s3+$0xFFFFFFE0]  }
0xe2: {  	v32 =	vld [tilespmem:s3+$0x0];
	[tilespmem:v43+s23+$0x0] =	vst.idx.msk $0xffff, v33  }
0xe3: {  	v33 =	vld [tilespmem:s3+$0x10];
	[tilespmem:v45+s23+$0x0] =	vst.idx.msk $0xffff, v34  }
0xe4: {  	v34 =	vld [tilespmem:s3+$0x20];
	[tilespmem:v46+s23+$0x0] =	vst.idx.msk $0xffff, v35  }
0xe5: {  	v35 =	vld [tilespmem:s3+$0x30];
	[tilespmem:v31+s23+$0x0] =	vst.idx.msk $0xffff, v29  }
0xe6: {  	v4 =	vor.u32 $0x380, v4;
	[tilespmem:v12+s23+$0x0] =	vst.idx.msk $0xffff, v27;
	v12 =	vld [tilespmem:s3+$0x1F0]  }
0xe7: {  	v27 =	vld [tilespmem:s3+$0x40];
	[tilespmem:v48+s23+$0x0] =	vst.idx.msk $0xffff, v28  }
0xe8: {  	v28 =	vld [tilespmem:s3+$0x50];
	[tilespmem:v49+s23+$0x0] =	vst.idx.msk $0xffff, v30  }
0xe9: {  	[tilespmem:v50+s23+$0x0] =	vst.idx.msk $0xffff, v32;
	v29 =	vld [tilespmem:s3+$0x60]  }
0xea: {  	v30 =	vld [tilespmem:s3+$0x80];
	[tilespmem:v51+s23+$0x0] =	vst.idx.msk $0xffff, v33  }
0xeb: {  	v31 =	vld [tilespmem:s3+$0x90];
	[tilespmem:v4+s23+$0x0] =	vst.idx.msk $0xffff, v12  }
0xec: {  	[tilespmem:v52+s23+$0x0] =	vst.idx.msk $0xffff, v34;
	v12 =	vld [tilespmem:s18+$0x1E0];
	s18 =	smov.u32 s3  }
0xed: {  	v4 =	vld [tilespmem:s3+$0xA0];
	[tilespmem:v54+s23+$0x0] =	vst.idx.msk $0xffff, v35  }
0xee: {  	v32 =	vld [tilespmem:s3+$0xB0];
	[tilespmem:v55+s23+$0x0] =	vst.idx.msk $0xffff, v27  }
0xef: {  	v27 =	vld [tilespmem:s3+$0xC0];
	[tilespmem:v58+s23+$0x0] =	vst.idx.msk $0xffff, v28  }
0xf0: {  	v28 =	vld [tilespmem:s3+$0xD0];
	[tilespmem:v59+s23+$0x0] =	vst.idx.msk $0xffff, v29  }
0xf1: {  	[tilespmem:v24+s23+$0x0] =	vst.idx.msk $0xffff, v30;
	v24 =	vld [tilespmem:s3+$0xE0]  }
0xf2: {  	v29 =	vld [tilespmem:s3+$0x100];
	[tilespmem:v60+s23+$0x0] =	vst.idx.msk $0xffff, v31  }
0xf3: {  	v30 =	vld [tilespmem:s3+$0x110];
	[tilespmem:v25+s23+$0x0] =	vst.idx.msk $0xffff, v4  }
0xf4: {  	v25 =	vld [tilespmem:s3+$0x120];
	[tilespmem:v22+s23+$0x0] =	vst.idx.msk $0xffff, v32  }
0xf5: {  	v31 =	vld [tilespmem:s3+$0x130];
	[tilespmem:v26+s23+$0x0] =	vst.idx.msk $0xffff, v27  }
0xf6: {  	v26 =	vld [tilespmem:s3+$0x140];
	[tilespmem:v23+s23+$0x0] =	vst.idx.msk $0xffff, v28  }
0xf7: {  	v22 =	vld [tilespmem:s3+$0x150];
	[tilespmem:v21+s23+$0x0] =	vst.idx.msk $0xffff, v24  }
.Ltmp2:
0xf8: {  	[tilespmem:v20+s23+$0x0] =	vst.idx.msk $0xffff, v29;
	v20 =	vld [tilespmem:s3+$0x160];
	(pc) =	sbr.rel @p0 .LBB2_3-.Ltmp2, $4  }
0xf9: {  	v4 =	vld [tilespmem:s3+$0x180];
	[tilespmem:v19+s23+$0x0] =	vst.idx.msk $0xffff, v30  }
0xfa: {  	v19 =	vld [tilespmem:s3+$0x190];
	[tilespmem:v17+s23+$0x0] =	vst.idx.msk $0xffff, v25  }
0xfb: {  	v21 =	vld [tilespmem:s3+$0x1A0];
	[tilespmem:v18+s23+$0x0] =	vst.idx.msk $0xffff, v31  }
0xfc: {  	s8 =	sadd.s32 $0x80, s8;
	v17 =	vld [tilespmem:s3+$0x1B0];
	[tilespmem:v9+s23+$0x0] =	vst.idx.msk $0xffff, v26  }
0xfd: {  	_ =	sdelay $0x3  }
0xfe: {  	[tilespmem:v13+s23+$0x0] =	vst.idx.msk $0xffff, v22  }
0xff: {  	[tilespmem:v15+s23+$0x0] =	vst.idx.msk $0xffff, v20  }
0x100: {  	[tilespmem:v5+s23+$0x0] =	vst.idx.msk $0xffff, v0  }
0x101: {  	[tilespmem:v2+s23+$0x0] =	vst.idx.msk $0xffff, v1  }
0x102: {  	[tilespmem:v10+s23+$0x0] =	vst.idx.msk $0xffff, v4;
	v4 =	vld [tilespmem:s18+$0x1C0]  }
0x103: {  	[tilespmem:v3+s23+$0x0] =	vst.idx.msk $0xffff, v12;
	v9 =	vld [tilespmem:s18+$0x1D0]  }
0x104: {  	v0 =	vld [tilespmem:s18+$0x1E0];
	[tilespmem:v16+s23+$0x0] =	vst.idx.msk $0xffff, v19  }
0x105: {  	[tilespmem:v14+s23+$0x0] =	vst.idx.msk $0xffff, v21  }
0x106: {  	[tilespmem:v11+s23+$0x0] =	vst.idx.msk $0xffff, v17  }
0x107: {  	[tilespmem:v8+s23+$0x0] =	vst.idx.msk $0xffff, v4  }
0x108: {  	s3 =	sshll.u32 s0, $0xD;
	[tilespmem:v7+s23+$0x0] =	vst.idx.msk $0xffff, v9  }
0x109: {  	p0 =	seq.s32 s0, $0xF;
	s3 =	sadd.s32 s3, s11;
	[tilespmem:v6+s23+$0x0] =	vst.idx.msk $0xffff, v0  }
0x10a: {  	[hbm4b:s3+s5] =	stream.linear.scatter [tilespmem:s23], [sflag:$0x5], $0x4000, $0x38;
	[tilespmem:$0x18800] =	vst v63  }
0x10b: {  	s3 =	sadd.s32 @!p0 s1, s12  }
0x10c: {  	s3 =	sshll.u32 @!p0 s3, $0xB  }
0x10d: {  	s3 =	sand.u32 @!p0 $0x1FFFE000, s3  }
0x10e: {  	s8 =	simm.s32 @!p0 $0x0;
	s9 =	simm.s32 @!p0 $0x800;
	s3 =	sadd.s32 @!p0 s2, s3  }
0x10f: {  	[tilespmem:s9], [sflag:$0x1] =	stream.linear.gather @!p0 [hbm4b:s3+s8], $0x4000, $0x38;
	[tilespmem:$0x18800] =	vst v63  }
0x110: {  	_ =	swait.ge [sflag:s24], $0x4000  }
0x111: {  	[sflag:s24] =	ssyncset.done $0x0  }
0x112: {  	s3 =	simm.s32 @!p1 $0x6;
	[sflag:s24] =	ssyncadd.s32 $0xFFFFC000  }
0x113: {  	_ =	swait.ge @!p1 [sflag:s3], $0x4000  }
0x114: {  	[sflag:s3] =	ssyncset.done @!p1 $0x0  }
0x115: {  	[sflag:s3] =	ssyncadd.s32 @!p1 $0xFFFFC000;
	s3 =	simm.s32 $0x40  }
0x116: {  	v0 =	vld [tilespmem:s3+$0x30]  }
0x117: {  	v1 =	vld [tilespmem:s3+$0xFFFFFFD0]  }
0x118: {  	v2 =	vld [tilespmem:s3+$0xFFFFFFE0]  }
0x119: {  	v3 =	vld [tilespmem:s3+$0xFFFFFFF0]  }
0x11a: {  	s9 =	simm.s32 $0x4A00;
	v6 =	vld [tilespmem:s3+$0x0]  }
0x11b: {  	v5 =	vld [tilespmem:s9+$0xFFFFFE70];
	v4 =	vshll.u32 v0, $0x3  }
0x11c: {  	v8 =	vld [tilespmem:s3+$0x10];
	v0 =	vand.u32 $0x7F, v0;
	v4 =	vand.u32 $0xFFFFFC00, v4  }
0x11d: {  	v0 =	vor.u32 v0, v4;
	v4 =	vld [tilespmem:s3+$0xFFFFFFC0]  }
0x11e: {  	v9 =	vld [tilespmem:s3+$0x20]  }
0x11f: {  	v11 =	vld [tilespmem:s9+$0xFFFFFE00];
	v7 =	vshll.u32 v1, $0x3  }
0x120: {  	v13 =	vld [tilespmem:s9+$0xFFFFFE10];
	v10 =	vshll.u32 v2, $0x3;
	v1 =	vand.u32 $0x7F, v1;
	v12 =	vshll.u32 v3, $0x3  }
0x121: {  	v16 =	vld [tilespmem:s9+$0xFFFFFE20];
	v2 =	vand.u32 $0x7F, v2;
	v17 =	vshll.u32 v6, $0x3;
	v7 =	vand.u32 $0xFFFFFC00, v7  }
0x122: {  	v18 =	vld [tilespmem:s9+$0xFFFFFE30];
	v3 =	vand.u32 $0x7F, v3;
	v1 =	vor.u32 v1, v7;
	[tilespmem:v0+s25+$0x0] =	vst.idx.msk $0xffff, v5;
	v5 =	vshll.u32 v4, $0x3  }
0x123: {  	s19 =	simm.s32 $0xC0;
	v15 =	vor.u32 $0x80, v0;
	v4 =	vand.u32 $0x7F, v4;
	v14 =	vld [tilespmem:s9+$0xFFFFFEF0];
	v5 =	vand.u32 $0xFFFFFC00, v5  }
0x124: {  	v22 =	vld [tilespmem:s19+$0x10];
	v10 =	vand.u32 $0xFFFFFC00, v10;
	v12 =	vand.u32 $0xFFFFFC00, v12;
	v7 =	vor.u32 v4, v5  }
0x125: {  	s18 =	simm.s32 $0x4E00;
	v25 =	vld [tilespmem:s19+$0x20];
	v4 =	vand.u32 $0xFFFFFC00, v17;
	v5 =	vor.u32 v2, v10;
	v2 =	vshll.u32 v8, $0x3  }
0x126: {  	v26 =	vld [tilespmem:s18+$0xFFFFFE70];
	v17 =	vand.u32 $0x7F, v6;
	v6 =	vor.u32 v3, v12;
	v8 =	vand.u32 $0x7F, v8  }
0x127: {  	[tilespmem:v1+s25+$0x0] =	vst.idx.msk $0xffff, v13;
	v10 =	vld [tilespmem:s9+$0xFFFFFE40];
	v3 =	vand.u32 $0xFFFFFC00, v2;
	v2 =	vor.u32 v17, v4;
	v4 =	vshll.u32 v9, $0x3  }
0x128: {  	v12 =	vld [tilespmem:s9+$0xFFFFFE50];
	v9 =	vand.u32 $0x7F, v9;
	v4 =	vand.u32 $0xFFFFFC00, v4;
	v3 =	vor.u32 v8, v3;
	[tilespmem:v15+s25+$0x0] =	vst.idx.msk $0xffff, v14  }
0x129: {  	v17 =	vld [tilespmem:s9+$0xFFFFFE60];
	v4 =	vor.u32 v9, v4;
	[tilespmem:v7+s25+$0x0] =	vst.idx.msk $0xffff, v11  }
0x12a: {  	v14 =	vor.u32 $0x100, v0;
	v13 =	vld [tilespmem:s9+$0xFFFFFF70];
	[tilespmem:v5+s25+$0x0] =	vst.idx.msk $0xffff, v16  }
0x12b: {  	v8 =	vld [tilespmem:s9+$0xFFFFFE90];
	[tilespmem:v6+s25+$0x0] =	vst.idx.msk $0xffff, v18;
	v16 =	vor.u32 $0x80, v1  }
0x12c: {  	v11 =	vor.u32 $0x80, v7;
	v9 =	vld [tilespmem:s9+$0xFFFFFE80];
	[tilespmem:v2+s25+$0x0] =	vst.idx.msk $0xffff, v10  }
0x12d: {  	v15 =	vld [tilespmem:s9+$0xFFFFFEA0];
	v10 =	vor.u32 $0x80, v5;
	[tilespmem:v3+s25+$0x0] =	vst.idx.msk $0xffff, v12  }
0x12e: {  	v19 =	vld [tilespmem:s9+$0xFFFFFEC0];
	[tilespmem:v4+s25+$0x0] =	vst.idx.msk $0xffff, v17;
	v17 =	vor.u32 $0x80, v2  }
0x12f: {  	v18 =	vld [tilespmem:s9+$0xFFFFFEB0];
	[tilespmem:v14+s25+$0x0] =	vst.idx.msk $0xffff, v13;
	v14 =	vor.u32 $0x80, v6  }
0x130: {  	v13 =	vor.u32 $0x180, v0;
	[tilespmem:v16+s25+$0x0] =	vst.idx.msk $0xffff, v8;
	v12 =	vld [tilespmem:s9+$0xFFFFFFF0]  }
0x131: {  	v20 =	vld [tilespmem:s9+$0xFFFFFED0];
	[tilespmem:v11+s25+$0x0] =	vst.idx.msk $0xffff, v9;
	v11 =	vor.u32 $0x80, v3  }
0x132: {  	v8 =	vor.u32 $0x80, v4;
	v9 =	vld [tilespmem:s9+$0xFFFFFEE0];
	[tilespmem:v10+s25+$0x0] =	vst.idx.msk $0xffff, v15  }
0x133: {  	v10 =	vor.u32 $0x100, v7;
	v21 =	vld [tilespmem:s9+$0xFFFFFF00];
	[tilespmem:v17+s25+$0x0] =	vst.idx.msk $0xffff, v19  }
0x134: {  	v15 =	vld [tilespmem:s9+$0xFFFFFF20];
	v17 =	vor.u32 $0x100, v5;
	[tilespmem:v14+s25+$0x0] =	vst.idx.msk $0xffff, v18  }
0x135: {  	v16 =	vld [tilespmem:s9+$0xFFFFFF10];
	v14 =	vor.u32 $0x100, v1;
	[tilespmem:v13+s25+$0x0] =	vst.idx.msk $0xffff, v12  }
0x136: {  	v18 =	vld [tilespmem:s9+$0xFFFFFF30];
	[tilespmem:v11+s25+$0x0] =	vst.idx.msk $0xffff, v20;
	v11 =	vor.u32 $0x100, v6  }
0x137: {  	v19 =	vld [tilespmem:s9+$0xFFFFFF40];
	[tilespmem:v8+s25+$0x0] =	vst.idx.msk $0xffff, v9;
	v8 =	vor.u32 $0x100, v2  }
0x138: {  	v13 =	vor.u32 $0x200, v0;
	v12 =	vld [tilespmem:s9+$0x70];
	[tilespmem:v10+s25+$0x0] =	vst.idx.msk $0xffff, v21  }
0x139: {  	v20 =	vld [tilespmem:s9+$0xFFFFFF50];
	v10 =	vor.u32 $0x100, v3;
	[tilespmem:v17+s25+$0x0] =	vst.idx.msk $0xffff, v15  }
0x13a: {  	v21 =	vld [tilespmem:s9+$0xFFFFFF80];
	v15 =	vor.u32 $0x180, v7;
	[tilespmem:v14+s25+$0x0] =	vst.idx.msk $0xffff, v16  }
0x13b: {  	v9 =	vld [tilespmem:s9+$0xFFFFFF60];
	v14 =	vor.u32 $0x100, v4;
	[tilespmem:v11+s25+$0x0] =	vst.idx.msk $0xffff, v18  }
0x13c: {  	v16 =	vld [tilespmem:s9+$0xFFFFFF90];
	v11 =	vor.u32 $0x180, v1;
	[tilespmem:v8+s25+$0x0] =	vst.idx.msk $0xffff, v19  }
0x13d: {  	v17 =	vld [tilespmem:s9+$0xFFFFFFA0];
	v8 =	vor.u32 $0x180, v5;
	[tilespmem:v13+s25+$0x0] =	vst.idx.msk $0xffff, v12  }
0x13e: {  	v13 =	vor.u32 $0x280, v0;
	[tilespmem:v10+s25+$0x0] =	vst.idx.msk $0xffff, v20;
	v12 =	vld [tilespmem:s9+$0xF0]  }
0x13f: {  	v18 =	vld [tilespmem:s9+$0xFFFFFFB0];
	v10 =	vor.u32 $0x180, v6;
	[tilespmem:v15+s25+$0x0] =	vst.idx.msk $0xffff, v21  }
0x140: {  	v20 =	vld [tilespmem:s9+$0xFFFFFFD0];
	v15 =	vor.u32 $0x180, v3;
	[tilespmem:v14+s25+$0x0] =	vst.idx.msk $0xffff, v9  }
0x141: {  	v14 =	vld [tilespmem:s9+$0xFFFFFFE0];
	[tilespmem:v11+s25+$0x0] =	vst.idx.msk $0xffff, v16;
	v11 =	vor.u32 $0x180, v4  }
0x142: {  	v21 =	vld [tilespmem:s9+$0x0];
	[tilespmem:v8+s25+$0x0] =	vst.idx.msk $0xffff, v17;
	v8 =	vor.u32 $0x200, v7  }
0x143: {  	v19 =	vld [tilespmem:s9+$0xFFFFFFC0];
	[tilespmem:v13+s25+$0x0] =	vst.idx.msk $0xffff, v12;
	v13 =	vor.u32 $0x180, v2  }
0x144: {  	[tilespmem:v10+s25+$0x0] =	vst.idx.msk $0xffff, v18;
	v12 =	vor.u32 $0x300, v0;
	v9 =	vld [tilespmem:s9+$0x170]  }
0x145: {  	v16 =	vld [tilespmem:s9+$0x10];
	v10 =	vor.u32 $0x200, v1;
	[tilespmem:v15+s25+$0x0] =	vst.idx.msk $0xffff, v20  }
0x146: {  	v20 =	vld [tilespmem:s9+$0x50];
	[tilespmem:v11+s25+$0x0] =	vst.idx.msk $0xffff, v14;
	v11 =	vor.u32 $0x200, v3  }
0x147: {  	[tilespmem:v8+s25+$0x0] =	vst.idx.msk $0xffff, v21;
	v14 =	vor.u32 $0x200, v4;
	v8 =	vld [tilespmem:s9+$0x60]  }
0x148: {  	v18 =	vld [tilespmem:s9+$0x30];
	[tilespmem:v13+s25+$0x0] =	vst.idx.msk $0xffff, v19;
	v13 =	vor.u32 $0x200, v6  }
0x149: {  	v17 =	vld [tilespmem:s9+$0x20];
	[tilespmem:v12+s25+$0x0] =	vst.idx.msk $0xffff, v9;
	v9 =	vor.u32 $0x200, v5  }
0x14a: {  	v15 =	vor.u32 $0x200, v2;
	[tilespmem:v10+s25+$0x0] =	vst.idx.msk $0xffff, v16;
	v19 =	vld [tilespmem:s9+$0x40]  }
0x14b: {  	v27 =	vld [tilespmem:s19+$0xFFFFFFC0];
	[tilespmem:v11+s25+$0x0] =	vst.idx.msk $0xffff, v20  }
0x14c: {  	v21 =	vld [tilespmem:s9+$0x80];
	v10 =	vor.u32 $0x280, v7;
	[tilespmem:v14+s25+$0x0] =	vst.idx.msk $0xffff, v8  }
0x14d: {  	v20 =	vld [tilespmem:s9+$0xD0];
	v8 =	vor.u32 $0x280, v3;
	[tilespmem:v13+s25+$0x0] =	vst.idx.msk $0xffff, v18  }
0x14e: {  	v16 =	vld [tilespmem:s9+$0x90];
	[tilespmem:v9+s25+$0x0] =	vst.idx.msk $0xffff, v17;
	v9 =	vor.u32 $0x280, v1  }
0x14f: {  	v18 =	vld [tilespmem:s9+$0xB0];
	[tilespmem:v15+s25+$0x0] =	vst.idx.msk $0xffff, v19;
	v15 =	vor.u32 $0x280, v6  }
0x150: {  	v11 =	vor.u32 $0x280, v2;
	v19 =	vld [tilespmem:s9+$0xC0]  }
0x151: {  	v12 =	vld [tilespmem:s9+$0x1F0];
	[tilespmem:v10+s25+$0x0] =	vst.idx.msk $0xffff, v21  }
0x152: {  	v13 =	vor.u32 $0x280, v5;
	v17 =	vld [tilespmem:s9+$0xA0];
	[tilespmem:v8+s25+$0x0] =	vst.idx.msk $0xffff, v20  }
0x153: {  	v10 =	vld [tilespmem:s9+$0xE0];
	[tilespmem:v9+s25+$0x0] =	vst.idx.msk $0xffff, v16  }
0x154: {  	v21 =	vld [tilespmem:s9+$0x100];
	v9 =	vor.u32 $0x300, v7;
	[tilespmem:v15+s25+$0x0] =	vst.idx.msk $0xffff, v18  }
0x155: {  	v18 =	vld [tilespmem:s9+$0x130];
	[tilespmem:v11+s25+$0x0] =	vst.idx.msk $0xffff, v19;
	v11 =	vor.u32 $0x300, v6  }
0x156: {  	v14 =	vor.u32 $0x280, v4;
	v8 =	vld [tilespmem:s9+$0x150]  }
0x157: {  	v16 =	vld [tilespmem:s9+$0x110];
	[tilespmem:v13+s25+$0x0] =	vst.idx.msk $0xffff, v17;
	v13 =	vor.u32 $0x300, v1  }
0x158: {  	v17 =	vld [tilespmem:s9+$0x120]  }
0x159: {  	v15 =	vor.u32 $0x300, v5;
	v19 =	vld [tilespmem:s9+$0x140];
	[tilespmem:v9+s25+$0x0] =	vst.idx.msk $0xffff, v21  }
0x15a: {  	v0 =	vor.u32 $0x380, v0;
	[tilespmem:v11+s25+$0x0] =	vst.idx.msk $0xffff, v18;
	v11 =	vld [tilespmem:s19+$0x30]  }
0x15b: {  	[tilespmem:v14+s25+$0x0] =	vst.idx.msk $0xffff, v10;
	v10 =	vld [tilespmem:s9+$0x180]  }
0x15c: {  	v24 =	vor.u32 $0x300, v3;
	[tilespmem:v13+s25+$0x0] =	vst.idx.msk $0xffff, v16;
	v16 =	vld [tilespmem:s19+$0xFFFFFFD0]  }
0x15d: {  	v21 =	vor.u32 $0x300, v2;
	v18 =	vld [tilespmem:s19+$0xFFFFFFF0]  }
0x15e: {  	v7 =	vor.u32 $0x380, v7;
	[tilespmem:v15+s25+$0x0] =	vst.idx.msk $0xffff, v17;
	v17 =	vld [tilespmem:s19+$0xFFFFFFE0]  }
0x15f: {  	[tilespmem:v0+s25+$0x0] =	vst.idx.msk $0xffff, v12;
	v0 =	vor.u32 $0x380, v1;
	v13 =	vld [tilespmem:s9+$0x190];
	v23 =	vshll.u32 v11, $0x3  }
0x160: {  	v1 =	vor.u32 $0x380, v5;
	v14 =	vld [tilespmem:s9+$0x1A0];
	v11 =	vand.u32 $0x7F, v11;
	v23 =	vand.u32 $0xFFFFFC00, v23  }
0x161: {  	v20 =	vld [tilespmem:s19+$0x0];
	[tilespmem:v24+s25+$0x0] =	vst.idx.msk $0xffff, v8;
	v11 =	vor.u32 v11, v23  }
0x162: {  	v9 =	vld [tilespmem:s9+$0x160];
	[tilespmem:v21+s25+$0x0] =	vst.idx.msk $0xffff, v19;
	v21 =	vor.u32 $0x380, v6;
	v5 =	vshll.u32 v16, $0x3;
	v23 =	vor.u32 $0x300, v4  }
0x163: {  	v51 =	vld [tilespmem:s18+$0xFFFFFE20];
	v8 =	vand.u32 $0x7F, v16;
	v28 =	vshll.u32 v18, $0x3;
	[tilespmem:v7+s25+$0x0] =	vst.idx.msk $0xffff, v10;
	v6 =	vshll.u32 v17, $0x3  }
0x164: {  	v15 =	vld [tilespmem:s9+$0x1B0];
	v5 =	vand.u32 $0xFFFFFC00, v5;
	[tilespmem:v0+s25+$0x0] =	vst.idx.msk $0xffff, v13;
	v16 =	vand.u32 $0xFFFFFC00, v6;
	v6 =	vshll.u32 v27, $0x3  }
0x165: {  	v19 =	vld [tilespmem:s18+$0xFFFFFE10];
	v7 =	vand.u32 $0x7F, v27;
	[tilespmem:v1+s25+$0x0] =	vst.idx.msk $0xffff, v14;
	v10 =	vand.u32 $0xFFFFFC00, v6;
	v6 =	vor.u32 v8, v5  }
0x166: {  	v12 =	vld [tilespmem:s18+$0xFFFFFE00];
	v0 =	vand.u32 $0xFFFFFC00, v28;
	v1 =	vand.u32 $0x7F, v18;
	v8 =	vor.u32 v7, v10;
	[tilespmem:v11+s25+$0x0] =	vst.idx.msk $0xffff, v26  }
0x167: {  	v29 =	vld [tilespmem:s18+$0xFFFFFE30];
	v13 =	vshll.u32 v20, $0x3;
	v10 =	vor.u32 v1, v0;
	[tilespmem:v23+s25+$0x0] =	vst.idx.msk $0xffff, v9;
	v9 =	vand.u32 $0x7F, v17  }
0x168: {  	v23 =	vor.u32 $0x80, v11;
	v17 =	vld [tilespmem:s18+$0xFFFFFEF0];
	v7 =	vor.u32 v9, v16;
	v9 =	vshll.u32 v22, $0x3  }
0x169: {  	v52 =	vld [tilespmem:s18+$0xFFFFFE50];
	v13 =	vand.u32 $0xFFFFFC00, v13;
	[tilespmem:v21+s25+$0x0] =	vst.idx.msk $0xffff, v15;
	v15 =	vand.u32 $0x7F, v20;
	v16 =	vand.u32 $0xFFFFFC00, v9  }
0x16a: {  	v5 =	vld [tilespmem:s18+$0xFFFFFE40];
	[tilespmem:v6+s25+$0x0] =	vst.idx.msk $0xffff, v19;
	v9 =	vor.u32 v15, v13;
	v13 =	vshll.u32 v25, $0x3;
	v15 =	vand.u32 $0x7F, v22  }
0x16b: {  	v14 =	vld [tilespmem:s18+$0xFFFFFE60];
	v18 =	vand.u32 $0x7F, v25;
	[tilespmem:v8+s25+$0x0] =	vst.idx.msk $0xffff, v12;
	v13 =	vand.u32 $0xFFFFFC00, v13;
	v15 =	vor.u32 v15, v16  }
0x16c: {  	v0 =	vld [tilespmem:s9+$0x1C0];
	[tilespmem:v10+s25+$0x0] =	vst.idx.msk $0xffff, v29;
	v18 =	vor.u32 v18, v13  }
0x16d: {  	v16 =	vor.u32 $0x80, v8;
	v13 =	vld [tilespmem:s18+$0xFFFFFE80];
	[tilespmem:v23+s25+$0x0] =	vst.idx.msk $0xffff, v17  }
0x16e: {  	v19 =	vor.u32 $0x100, v11;
	[tilespmem:v7+s25+$0x0] =	vst.idx.msk $0xffff, v51;
	v17 =	vld [tilespmem:s18+$0xFFFFFF70]  }
0x16f: {  	v21 =	vor.u32 $0x80, v6;
	v12 =	vld [tilespmem:s18+$0xFFFFFE90];
	[tilespmem:v9+s25+$0x0] =	vst.idx.msk $0xffff, v5  }
0x170: {  	v53 =	vor.u32 $0x80, v10;
	v22 =	vld [tilespmem:s18+$0xFFFFFEB0];
	[tilespmem:v15+s25+$0x0] =	vst.idx.msk $0xffff, v52  }
0x171: {  	v20 =	vld [tilespmem:s18+$0xFFFFFEA0];
	v5 =	vor.u32 $0x80, v7;
	[tilespmem:v18+s25+$0x0] =	vst.idx.msk $0xffff, v14  }
0x172: {  	v23 =	vld [tilespmem:s18+$0xFFFFFEC0];
	v14 =	vor.u32 $0x80, v9;
	[tilespmem:v16+s25+$0x0] =	vst.idx.msk $0xffff, v13  }
0x173: {  	v54 =	vld [tilespmem:s18+$0xFFFFFED0];
	v16 =	vor.u32 $0x80, v15;
	[tilespmem:v19+s25+$0x0] =	vst.idx.msk $0xffff, v17  }
0x174: {  	[tilespmem:v21+s25+$0x0] =	vst.idx.msk $0xffff, v12;
	v19 =	vor.u32 $0x180, v11;
	v17 =	vld [tilespmem:s18+$0xFFFFFFF0]  }
0x175: {  	v21 =	vld [tilespmem:s18+$0xFFFFFF10];
	[tilespmem:v53+s25+$0x0] =	vst.idx.msk $0xffff, v22;
	v22 =	vor.u32 $0x100, v6  }
0x176: {  	v12 =	vor.u32 $0x80, v18;
	v13 =	vld [tilespmem:s18+$0xFFFFFEE0];
	[tilespmem:v5+s25+$0x0] =	vst.idx.msk $0xffff, v20  }
0x177: {  	v55 =	vld [tilespmem:s18+$0xFFFFFF00];
	v5 =	vor.u32 $0x100, v8;
	[tilespmem:v14+s25+$0x0] =	vst.idx.msk $0xffff, v23  }
0x178: {  	v20 =	vld [tilespmem:s18+$0xFFFFFF20];
	v14 =	vor.u32 $0x100, v7;
	[tilespmem:v16+s25+$0x0] =	vst.idx.msk $0xffff, v54  }
0x179: {  	v24 =	vld [tilespmem:s18+$0xFFFFFF30];
	v16 =	vor.u32 $0x100, v10;
	[tilespmem:v19+s25+$0x0] =	vst.idx.msk $0xffff, v17  }
0x17a: {  	[tilespmem:v22+s25+$0x0] =	vst.idx.msk $0xffff, v21;
	v19 =	vor.u32 $0x200, v11;
	v17 =	vld [tilespmem:s18+$0x70]  }
0x17b: {  	v23 =	vld [tilespmem:s18+$0xFFFFFF40];
	[tilespmem:v12+s25+$0x0] =	vst.idx.msk $0xffff, v13;
	v12 =	vor.u32 $0x100, v9  }
0x17c: {  	v25 =	vld [tilespmem:s18+$0xFFFFFF50];
	v13 =	vor.u32 $0x100, v15;
	[tilespmem:v5+s25+$0x0] =	vst.idx.msk $0xffff, v55  }
0x17d: {  	v21 =	vor.u32 $0x100, v18;
	v5 =	vld [tilespmem:s18+$0xFFFFFF60];
	[tilespmem:v14+s25+$0x0] =	vst.idx.msk $0xffff, v20  }
0x17e: {  	v26 =	vld [tilespmem:s18+$0xFFFFFF80];
	v14 =	vor.u32 $0x180, v8;
	[tilespmem:v16+s25+$0x0] =	vst.idx.msk $0xffff, v24  }
0x17f: {  	v22 =	vld [tilespmem:s18+$0xFFFFFF90];
	v16 =	vor.u32 $0x180, v6;
	[tilespmem:v19+s25+$0x0] =	vst.idx.msk $0xffff, v17  }
0x180: {  	[tilespmem:v12+s25+$0x0] =	vst.idx.msk $0xffff, v23;
	v19 =	vor.u32 $0x280, v11;
	v17 =	vld [tilespmem:s18+$0xF0]  }
0x181: {  	v20 =	vld [tilespmem:s18+$0xFFFFFFA0];
	v12 =	vor.u32 $0x180, v7;
	[tilespmem:v13+s25+$0x0] =	vst.idx.msk $0xffff, v25  }
0x182: {  	v24 =	vld [tilespmem:s18+$0xFFFFFFB0];
	v13 =	vor.u32 $0x180, v10;
	[tilespmem:v21+s25+$0x0] =	vst.idx.msk $0xffff, v5  }
0x183: {  	v25 =	vld [tilespmem:s18+$0xFFFFFFD0];
	v21 =	vor.u32 $0x180, v15;
	[tilespmem:v14+s25+$0x0] =	vst.idx.msk $0xffff, v26  }
0x184: {  	v14 =	vld [tilespmem:s18+$0xFFFFFFE0];
	[tilespmem:v16+s25+$0x0] =	vst.idx.msk $0xffff, v22;
	v16 =	vor.u32 $0x180, v18  }
0x185: {  	v23 =	vld [tilespmem:s18+$0xFFFFFFC0];
	[tilespmem:v19+s25+$0x0] =	vst.idx.msk $0xffff, v17;
	v19 =	vor.u32 $0x180, v9  }
0x186: {  	[tilespmem:v12+s25+$0x0] =	vst.idx.msk $0xffff, v20;
	v17 =	vor.u32 $0x300, v11;
	v5 =	vld [tilespmem:s18+$0x170]  }
0x187: {  	v1 =	vld [tilespmem:s9+$0x1D0];
	[tilespmem:v13+s25+$0x0] =	vst.idx.msk $0xffff, v24  }
0x188: {  	v26 =	vld [tilespmem:s18+$0x0];
	v12 =	vor.u32 $0x200, v8;
	[tilespmem:v21+s25+$0x0] =	vst.idx.msk $0xffff, v25  }
0x189: {  	v22 =	vld [tilespmem:s18+$0x10];
	v13 =	vor.u32 $0x200, v6;
	[tilespmem:v16+s25+$0x0] =	vst.idx.msk $0xffff, v14  }
0x18a: {  	v24 =	vld [tilespmem:s18+$0x30];
	v21 =	vor.u32 $0x200, v10;
	[tilespmem:v19+s25+$0x0] =	vst.idx.msk $0xffff, v23  }
0x18b: {  	v14 =	vor.u32 $0x200, v9;
	[tilespmem:v17+s25+$0x0] =	vst.idx.msk $0xffff, v5;
	v19 =	vld [tilespmem:s18+$0x40]  }
0x18c: {  	v11 =	vor.u32 $0x380, v11;
	v5 =	vld [tilespmem:s18+$0x1F0]  }
0x18d: {  	v56 =	vor.u32 $0x200, v15;
	[tilespmem:v12+s25+$0x0] =	vst.idx.msk $0xffff, v26;
	v23 =	vld [tilespmem:s18+$0x50]  }
0x18e: {  	v20 =	vld [tilespmem:s18+$0x20];
	[tilespmem:v13+s25+$0x0] =	vst.idx.msk $0xffff, v22;
	v17 =	vor.u32 $0x200, v7  }
0x18f: {  	v16 =	vld [tilespmem:s18+$0x60];
	v13 =	vor.u32 $0x200, v18;
	[tilespmem:v21+s25+$0x0] =	vst.idx.msk $0xffff, v24  }
0x190: {  	v21 =	vld [tilespmem:s18+$0xB0];
	[tilespmem:v14+s25+$0x0] =	vst.idx.msk $0xffff, v19;
	v14 =	vor.u32 $0x280, v10  }
0x191: {  	v26 =	vld [tilespmem:s18+$0x80];
	[tilespmem:v11+s25+$0x0] =	vst.idx.msk $0xffff, v5;
	v5 =	vor.u32 $0x280, v8  }
0x192: {  	v22 =	vld [tilespmem:s18+$0x90];
	[tilespmem:v56+s25+$0x0] =	vst.idx.msk $0xffff, v23;
	v11 =	vor.u32 $0x280, v6  }
0x193: {  	v23 =	vor.u32 $0x280, v9;
	[tilespmem:v17+s25+$0x0] =	vst.idx.msk $0xffff, v20;
	v19 =	vld [tilespmem:s18+$0xC0]  }
0x194: {  	[tilespmem:v13+s25+$0x0] =	vst.idx.msk $0xffff, v16;
	v20 =	vor.u32 $0x280, v7;
	v17 =	vld [tilespmem:s18+$0xA0]  }
0x195: {  	v12 =	vld [tilespmem:s9+$0x1E0];
	[tilespmem:v14+s25+$0x0] =	vst.idx.msk $0xffff, v21  }
0x196: {  	v13 =	vor.u32 $0x280, v15;
	v57 =	vld [tilespmem:s18+$0xD0];
	[tilespmem:v5+s25+$0x0] =	vst.idx.msk $0xffff, v26  }
0x197: {  	v16 =	vor.u32 $0x280, v18;
	v5 =	vld [tilespmem:s18+$0xE0];
	[tilespmem:v11+s25+$0x0] =	vst.idx.msk $0xffff, v22  }
0x198: {  	v61 =	vld [tilespmem:s18+$0x130];
	[tilespmem:v23+s25+$0x0] =	vst.idx.msk $0xffff, v19;
	v23 =	vor.u32 $0x300, v10  }
0x199: {  	v11 =	vor.u32 $0x300, v8;
	[tilespmem:v20+s25+$0x0] =	vst.idx.msk $0xffff, v17;
	v58 =	vld [tilespmem:s18+$0x100]  }
0x19a: {  	v14 =	vor.u32 $0x300, v7;
	v60 =	vld [tilespmem:s18+$0x120]  }
0x19b: {  	[tilespmem:v13+s25+$0x0] =	vst.idx.msk $0xffff, v57;
	v17 =	vor.u32 $0x300, v6;
	v59 =	vld [tilespmem:s18+$0x110]  }
0x19c: {  	v22 =	vld [tilespmem:s18+$0x150];
	[tilespmem:v16+s25+$0x0] =	vst.idx.msk $0xffff, v5  }
0x19d: {  	v63 =	vor.u32 $0x300, v9;
	v62 =	vld [tilespmem:s18+$0x140];
	[tilespmem:v23+s25+$0x0] =	vst.idx.msk $0xffff, v61  }
0x19e: {  	v13 =	vor.u32 $0x300, v15;
	v5 =	vor.u32 $0x380, v2;
	[tilespmem:v11+s25+$0x0] =	vst.idx.msk $0xffff, v58;
	v20 =	vld [tilespmem:s18+$0x160]  }
0x19f: {  	v16 =	vor.u32 $0x300, v18;
	[tilespmem:v14+s25+$0x0] =	vst.idx.msk $0xffff, v60;
	v14 =	vor.u32 $0x380, v7;
	v7 =	vor.u32 $0x380, v15;
	v15 =	vld [tilespmem:s18+$0x1B0]  }
0x1a0: {  	s20 =	sshll.u32 s0, $0x5;
	v2 =	vor.u32 $0x380, v3;
	v3 =	vor.u32 $0x380, v4;
	[tilespmem:v17+s25+$0x0] =	vst.idx.msk $0xffff, v59;
	v11 =	vor.u32 $0x380, v8;
	v4 =	vld [tilespmem:s18+$0x180]  }
0x1a1: {  	s8 =	simm.s32 $0x8;
	s3 =	sadd.s32 s20, s6;
	v17 =	vor.u32 $0x380, v6;
	v19 =	vld [tilespmem:s18+$0x190]  }
0x1a2: {  	s20 =	simm.s32 $0x4E00;
	s19 =	sadd.s32 $0x8, s3;
	s9 =	simm.s32 $0x140;
	v10 =	vor.u32 $0x380, v10;
	v8 =	vor.u32 $0x380, v9;
	v6 =	vor.u32 $0x380, v18;
	[tilespmem:v63+s25+$0x0] =	vst.idx.msk $0xffff, v62;
	v21 =	vld [tilespmem:s18+$0x1A0]  }
.LBB2_5:
0x1a3: {  	v9 =	vld [tilespmem:s9+$0x30];
	s8 =	sadd.s32 $0x8, s8;
	[tilespmem:v13+s25+$0x0] =	vst.idx.msk $0xffff, v22  }
0x1a4: {  	v13 =	vld [tilespmem:s9+$0xFFFFFFD0];
	p1 =	slt.u32 s8, $0x78;
	[tilespmem:v16+s25+$0x0] =	vst.idx.msk $0xffff, v20  }
0x1a5: {  	v16 =	vld [tilespmem:s9+$0xFFFFFFE0];
	[tilespmem:v11+s25+$0x0] =	vst.idx.msk $0xffff, v4  }
0x1a6: {  	v11 =	vld [tilespmem:s9+$0xFFFFFFF0];
	[tilespmem:v17+s25+$0x0] =	vst.idx.msk $0xffff, v19  }
0x1a7: {  	v17 =	vld [tilespmem:s9+$0x0];
	[tilespmem:v14+s25+$0x0] =	vst.idx.msk $0xffff, v21  }
0x1a8: {  	v14 =	vld [tilespmem:s9+$0x10];
	v4 =	vshll.u32 v9, $0x3;
	[tilespmem:v10+s25+$0x0] =	vst.idx.msk $0xffff, v15  }
0x1a9: {  	s18 =	sadd.s32 $0x400, s18;
	v9 =	vand.u32 $0x7F, v9;
	v10 =	vshll.u32 v13, $0x3;
	v15 =	vld [tilespmem:s9+$0x20];
	v4 =	vand.u32 $0xFFFFFC00, v4;
	[tilespmem:v5+s25+$0x0] =	vst.idx.msk $0xffff, v0;
	v5 =	vmovc v8  }
0x1aa: {  	v0 =	vand.u32 $0xFFFFFC00, v10;
	v8 =	vshll.u32 v16, $0x3;
	v10 =	vld [tilespmem:s18+$0xFFFFFE70];
	v4 =	vor.u32 v9, v4;
	[tilespmem:v2+s25+$0x0] =	vst.idx.msk $0xffff, v1;
	v2 =	vmovc v7  }
0x1ab: {  	v7 =	vand.u32 $0x7F, v13;
	v1 =	vld [tilespmem:s9+$0xFFFFFFC0];
	v8 =	vand.u32 $0xFFFFFC00, v8;
	v9 =	vshll.u32 v11, $0x3;
	[tilespmem:v3+s25+$0x0] =	vst.idx.msk $0xffff, v12;
	v3 =	vmovc v6  }
0x1ac: {  	v12 =	vand.u32 $0x7F, v16;
	v6 =	vld [tilespmem:s18+$0xFFFFFE00];
	v9 =	vand.u32 $0xFFFFFC00, v9;
	v13 =	vshll.u32 v17, $0x3  }
0x1ad: {  	v11 =	vand.u32 $0x7F, v11;
	v16 =	vld [tilespmem:s18+$0xFFFFFE10];
	v13 =	vand.u32 $0xFFFFFC00, v13;
	v18 =	vshll.u32 v14, $0x3  }
0x1ae: {  	v17 =	vand.u32 $0x7F, v17;
	v19 =	vld [tilespmem:s18+$0xFFFFFE20];
	v18 =	vand.u32 $0xFFFFFC00, v18;
	v20 =	vshll.u32 v15, $0x3  }
0x1af: {  	v14 =	vand.u32 $0x7F, v14;
	v15 =	vand.u32 $0x7F, v15;
	v21 =	vld [tilespmem:s18+$0xFFFFFE30];
	v20 =	vand.u32 $0xFFFFFC00, v20;
	[tilespmem:v4+s25+$0x0] =	vst.idx.msk $0xffff, v10  }
0x1b0: {  	v23 =	vor.u32 $0x80, v4;
	v10 =	vand.u32 $0x7F, v1;
	v1 =	vshll.u32 v1, $0x3;
	v22 =	vld [tilespmem:s18+$0xFFFFFEF0]  }
0x1b1: {  	v7 =	vor.u32 v7, v0;
	v8 =	vor.u32 v12, v8;
	v1 =	vand.u32 $0xFFFFFC00, v1;
	v12 =	vld [tilespmem:s18+$0xFFFFFE40]  }
0x1b2: {  	v27 =	vor.u32 v11, v9;
	v28 =	vor.u32 v17, v13;
	v10 =	vor.u32 v10, v1;
	v9 =	vld [tilespmem:s18+$0xFFFFFE50]  }
0x1b3: {  	v29 =	vor.u32 v14, v18;
	v30 =	vor.u32 v15, v20;
	v11 =	vor.u32 $0x80, v10;
	v13 =	vld [tilespmem:s18+$0xFFFFFE60]  }
0x1b4: {  	v17 =	vor.u32 $0x80, v27;
	v14 =	vor.u32 $0x80, v7;
	v15 =	vor.u32 $0x80, v8;
	v0 =	vld [tilespmem:s20+$0x1C0]  }
0x1b5: {  	v31 =	vor.u32 $0x80, v28;
	v32 =	vor.u32 $0x80, v29;
	v33 =	vor.u32 $0x80, v30;
	[tilespmem:v23+s25+$0x0] =	vst.idx.msk $0xffff, v22;
	v1 =	vld [tilespmem:s20+$0x1D0]  }
0x1b6: {  	v35 =	vor.u32 $0x100, v7;
	v18 =	vor.u32 $0x100, v4;
	v34 =	vor.u32 $0x100, v10;
	[tilespmem:v7+s25+$0x0] =	vst.idx.msk $0xffff, v16;
	v16 =	vld [tilespmem:s18+$0xFFFFFF70]  }
0x1b7: {  	v36 =	vor.u32 $0x100, v8;
	v37 =	vor.u32 $0x100, v27;
	v38 =	vor.u32 $0x100, v28;
	[tilespmem:v10+s25+$0x0] =	vst.idx.msk $0xffff, v6;
	v6 =	vld [tilespmem:s18+$0xFFFFFE90]  }
0x1b8: {  	v40 =	vor.u32 $0x100, v29;
	v41 =	vor.u32 $0x100, v30;
	v39 =	vor.u32 $0x180, v10;
	v20 =	vld [tilespmem:s18+$0xFFFFFE80];
	[tilespmem:v8+s25+$0x0] =	vst.idx.msk $0xffff, v19  }
0x1b9: {  	v42 =	vor.u32 $0x180, v7;
	v44 =	vor.u32 $0x180, v8;
	v45 =	vor.u32 $0x180, v27;
	v43 =	vld [tilespmem:s18+$0xFFFFFEA0];
	[tilespmem:v27+s25+$0x0] =	vst.idx.msk $0xffff, v21  }
0x1ba: {  	v47 =	vor.u32 $0x180, v29;
	v48 =	vor.u32 $0x180, v30;
	v46 =	vld [tilespmem:s18+$0xFFFFFEB0];
	[tilespmem:v28+s25+$0x0] =	vst.idx.msk $0xffff, v12;
	v12 =	vor.u32 $0x180, v28  }
0x1bb: {  	v50 =	vor.u32 $0x200, v7;
	v51 =	vor.u32 $0x200, v8;
	v49 =	vor.u32 $0x200, v10;
	v52 =	vld [tilespmem:s18+$0xFFFFFEC0];
	[tilespmem:v18+s25+$0x0] =	vst.idx.msk $0xffff, v16  }
0x1bc: {  	v55 =	vor.u32 $0x180, v4;
	v53 =	vor.u32 $0x200, v27;
	v54 =	vor.u32 $0x200, v28;
	[tilespmem:v29+s25+$0x0] =	vst.idx.msk $0xffff, v9;
	v16 =	vld [tilespmem:s18+$0xFFFFFFF0]  }
0x1bd: {  	v57 =	vor.u32 $0x200, v29;
	v58 =	vor.u32 $0x200, v30;
	v24 =	vor.u32 $0x280, v10;
	v56 =	vld [tilespmem:s18+$0xFFFFFED0];
	[tilespmem:v30+s25+$0x0] =	vst.idx.msk $0xffff, v13  }
0x1be: {  	v59 =	vor.u32 $0x280, v7;
	v25 =	vor.u32 $0x280, v8;
	v22 =	vor.u32 $0x280, v27;
	[tilespmem:v11+s25+$0x0] =	vst.idx.msk $0xffff, v20;
	v60 =	vld [tilespmem:s18+$0xFFFFFEE0]  }
0x1bf: {  	v26 =	vor.u32 $0x280, v28;
	v23 =	vor.u32 $0x280, v29;
	v21 =	vor.u32 $0x280, v30;
	v61 =	vld [tilespmem:s18+$0xFFFFFF00];
	[tilespmem:v14+s25+$0x0] =	vst.idx.msk $0xffff, v6  }
0x1c0: {  	v19 =	vor.u32 $0x300, v7;
	v20 =	vor.u32 $0x300, v10;
	v62 =	vld [tilespmem:s18+$0xFFFFFF10];
	[tilespmem:v15+s25+$0x0] =	vst.idx.msk $0xffff, v43;
	v15 =	vor.u32 $0x300, v8  }
0x1c1: {  	v18 =	vor.u32 $0x300, v27;
	v9 =	vor.u32 $0x300, v28;
	v13 =	vor.u32 $0x300, v29;
	v43 =	vld [tilespmem:s18+$0xFFFFFF20];
	[tilespmem:v55+s25+$0x0] =	vst.idx.msk $0xffff, v16  }
0x1c2: {  	v11 =	vor.u32 $0x380, v10;
	v16 =	vor.u32 $0x300, v30;
	v55 =	vor.u32 $0x200, v4;
	[tilespmem:v17+s25+$0x0] =	vst.idx.msk $0xffff, v46;
	v46 =	vld [tilespmem:s18+$0x70]  }
0x1c3: {  	v10 =	vor.u32 $0x380, v27;
	v14 =	vor.u32 $0x380, v8;
	v17 =	vor.u32 $0x380, v7;
	v63 =	vld [tilespmem:s18+$0xFFFFFF30];
	[tilespmem:v31+s25+$0x0] =	vst.idx.msk $0xffff, v52  }
0x1c4: {  	v6 =	vor.u32 $0x380, v30;
	v8 =	vor.u32 $0x380, v28;
	v7 =	vor.u32 $0x380, v29;
	v27 =	vld [tilespmem:s18+$0xFFFFFF40];
	[tilespmem:v32+s25+$0x0] =	vst.idx.msk $0xffff, v56  }
0x1c5: {  	v28 =	vld [tilespmem:s18+$0xFFFFFF50];
	[tilespmem:v33+s25+$0x0] =	vst.idx.msk $0xffff, v60  }
0x1c6: {  	[tilespmem:v34+s25+$0x0] =	vst.idx.msk $0xffff, v61;
	v29 =	vld [tilespmem:s18+$0xFFFFFF60]  }
0x1c7: {  	v30 =	vld [tilespmem:s18+$0xFFFFFF80];
	[tilespmem:v55+s25+$0x0] =	vst.idx.msk $0xffff, v46  }
0x1c8: {  	v32 =	vor.u32 $0x280, v4;
	[tilespmem:v35+s25+$0x0] =	vst.idx.msk $0xffff, v62;
	v31 =	vld [tilespmem:s18+$0xF0]  }
0x1c9: {  	v33 =	vld [tilespmem:s18+$0xFFFFFF90];
	[tilespmem:v36+s25+$0x0] =	vst.idx.msk $0xffff, v43  }
0x1ca: {  	v34 =	vld [tilespmem:s18+$0xFFFFFFA0];
	[tilespmem:v37+s25+$0x0] =	vst.idx.msk $0xffff, v63  }
0x1cb: {  	v35 =	vld [tilespmem:s18+$0xFFFFFFB0];
	[tilespmem:v38+s25+$0x0] =	vst.idx.msk $0xffff, v27  }
0x1cc: {  	v27 =	vld [tilespmem:s18+$0xFFFFFFC0];
	[tilespmem:v40+s25+$0x0] =	vst.idx.msk $0xffff, v28  }
0x1cd: {  	v28 =	vld [tilespmem:s18+$0xFFFFFFD0];
	[tilespmem:v32+s25+$0x0] =	vst.idx.msk $0xffff, v31  }
0x1ce: {  	v31 =	vor.u32 $0x300, v4;
	[tilespmem:v41+s25+$0x0] =	vst.idx.msk $0xffff, v29;
	v29 =	vld [tilespmem:s18+$0x170]  }
0x1cf: {  	[tilespmem:v39+s25+$0x0] =	vst.idx.msk $0xffff, v30;
	v30 =	vld [tilespmem:s18+$0xFFFFFFE0]  }
0x1d0: {  	v32 =	vld [tilespmem:s18+$0x0];
	[tilespmem:v42+s25+$0x0] =	vst.idx.msk $0xffff, v33  }
0x1d1: {  	v33 =	vld [tilespmem:s18+$0x10];
	[tilespmem:v44+s25+$0x0] =	vst.idx.msk $0xffff, v34  }
0x1d2: {  	v34 =	vld [tilespmem:s18+$0x20];
	[tilespmem:v45+s25+$0x0] =	vst.idx.msk $0xffff, v35  }
0x1d3: {  	v35 =	vld [tilespmem:s18+$0x30];
	[tilespmem:v31+s25+$0x0] =	vst.idx.msk $0xffff, v29  }
0x1d4: {  	v4 =	vor.u32 $0x380, v4;
	[tilespmem:v12+s25+$0x0] =	vst.idx.msk $0xffff, v27;
	v12 =	vld [tilespmem:s18+$0x1F0]  }
0x1d5: {  	v27 =	vld [tilespmem:s18+$0x40];
	[tilespmem:v47+s25+$0x0] =	vst.idx.msk $0xffff, v28  }
0x1d6: {  	v28 =	vld [tilespmem:s18+$0x50];
	[tilespmem:v48+s25+$0x0] =	vst.idx.msk $0xffff, v30  }
0x1d7: {  	[tilespmem:v49+s25+$0x0] =	vst.idx.msk $0xffff, v32;
	v29 =	vld [tilespmem:s18+$0x60]  }
0x1d8: {  	v30 =	vld [tilespmem:s18+$0x80];
	[tilespmem:v50+s25+$0x0] =	vst.idx.msk $0xffff, v33  }
0x1d9: {  	v31 =	vld [tilespmem:s18+$0x90];
	[tilespmem:v4+s25+$0x0] =	vst.idx.msk $0xffff, v12  }
0x1da: {  	[tilespmem:v51+s25+$0x0] =	vst.idx.msk $0xffff, v34;
	v12 =	vld [tilespmem:s20+$0x1E0];
	s20 =	smov.u32 s18  }
0x1db: {  	v4 =	vld [tilespmem:s18+$0xA0];
	[tilespmem:v53+s25+$0x0] =	vst.idx.msk $0xffff, v35  }
0x1dc: {  	v32 =	vld [tilespmem:s18+$0xB0];
	[tilespmem:v54+s25+$0x0] =	vst.idx.msk $0xffff, v27  }
0x1dd: {  	v27 =	vld [tilespmem:s18+$0xC0];
	[tilespmem:v57+s25+$0x0] =	vst.idx.msk $0xffff, v28  }
0x1de: {  	v28 =	vld [tilespmem:s18+$0xD0];
	[tilespmem:v58+s25+$0x0] =	vst.idx.msk $0xffff, v29  }
0x1df: {  	[tilespmem:v24+s25+$0x0] =	vst.idx.msk $0xffff, v30;
	v24 =	vld [tilespmem:s18+$0xE0]  }
0x1e0: {  	v29 =	vld [tilespmem:s18+$0x100];
	[tilespmem:v59+s25+$0x0] =	vst.idx.msk $0xffff, v31  }
0x1e1: {  	v30 =	vld [tilespmem:s18+$0x110];
	[tilespmem:v25+s25+$0x0] =	vst.idx.msk $0xffff, v4  }
0x1e2: {  	v25 =	vld [tilespmem:s18+$0x120];
	[tilespmem:v22+s25+$0x0] =	vst.idx.msk $0xffff, v32  }
0x1e3: {  	v31 =	vld [tilespmem:s18+$0x130];
	[tilespmem:v26+s25+$0x0] =	vst.idx.msk $0xffff, v27  }
0x1e4: {  	v26 =	vld [tilespmem:s18+$0x140];
	[tilespmem:v23+s25+$0x0] =	vst.idx.msk $0xffff, v28  }
0x1e5: {  	v22 =	vld [tilespmem:s18+$0x150];
	[tilespmem:v21+s25+$0x0] =	vst.idx.msk $0xffff, v24  }
.Ltmp3:
0x1e6: {  	[tilespmem:v20+s25+$0x0] =	vst.idx.msk $0xffff, v29;
	v20 =	vld [tilespmem:s18+$0x160];
	(pc) =	sbr.rel @p1 .LBB2_5-.Ltmp3, $4  }
0x1e7: {  	v4 =	vld [tilespmem:s18+$0x180];
	[tilespmem:v19+s25+$0x0] =	vst.idx.msk $0xffff, v30  }
0x1e8: {  	v19 =	vld [tilespmem:s18+$0x190];
	[tilespmem:v15+s25+$0x0] =	vst.idx.msk $0xffff, v25  }
0x1e9: {  	v21 =	vld [tilespmem:s18+$0x1A0];
	[tilespmem:v18+s25+$0x0] =	vst.idx.msk $0xffff, v31  }
0x1ea: {  	s9 =	sadd.s32 $0x80, s9;
	v15 =	vld [tilespmem:s18+$0x1B0];
	[tilespmem:v9+s25+$0x0] =	vst.idx.msk $0xffff, v26  }
0x1eb: {  	_ =	sdelay $0x3  }
0x1ec: {  	[tilespmem:v13+s25+$0x0] =	vst.idx.msk $0xffff, v22  }
0x1ed: {  	[tilespmem:v16+s25+$0x0] =	vst.idx.msk $0xffff, v20  }
0x1ee: {  	[tilespmem:v5+s25+$0x0] =	vst.idx.msk $0xffff, v0  }
0x1ef: {  	[tilespmem:v2+s25+$0x0] =	vst.idx.msk $0xffff, v1  }
0x1f0: {  	[tilespmem:v11+s25+$0x0] =	vst.idx.msk $0xffff, v4;
	v4 =	vld [tilespmem:s20+$0x1C0]  }
0x1f1: {  	[tilespmem:v3+s25+$0x0] =	vst.idx.msk $0xffff, v12;
	v9 =	vld [tilespmem:s20+$0x1D0]  }
0x1f2: {  	v0 =	vld [tilespmem:s20+$0x1E0];
	[tilespmem:v17+s25+$0x0] =	vst.idx.msk $0xffff, v19  }
0x1f3: {  	[tilespmem:v14+s25+$0x0] =	vst.idx.msk $0xffff, v21  }
0x1f4: {  	[tilespmem:v10+s25+$0x0] =	vst.idx.msk $0xffff, v15  }
0x1f5: {  	[tilespmem:v8+s25+$0x0] =	vst.idx.msk $0xffff, v4  }
0x1f6: {  	s8 =	sshll.u32 s19, $0x8;
	[tilespmem:v7+s25+$0x0] =	vst.idx.msk $0xffff, v9  }
0x1f7: {  	s8 =	sadd.s32 s4, s8;
	[tilespmem:v6+s25+$0x0] =	vst.idx.msk $0xffff, v0  }
0x1f8: {  	[hbm4b:s8+s5] =	stream.linear.scatter [tilespmem:s25], [sflag:$0x6], $0x4000, $0x38;
	[tilespmem:$0x18800] =	vst v63  }
0x1f9: {  	s8 =	sadd.s32 @!p0 s1, s13  }
0x1fa: {  	s8 =	sshll.u32 @!p0 s8, $0xB  }
0x1fb: {  	s9 =	simm.s32 @!p0 $0x0;
	s18 =	simm.s32 @!p0 $0x4800;
	s8 =	sadd.s32 @!p0 s2, s8  }
0x1fc: {  	[tilespmem:s18], [sflag:$0x2] =	stream.linear.gather @!p0 [hbm4b:s8+s9], $0x4000, $0x38;
	[tilespmem:$0x18800] =	vst v63  }
0x1fd: {  	_ =	swait.ge [sflag:s26], $0x4000  }
0x1fe: {  	[sflag:s26] =	ssyncset.done $0x0  }
0x1ff: {  	[sflag:s26] =	ssyncadd.s32 $0xFFFFC000  }
0x200: {  	_ =	swait.ge [sflag:s28], $0x4000  }
0x201: {  	[sflag:s28] =	ssyncset.done $0x0  }
0x202: {  	s20 =	simm.s32 $0x40;
	[sflag:s28] =	ssyncadd.s32 $0xFFFFC000  }
0x203: {  	v0 =	vld [tilespmem:s20+$0x30]  }
0x204: {  	v1 =	vld [tilespmem:s20+$0xFFFFFFD0]  }
0x205: {  	v2 =	vld [tilespmem:s20+$0xFFFFFFE0]  }
0x206: {  	v3 =	vld [tilespmem:s20+$0xFFFFFFF0]  }
0x207: {  	s9 =	simm.s32 $0x8A00;
	v6 =	vld [tilespmem:s20+$0x0]  }
0x208: {  	v5 =	vld [tilespmem:s9+$0xFFFFFE70]  }
0x209: {  	v8 =	vld [tilespmem:s20+$0x10]  }
0x20a: {  	v9 =	vld [tilespmem:s20+$0x20];
	v4 =	vshll.u32 v0, $0x3  }
0x20b: {  	v11 =	vld [tilespmem:s9+$0xFFFFFE00];
	v0 =	vand.u32 $0x7F, v0;
	v4 =	vand.u32 $0xFFFFFC00, v4  }
0x20c: {  	v0 =	vor.u32 v0, v4;
	v4 =	vld [tilespmem:s20+$0xFFFFFFC0]  }
0x20d: {  	v13 =	vld [tilespmem:s9+$0xFFFFFE10]  }
0x20e: {  	v16 =	vld [tilespmem:s9+$0xFFFFFE20];
	v7 =	vshll.u32 v1, $0x3  }
0x20f: {  	s18 =	simm.s32 $0x8E00;
	v18 =	vld [tilespmem:s9+$0xFFFFFE30];
	v10 =	vshll.u32 v2, $0x3;
	v1 =	vand.u32 $0x7F, v1;
	v12 =	vshll.u32 v3, $0x3  }
0x210: {  	v26 =	vld [tilespmem:s18+$0xFFFFFE70];
	v2 =	vand.u32 $0x7F, v2;
	v17 =	vshll.u32 v6, $0x3;
	v7 =	vand.u32 $0xFFFFFC00, v7  }
0x211: {  	v52 =	vld [tilespmem:s18+$0xFFFFFE20];
	v3 =	vand.u32 $0x7F, v3;
	v1 =	vor.u32 v1, v7;
	[tilespmem:v0+s23+$0x0] =	vst.idx.msk $0xffff, v5;
	v5 =	vshll.u32 v4, $0x3  }
0x212: {  	s20 =	simm.s32 $0xC0;
	v15 =	vor.u32 $0x80, v0;
	v4 =	vand.u32 $0x7F, v4;
	v14 =	vld [tilespmem:s9+$0xFFFFFEF0];
	v5 =	vand.u32 $0xFFFFFC00, v5  }
0x213: {  	v10 =	vand.u32 $0xFFFFFC00, v10;
	v12 =	vand.u32 $0xFFFFFC00, v12;
	v22 =	vld [tilespmem:s20+$0x10];
	v7 =	vor.u32 v4, v5  }
0x214: {  	v27 =	vld [tilespmem:s20+$0xFFFFFFC0];
	v4 =	vand.u32 $0xFFFFFC00, v17;
	v5 =	vor.u32 v2, v10;
	v2 =	vshll.u32 v8, $0x3  }
0x215: {  	v10 =	vld [tilespmem:s9+$0xFFFFFE40];
	v17 =	vand.u32 $0x7F, v6;
	v6 =	vor.u32 v3, v12;
	v8 =	vand.u32 $0x7F, v8  }
0x216: {  	[tilespmem:v1+s23+$0x0] =	vst.idx.msk $0xffff, v13;
	v12 =	vld [tilespmem:s9+$0xFFFFFE50];
	v3 =	vand.u32 $0xFFFFFC00, v2;
	v2 =	vor.u32 v17, v4;
	v4 =	vshll.u32 v9, $0x3  }
0x217: {  	v17 =	vld [tilespmem:s9+$0xFFFFFE60];
	v9 =	vand.u32 $0x7F, v9;
	v4 =	vand.u32 $0xFFFFFC00, v4;
	v3 =	vor.u32 v8, v3;
	[tilespmem:v15+s23+$0x0] =	vst.idx.msk $0xffff, v14  }
0x218: {  	v8 =	vld [tilespmem:s9+$0xFFFFFE90];
	v4 =	vor.u32 v9, v4;
	[tilespmem:v7+s23+$0x0] =	vst.idx.msk $0xffff, v11  }
0x219: {  	v14 =	vor.u32 $0x100, v0;
	v13 =	vld [tilespmem:s9+$0xFFFFFF70];
	[tilespmem:v5+s23+$0x0] =	vst.idx.msk $0xffff, v16  }
0x21a: {  	[tilespmem:v6+s23+$0x0] =	vst.idx.msk $0xffff, v18;
	v16 =	vor.u32 $0x80, v1;
	v9 =	vld [tilespmem:s9+$0xFFFFFE80]  }
0x21b: {  	v11 =	vor.u32 $0x80, v7;
	v15 =	vld [tilespmem:s9+$0xFFFFFEA0];
	[tilespmem:v2+s23+$0x0] =	vst.idx.msk $0xffff, v10  }
0x21c: {  	v18 =	vld [tilespmem:s9+$0xFFFFFEB0];
	v10 =	vor.u32 $0x80, v5;
	[tilespmem:v3+s23+$0x0] =	vst.idx.msk $0xffff, v12  }
0x21d: {  	v19 =	vld [tilespmem:s9+$0xFFFFFEC0];
	[tilespmem:v4+s23+$0x0] =	vst.idx.msk $0xffff, v17;
	v17 =	vor.u32 $0x80, v2  }
0x21e: {  	v20 =	vld [tilespmem:s9+$0xFFFFFED0];
	[tilespmem:v14+s23+$0x0] =	vst.idx.msk $0xffff, v13;
	v14 =	vor.u32 $0x80, v6  }
0x21f: {  	v13 =	vor.u32 $0x180, v0;
	[tilespmem:v16+s23+$0x0] =	vst.idx.msk $0xffff, v8;
	v12 =	vld [tilespmem:s9+$0xFFFFFFF0]  }
0x220: {  	[tilespmem:v11+s23+$0x0] =	vst.idx.msk $0xffff, v9;
	v9 =	vld [tilespmem:s9+$0xFFFFFEE0];
	v11 =	vor.u32 $0x80, v3  }
0x221: {  	v8 =	vor.u32 $0x80, v4;
	v16 =	vld [tilespmem:s9+$0xFFFFFF10];
	[tilespmem:v10+s23+$0x0] =	vst.idx.msk $0xffff, v15  }
0x222: {  	v10 =	vor.u32 $0x100, v7;
	v21 =	vld [tilespmem:s9+$0xFFFFFF00];
	[tilespmem:v17+s23+$0x0] =	vst.idx.msk $0xffff, v19  }
0x223: {  	v15 =	vld [tilespmem:s9+$0xFFFFFF20];
	v17 =	vor.u32 $0x100, v5;
	[tilespmem:v14+s23+$0x0] =	vst.idx.msk $0xffff, v18  }
0x224: {  	v19 =	vld [tilespmem:s9+$0xFFFFFF40];
	v14 =	vor.u32 $0x100, v1;
	[tilespmem:v13+s23+$0x0] =	vst.idx.msk $0xffff, v12  }
0x225: {  	v18 =	vld [tilespmem:s9+$0xFFFFFF30];
	[tilespmem:v11+s23+$0x0] =	vst.idx.msk $0xffff, v20;
	v11 =	vor.u32 $0x100, v6  }
0x226: {  	[tilespmem:v8+s23+$0x0] =	vst.idx.msk $0xffff, v9;
	v8 =	vor.u32 $0x100, v2;
	v12 =	vld [tilespmem:s9+$0x70]  }
0x227: {  	v13 =	vor.u32 $0x200, v0;
	v20 =	vld [tilespmem:s9+$0xFFFFFF50];
	[tilespmem:v10+s23+$0x0] =	vst.idx.msk $0xffff, v21  }
0x228: {  	v9 =	vld [tilespmem:s9+$0xFFFFFF60];
	v10 =	vor.u32 $0x100, v3;
	[tilespmem:v17+s23+$0x0] =	vst.idx.msk $0xffff, v15  }
0x229: {  	v21 =	vld [tilespmem:s9+$0xFFFFFF80];
	v15 =	vor.u32 $0x180, v7;
	[tilespmem:v14+s23+$0x0] =	vst.idx.msk $0xffff, v16  }
0x22a: {  	v17 =	vld [tilespmem:s9+$0xFFFFFFA0];
	v14 =	vor.u32 $0x100, v4;
	[tilespmem:v11+s23+$0x0] =	vst.idx.msk $0xffff, v18  }
0x22b: {  	v16 =	vld [tilespmem:s9+$0xFFFFFF90];
	v11 =	vor.u32 $0x180, v1;
	[tilespmem:v8+s23+$0x0] =	vst.idx.msk $0xffff, v19  }
0x22c: {  	v8 =	vor.u32 $0x180, v5;
	[tilespmem:v13+s23+$0x0] =	vst.idx.msk $0xffff, v12;
	v18 =	vld [tilespmem:s9+$0xFFFFFFB0]  }
0x22d: {  	v19 =	vld [tilespmem:s9+$0xFFFFFFC0];
	[tilespmem:v10+s23+$0x0] =	vst.idx.msk $0xffff, v20;
	v10 =	vor.u32 $0x180, v6  }
0x22e: {  	v13 =	vor.u32 $0x280, v0;
	v12 =	vld [tilespmem:s9+$0xF0];
	[tilespmem:v15+s23+$0x0] =	vst.idx.msk $0xffff, v21  }
0x22f: {  	v20 =	vld [tilespmem:s9+$0xFFFFFFD0];
	v15 =	vor.u32 $0x180, v3;
	[tilespmem:v14+s23+$0x0] =	vst.idx.msk $0xffff, v9  }
0x230: {  	v14 =	vld [tilespmem:s9+$0xFFFFFFE0];
	[tilespmem:v11+s23+$0x0] =	vst.idx.msk $0xffff, v16;
	v11 =	vor.u32 $0x180, v4  }
0x231: {  	v21 =	vld [tilespmem:s9+$0x0];
	[tilespmem:v8+s23+$0x0] =	vst.idx.msk $0xffff, v17;
	v8 =	vor.u32 $0x200, v7  }
0x232: {  	v16 =	vld [tilespmem:s9+$0x10];
	[tilespmem:v10+s23+$0x0] =	vst.idx.msk $0xffff, v18;
	v10 =	vor.u32 $0x200, v1  }
0x233: {  	v17 =	vld [tilespmem:s9+$0x20];
	[tilespmem:v13+s23+$0x0] =	vst.idx.msk $0xffff, v12;
	v13 =	vor.u32 $0x180, v2  }
0x234: {  	v12 =	vor.u32 $0x300, v0;
	[tilespmem:v15+s23+$0x0] =	vst.idx.msk $0xffff, v20;
	v9 =	vld [tilespmem:s9+$0x170]  }
0x235: {  	v20 =	vld [tilespmem:s9+$0x50];
	[tilespmem:v11+s23+$0x0] =	vst.idx.msk $0xffff, v14;
	v11 =	vor.u32 $0x200, v3  }
0x236: {  	[tilespmem:v8+s23+$0x0] =	vst.idx.msk $0xffff, v21;
	v14 =	vor.u32 $0x200, v4;
	v8 =	vld [tilespmem:s9+$0x60]  }
0x237: {  	v21 =	vld [tilespmem:s9+$0x80];
	[tilespmem:v10+s23+$0x0] =	vst.idx.msk $0xffff, v16;
	v10 =	vor.u32 $0x280, v7  }
0x238: {  	v18 =	vld [tilespmem:s9+$0x30];
	[tilespmem:v13+s23+$0x0] =	vst.idx.msk $0xffff, v19;
	v13 =	vor.u32 $0x200, v6  }
0x239: {  	v16 =	vld [tilespmem:s9+$0x90];
	[tilespmem:v12+s23+$0x0] =	vst.idx.msk $0xffff, v9;
	v9 =	vor.u32 $0x200, v5  }
0x23a: {  	v15 =	vor.u32 $0x200, v2;
	v19 =	vld [tilespmem:s9+$0x40];
	[tilespmem:v11+s23+$0x0] =	vst.idx.msk $0xffff, v20  }
0x23b: {  	v12 =	vld [tilespmem:s9+$0x1F0];
	[tilespmem:v14+s23+$0x0] =	vst.idx.msk $0xffff, v8  }
0x23c: {  	v20 =	vld [tilespmem:s9+$0xD0];
	v8 =	vor.u32 $0x280, v3;
	[tilespmem:v10+s23+$0x0] =	vst.idx.msk $0xffff, v21  }
0x23d: {  	v14 =	vor.u32 $0x280, v4;
	[tilespmem:v13+s23+$0x0] =	vst.idx.msk $0xffff, v18;
	v10 =	vld [tilespmem:s9+$0xE0]  }
0x23e: {  	v21 =	vld [tilespmem:s9+$0x100];
	[tilespmem:v9+s23+$0x0] =	vst.idx.msk $0xffff, v17;
	v9 =	vor.u32 $0x280, v1  }
0x23f: {  	v18 =	vld [tilespmem:s9+$0xB0];
	[tilespmem:v15+s23+$0x0] =	vst.idx.msk $0xffff, v19;
	v15 =	vor.u32 $0x280, v6  }
0x240: {  	v13 =	vor.u32 $0x280, v5;
	v17 =	vld [tilespmem:s9+$0xA0]  }
0x241: {  	v11 =	vor.u32 $0x280, v2;
	v19 =	vld [tilespmem:s9+$0xC0];
	[tilespmem:v8+s23+$0x0] =	vst.idx.msk $0xffff, v20  }
0x242: {  	v8 =	vld [tilespmem:s9+$0x150];
	[tilespmem:v14+s23+$0x0] =	vst.idx.msk $0xffff, v10  }
0x243: {  	v10 =	vld [tilespmem:s20+$0x30];
	[tilespmem:v9+s23+$0x0] =	vst.idx.msk $0xffff, v16;
	v9 =	vor.u32 $0x300, v7  }
0x244: {  	v0 =	vor.u32 $0x380, v0;
	[tilespmem:v15+s23+$0x0] =	vst.idx.msk $0xffff, v18;
	v16 =	vld [tilespmem:s9+$0x110]  }
0x245: {  	[tilespmem:v13+s23+$0x0] =	vst.idx.msk $0xffff, v17;
	v13 =	vor.u32 $0x300, v1;
	v18 =	vld [tilespmem:s9+$0x130]  }
0x246: {  	[tilespmem:v11+s23+$0x0] =	vst.idx.msk $0xffff, v19;
	v11 =	vor.u32 $0x300, v6;
	v17 =	vld [tilespmem:s9+$0x120]  }
0x247: {  	v15 =	vor.u32 $0x300, v5;
	v19 =	vld [tilespmem:s9+$0x140]  }
0x248: {  	v24 =	vor.u32 $0x300, v3;
	v23 =	vshll.u32 v10, $0x3;
	[tilespmem:v9+s23+$0x0] =	vst.idx.msk $0xffff, v21;
	v9 =	vld [tilespmem:s9+$0x160]  }
0x249: {  	[tilespmem:v0+s23+$0x0] =	vst.idx.msk $0xffff, v12;
	v10 =	vand.u32 $0x7F, v10;
	v21 =	vor.u32 $0x300, v2;
	v23 =	vand.u32 $0xFFFFFC00, v23;
	v14 =	vld [tilespmem:s9+$0x180]  }
0x24a: {  	[tilespmem:v13+s23+$0x0] =	vst.idx.msk $0xffff, v16;
	v16 =	vld [tilespmem:s20+$0xFFFFFFD0];
	v10 =	vor.u32 v10, v23  }
0x24b: {  	[tilespmem:v11+s23+$0x0] =	vst.idx.msk $0xffff, v18;
	v18 =	vld [tilespmem:s20+$0xFFFFFFF0];
	v23 =	vor.u32 $0x300, v4  }
0x24c: {  	v7 =	vor.u32 $0x380, v7;
	[tilespmem:v15+s23+$0x0] =	vst.idx.msk $0xffff, v17;
	v17 =	vld [tilespmem:s20+$0xFFFFFFE0]  }
0x24d: {  	v20 =	vld [tilespmem:s20+$0x0];
	[tilespmem:v24+s23+$0x0] =	vst.idx.msk $0xffff, v8  }
0x24e: {  	v0 =	vor.u32 $0x380, v1;
	v13 =	vld [tilespmem:s9+$0x190];
	[tilespmem:v21+s23+$0x0] =	vst.idx.msk $0xffff, v19  }
0x24f: {  	v1 =	vor.u32 $0x380, v5;
	v15 =	vld [tilespmem:s9+$0x1A0];
	v21 =	vor.u32 $0x380, v6;
	v5 =	vshll.u32 v16, $0x3;
	[tilespmem:v10+s23+$0x0] =	vst.idx.msk $0xffff, v26  }
0x250: {  	v25 =	vld [tilespmem:s20+$0x20];
	v8 =	vand.u32 $0x7F, v16;
	v28 =	vshll.u32 v18, $0x3;
	[tilespmem:v23+s23+$0x0] =	vst.idx.msk $0xffff, v9;
	v23 =	vor.u32 $0x80, v10  }
0x251: {  	v11 =	vld [tilespmem:s9+$0x1B0];
	[tilespmem:v7+s23+$0x0] =	vst.idx.msk $0xffff, v14;
	v7 =	vand.u32 $0x7F, v27;
	v5 =	vand.u32 $0xFFFFFC00, v5;
	v6 =	vshll.u32 v17, $0x3  }
0x252: {  	v9 =	vand.u32 $0x7F, v17;
	v17 =	vld [tilespmem:s18+$0xFFFFFEF0];
	v16 =	vand.u32 $0xFFFFFC00, v6;
	v6 =	vshll.u32 v27, $0x3  }
0x253: {  	v19 =	vld [tilespmem:s18+$0xFFFFFE10];
	[tilespmem:v0+s23+$0x0] =	vst.idx.msk $0xffff, v13;
	v0 =	vand.u32 $0xFFFFFC00, v28;
	v14 =	vand.u32 $0xFFFFFC00, v6;
	v6 =	vor.u32 v8, v5  }
0x254: {  	v12 =	vld [tilespmem:s18+$0xFFFFFE00];
	v13 =	vshll.u32 v20, $0x3;
	[tilespmem:v1+s23+$0x0] =	vst.idx.msk $0xffff, v15;
	v1 =	vand.u32 $0x7F, v18;
	v8 =	vor.u32 v7, v14  }
0x255: {  	v29 =	vld [tilespmem:s18+$0xFFFFFE30];
	v13 =	vand.u32 $0xFFFFFC00, v13;
	v7 =	vor.u32 v9, v16;
	v9 =	vshll.u32 v22, $0x3  }
0x256: {  	v15 =	vld [tilespmem:s18+$0xFFFFFE60];
	[tilespmem:v21+s23+$0x0] =	vst.idx.msk $0xffff, v11;
	v16 =	vand.u32 $0x7F, v20;
	v11 =	vor.u32 v1, v0;
	v18 =	vand.u32 $0xFFFFFC00, v9  }
0x257: {  	v5 =	vld [tilespmem:s18+$0xFFFFFE40];
	v9 =	vor.u32 v16, v13;
	v13 =	vshll.u32 v25, $0x3;
	v16 =	vand.u32 $0x7F, v22;
	[tilespmem:v23+s23+$0x0] =	vst.idx.msk $0xffff, v17  }
0x258: {  	v14 =	vld [tilespmem:s18+$0xFFFFFE50];
	v21 =	vand.u32 $0x7F, v25;
	v13 =	vand.u32 $0xFFFFFC00, v13;
	v17 =	vor.u32 v16, v18;
	[tilespmem:v6+s23+$0x0] =	vst.idx.msk $0xffff, v19  }
0x259: {  	v0 =	vld [tilespmem:s9+$0x1C0];
	v18 =	vor.u32 v21, v13;
	[tilespmem:v8+s23+$0x0] =	vst.idx.msk $0xffff, v12  }
0x25a: {  	v20 =	vor.u32 $0x100, v10;
	v19 =	vld [tilespmem:s18+$0xFFFFFF70];
	[tilespmem:v7+s23+$0x0] =	vst.idx.msk $0xffff, v52  }
0x25b: {  	v22 =	vor.u32 $0x80, v6;
	v12 =	vld [tilespmem:s18+$0xFFFFFE90];
	[tilespmem:v11+s23+$0x0] =	vst.idx.msk $0xffff, v29  }
0x25c: {  	v16 =	vor.u32 $0x80, v8;
	v13 =	vld [tilespmem:s18+$0xFFFFFE80];
	[tilespmem:v9+s23+$0x0] =	vst.idx.msk $0xffff, v5  }
0x25d: {  	v21 =	vld [tilespmem:s18+$0xFFFFFEA0];
	v5 =	vor.u32 $0x80, v7;
	[tilespmem:v17+s23+$0x0] =	vst.idx.msk $0xffff, v14  }
0x25e: {  	v53 =	vld [tilespmem:s18+$0xFFFFFEC0];
	[tilespmem:v18+s23+$0x0] =	vst.idx.msk $0xffff, v15;
	v15 =	vor.u32 $0x80, v9  }
0x25f: {  	v23 =	vld [tilespmem:s18+$0xFFFFFEB0];
	[tilespmem:v20+s23+$0x0] =	vst.idx.msk $0xffff, v19;
	v20 =	vor.u32 $0x80, v11  }
0x260: {  	v19 =	vor.u32 $0x180, v10;
	v14 =	vld [tilespmem:s18+$0xFFFFFFF0];
	[tilespmem:v22+s23+$0x0] =	vst.idx.msk $0xffff, v12  }
0x261: {  	v54 =	vld [tilespmem:s18+$0xFFFFFED0];
	[tilespmem:v16+s23+$0x0] =	vst.idx.msk $0xffff, v13;
	v16 =	vor.u32 $0x80, v17  }
0x262: {  	v12 =	vor.u32 $0x80, v18;
	v13 =	vld [tilespmem:s18+$0xFFFFFEE0];
	[tilespmem:v5+s23+$0x0] =	vst.idx.msk $0xffff, v21  }
0x263: {  	v5 =	vor.u32 $0x100, v8;
	v55 =	vld [tilespmem:s18+$0xFFFFFF00];
	[tilespmem:v15+s23+$0x0] =	vst.idx.msk $0xffff, v53  }
0x264: {  	v21 =	vld [tilespmem:s18+$0xFFFFFF20];
	v15 =	vor.u32 $0x100, v7;
	[tilespmem:v20+s23+$0x0] =	vst.idx.msk $0xffff, v23  }
0x265: {  	v22 =	vld [tilespmem:s18+$0xFFFFFF10];
	v20 =	vor.u32 $0x100, v6;
	[tilespmem:v19+s23+$0x0] =	vst.idx.msk $0xffff, v14  }
0x266: {  	v19 =	vor.u32 $0x200, v10;
	v14 =	vld [tilespmem:s18+$0x70];
	[tilespmem:v16+s23+$0x0] =	vst.idx.msk $0xffff, v54  }
0x267: {  	v23 =	vld [tilespmem:s18+$0xFFFFFF30];
	v16 =	vor.u32 $0x100, v11;
	[tilespmem:v12+s23+$0x0] =	vst.idx.msk $0xffff, v13  }
0x268: {  	v24 =	vld [tilespmem:s18+$0xFFFFFF40];
	v12 =	vor.u32 $0x100, v9;
	[tilespmem:v5+s23+$0x0] =	vst.idx.msk $0xffff, v55  }
0x269: {  	v13 =	vor.u32 $0x100, v17;
	v25 =	vld [tilespmem:s18+$0xFFFFFF50];
	[tilespmem:v15+s23+$0x0] =	vst.idx.msk $0xffff, v21  }
0x26a: {  	v26 =	vld [tilespmem:s18+$0xFFFFFF80];
	v15 =	vor.u32 $0x180, v8;
	[tilespmem:v20+s23+$0x0] =	vst.idx.msk $0xffff, v22  }
0x26b: {  	v5 =	vld [tilespmem:s18+$0xFFFFFF60];
	v20 =	vor.u32 $0x100, v18;
	[tilespmem:v19+s23+$0x0] =	vst.idx.msk $0xffff, v14  }
0x26c: {  	v19 =	vor.u32 $0x280, v10;
	[tilespmem:v16+s23+$0x0] =	vst.idx.msk $0xffff, v23;
	v14 =	vld [tilespmem:s18+$0xF0]  }
0x26d: {  	v22 =	vld [tilespmem:s18+$0xFFFFFF90];
	v16 =	vor.u32 $0x180, v6;
	[tilespmem:v12+s23+$0x0] =	vst.idx.msk $0xffff, v24  }
0x26e: {  	v21 =	vld [tilespmem:s18+$0xFFFFFFA0];
	v12 =	vor.u32 $0x180, v7;
	[tilespmem:v13+s23+$0x0] =	vst.idx.msk $0xffff, v25  }
0x26f: {  	v23 =	vld [tilespmem:s18+$0xFFFFFFB0];
	v13 =	vor.u32 $0x180, v11;
	[tilespmem:v15+s23+$0x0] =	vst.idx.msk $0xffff, v26  }
0x270: {  	v25 =	vld [tilespmem:s18+$0xFFFFFFD0];
	[tilespmem:v20+s23+$0x0] =	vst.idx.msk $0xffff, v5;
	v20 =	vor.u32 $0x180, v17  }
0x271: {  	v24 =	vld [tilespmem:s18+$0xFFFFFFC0];
	[tilespmem:v19+s23+$0x0] =	vst.idx.msk $0xffff, v14;
	v19 =	vor.u32 $0x180, v9  }
0x272: {  	[tilespmem:v16+s23+$0x0] =	vst.idx.msk $0xffff, v22;
	v14 =	vor.u32 $0x300, v10;
	v5 =	vld [tilespmem:s18+$0x170]  }
0x273: {  	v15 =	vld [tilespmem:s18+$0xFFFFFFE0];
	v16 =	vor.u32 $0x180, v18;
	[tilespmem:v12+s23+$0x0] =	vst.idx.msk $0xffff, v21  }
0x274: {  	v26 =	vld [tilespmem:s18+$0x0];
	v12 =	vor.u32 $0x200, v8;
	[tilespmem:v13+s23+$0x0] =	vst.idx.msk $0xffff, v23  }
0x275: {  	v22 =	vld [tilespmem:s18+$0x10];
	v13 =	vor.u32 $0x200, v6;
	[tilespmem:v20+s23+$0x0] =	vst.idx.msk $0xffff, v25  }
0x276: {  	v23 =	vld [tilespmem:s18+$0x30];
	v20 =	vor.u32 $0x200, v11;
	[tilespmem:v19+s23+$0x0] =	vst.idx.msk $0xffff, v24  }
0x277: {  	v21 =	vld [tilespmem:s18+$0x20];
	[tilespmem:v14+s23+$0x0] =	vst.idx.msk $0xffff, v5;
	v14 =	vor.u32 $0x200, v7  }
0x278: {  	[tilespmem:v16+s23+$0x0] =	vst.idx.msk $0xffff, v15;
	v15 =	vor.u32 $0x200, v9;
	v19 =	vld [tilespmem:s18+$0x40]  }
0x279: {  	v10 =	vor.u32 $0x380, v10;
	[tilespmem:v12+s23+$0x0] =	vst.idx.msk $0xffff, v26;
	v5 =	vld [tilespmem:s18+$0x1F0]  }
0x27a: {  	v1 =	vld [tilespmem:s9+$0x1D0];
	[tilespmem:v13+s23+$0x0] =	vst.idx.msk $0xffff, v22  }
0x27b: {  	v57 =	vor.u32 $0x200, v17;
	v56 =	vld [tilespmem:s18+$0x50];
	[tilespmem:v20+s23+$0x0] =	vst.idx.msk $0xffff, v23  }
0x27c: {  	v16 =	vld [tilespmem:s18+$0x60];
	v13 =	vor.u32 $0x200, v18;
	[tilespmem:v14+s23+$0x0] =	vst.idx.msk $0xffff, v21  }
0x27d: {  	v21 =	vld [tilespmem:s18+$0xB0];
	[tilespmem:v15+s23+$0x0] =	vst.idx.msk $0xffff, v19;
	v15 =	vor.u32 $0x280, v11  }
0x27e: {  	v26 =	vld [tilespmem:s18+$0x80];
	[tilespmem:v10+s23+$0x0] =	vst.idx.msk $0xffff, v5;
	v5 =	vor.u32 $0x280, v8  }
0x27f: {  	v22 =	vld [tilespmem:s18+$0x90];
	v10 =	vor.u32 $0x280, v6  }
0x280: {  	v23 =	vor.u32 $0x280, v9;
	[tilespmem:v57+s23+$0x0] =	vst.idx.msk $0xffff, v56;
	v19 =	vld [tilespmem:s18+$0xC0]  }
0x281: {  	v20 =	vor.u32 $0x280, v7;
	[tilespmem:v13+s23+$0x0] =	vst.idx.msk $0xffff, v16;
	v14 =	vld [tilespmem:s18+$0xA0]  }
0x282: {  	v24 =	vld [tilespmem:s18+$0xD0];
	v13 =	vor.u32 $0x280, v17;
	[tilespmem:v15+s23+$0x0] =	vst.idx.msk $0xffff, v21  }
0x283: {  	v12 =	vld [tilespmem:s9+$0x1E0];
	[tilespmem:v5+s23+$0x0] =	vst.idx.msk $0xffff, v26  }
0x284: {  	v16 =	vor.u32 $0x280, v18;
	v5 =	vld [tilespmem:s18+$0xE0];
	[tilespmem:v10+s23+$0x0] =	vst.idx.msk $0xffff, v22  }
0x285: {  	v61 =	vld [tilespmem:s18+$0x130];
	[tilespmem:v23+s23+$0x0] =	vst.idx.msk $0xffff, v19;
	v23 =	vor.u32 $0x300, v11  }
0x286: {  	[tilespmem:v20+s23+$0x0] =	vst.idx.msk $0xffff, v14;
	v14 =	vor.u32 $0x300, v6;
	v59 =	vld [tilespmem:s18+$0x110]  }
0x287: {  	[tilespmem:v13+s23+$0x0] =	vst.idx.msk $0xffff, v24;
	v10 =	vor.u32 $0x300, v8;
	v58 =	vld [tilespmem:s18+$0x100]  }
0x288: {  	v22 =	vld [tilespmem:s18+$0x150]  }
0x289: {  	v15 =	vor.u32 $0x300, v7;
	v60 =	vld [tilespmem:s18+$0x120];
	[tilespmem:v16+s23+$0x0] =	vst.idx.msk $0xffff, v5  }
0x28a: {  	v63 =	vor.u32 $0x300, v9;
	v62 =	vld [tilespmem:s18+$0x140];
	[tilespmem:v23+s23+$0x0] =	vst.idx.msk $0xffff, v61  }
0x28b: {  	v13 =	vor.u32 $0x380, v7;
	v20 =	vld [tilespmem:s18+$0x160];
	[tilespmem:v14+s23+$0x0] =	vst.idx.msk $0xffff, v59;
	v14 =	vor.u32 $0x300, v17  }
0x28c: {  	v7 =	vor.u32 $0x380, v17;
	v5 =	vor.u32 $0x380, v2;
	v16 =	vor.u32 $0x300, v18;
	[tilespmem:v10+s23+$0x0] =	vst.idx.msk $0xffff, v58;
	v17 =	vld [tilespmem:s18+$0x1B0]  }
0x28d: {  	v2 =	vor.u32 $0x380, v3;
	v3 =	vor.u32 $0x380, v4;
	v10 =	vor.u32 $0x380, v8;
	v4 =	vld [tilespmem:s18+$0x180]  }
0x28e: {  	[tilespmem:v15+s23+$0x0] =	vst.idx.msk $0xffff, v60;
	v15 =	vor.u32 $0x380, v6;
	v19 =	vld [tilespmem:s18+$0x190]  }
0x28f: {  	s19 =	simm.s32 $0x8E00;
	s8 =	simm.s32 $0x8;
	s9 =	simm.s32 $0x140;
	v11 =	vor.u32 $0x380, v11;
	v8 =	vor.u32 $0x380, v9;
	v6 =	vor.u32 $0x380, v18;
	[tilespmem:v63+s23+$0x0] =	vst.idx.msk $0xffff, v62;
	v21 =	vld [tilespmem:s18+$0x1A0]  }
.LBB2_7:
0x290: {  	v9 =	vld [tilespmem:s9+$0x30];
	s8 =	sadd.s32 $0x8, s8;
	[tilespmem:v14+s23+$0x0] =	vst.idx.msk $0xffff, v22  }
0x291: {  	v14 =	vld [tilespmem:s9+$0xFFFFFFD0];
	p1 =	slt.u32 s8, $0x78;
	[tilespmem:v16+s23+$0x0] =	vst.idx.msk $0xffff, v20  }
0x292: {  	v16 =	vld [tilespmem:s9+$0xFFFFFFE0];
	[tilespmem:v10+s23+$0x0] =	vst.idx.msk $0xffff, v4  }
0x293: {  	v10 =	vld [tilespmem:s9+$0xFFFFFFF0];
	[tilespmem:v15+s23+$0x0] =	vst.idx.msk $0xffff, v19  }
0x294: {  	v15 =	vld [tilespmem:s9+$0x0];
	[tilespmem:v13+s23+$0x0] =	vst.idx.msk $0xffff, v21  }
0x295: {  	v13 =	vld [tilespmem:s9+$0x10];
	v4 =	vshll.u32 v9, $0x3;
	[tilespmem:v11+s23+$0x0] =	vst.idx.msk $0xffff, v17  }
0x296: {  	s18 =	sadd.s32 $0x400, s18;
	v9 =	vand.u32 $0x7F, v9;
	v11 =	vshll.u32 v14, $0x3;
	v17 =	vld [tilespmem:s9+$0x20];
	v4 =	vand.u32 $0xFFFFFC00, v4;
	[tilespmem:v5+s23+$0x0] =	vst.idx.msk $0xffff, v0;
	v5 =	vmovc v8  }
0x297: {  	v0 =	vand.u32 $0xFFFFFC00, v11;
	v8 =	vshll.u32 v16, $0x3;
	v11 =	vld [tilespmem:s18+$0xFFFFFE70];
	v4 =	vor.u32 v9, v4;
	[tilespmem:v2+s23+$0x0] =	vst.idx.msk $0xffff, v1;
	v2 =	vmovc v7  }
0x298: {  	v7 =	vand.u32 $0x7F, v14;
	v1 =	vld [tilespmem:s9+$0xFFFFFFC0];
	v8 =	vand.u32 $0xFFFFFC00, v8;
	v9 =	vshll.u32 v10, $0x3;
	[tilespmem:v3+s23+$0x0] =	vst.idx.msk $0xffff, v12;
	v3 =	vmovc v6  }
0x299: {  	v12 =	vand.u32 $0x7F, v16;
	v6 =	vld [tilespmem:s18+$0xFFFFFE00];
	v9 =	vand.u32 $0xFFFFFC00, v9;
	v14 =	vshll.u32 v15, $0x3  }
0x29a: {  	v10 =	vand.u32 $0x7F, v10;
	v16 =	vld [tilespmem:s18+$0xFFFFFE10];
	v14 =	vand.u32 $0xFFFFFC00, v14;
	v18 =	vshll.u32 v13, $0x3  }
0x29b: {  	v15 =	vand.u32 $0x7F, v15;
	v19 =	vld [tilespmem:s18+$0xFFFFFE20];
	v18 =	vand.u32 $0xFFFFFC00, v18;
	v20 =	vshll.u32 v17, $0x3  }
0x29c: {  	v13 =	vand.u32 $0x7F, v13;
	v17 =	vand.u32 $0x7F, v17;
	v21 =	vld [tilespmem:s18+$0xFFFFFE30];
	v20 =	vand.u32 $0xFFFFFC00, v20;
	[tilespmem:v4+s23+$0x0] =	vst.idx.msk $0xffff, v11  }
0x29d: {  	v23 =	vor.u32 $0x80, v4;
	v11 =	vand.u32 $0x7F, v1;
	v1 =	vshll.u32 v1, $0x3;
	v22 =	vld [tilespmem:s18+$0xFFFFFEF0]  }
0x29e: {  	v7 =	vor.u32 v7, v0;
	v8 =	vor.u32 v12, v8;
	v1 =	vand.u32 $0xFFFFFC00, v1;
	v12 =	vld [tilespmem:s18+$0xFFFFFE40]  }
0x29f: {  	v27 =	vor.u32 v10, v9;
	v28 =	vor.u32 v15, v14;
	v11 =	vor.u32 v11, v1;
	v9 =	vld [tilespmem:s18+$0xFFFFFE50]  }
0x2a0: {  	v29 =	vor.u32 v13, v18;
	v30 =	vor.u32 v17, v20;
	v10 =	vor.u32 $0x80, v11;
	v13 =	vld [tilespmem:s18+$0xFFFFFE60]  }
0x2a1: {  	v14 =	vor.u32 $0x80, v7;
	v15 =	vor.u32 $0x80, v8;
	v31 =	vor.u32 $0x80, v27;
	v0 =	vld [tilespmem:s19+$0x1C0]  }
0x2a2: {  	v32 =	vor.u32 $0x80, v28;
	v33 =	vor.u32 $0x80, v29;
	v34 =	vor.u32 $0x80, v30;
	[tilespmem:v23+s23+$0x0] =	vst.idx.msk $0xffff, v22;
	v1 =	vld [tilespmem:s19+$0x1D0]  }
0x2a3: {  	v36 =	vor.u32 $0x100, v7;
	v17 =	vor.u32 $0x100, v4;
	v35 =	vor.u32 $0x100, v11;
	[tilespmem:v7+s23+$0x0] =	vst.idx.msk $0xffff, v16;
	v16 =	vld [tilespmem:s18+$0xFFFFFF70]  }
0x2a4: {  	v37 =	vor.u32 $0x100, v8;
	v38 =	vor.u32 $0x100, v27;
	v39 =	vor.u32 $0x100, v28;
	[tilespmem:v11+s23+$0x0] =	vst.idx.msk $0xffff, v6;
	v6 =	vld [tilespmem:s18+$0xFFFFFE90]  }
0x2a5: {  	v41 =	vor.u32 $0x100, v29;
	v42 =	vor.u32 $0x100, v30;
	v40 =	vor.u32 $0x180, v11;
	v18 =	vld [tilespmem:s18+$0xFFFFFE80];
	[tilespmem:v8+s23+$0x0] =	vst.idx.msk $0xffff, v19  }
0x2a6: {  	v43 =	vor.u32 $0x180, v7;
	v45 =	vor.u32 $0x180, v8;
	v46 =	vor.u32 $0x180, v27;
	v44 =	vld [tilespmem:s18+$0xFFFFFEA0];
	[tilespmem:v27+s23+$0x0] =	vst.idx.msk $0xffff, v21  }
0x2a7: {  	v48 =	vor.u32 $0x180, v29;
	v49 =	vor.u32 $0x180, v30;
	v47 =	vld [tilespmem:s18+$0xFFFFFEB0];
	[tilespmem:v28+s23+$0x0] =	vst.idx.msk $0xffff, v12;
	v12 =	vor.u32 $0x180, v28  }
0x2a8: {  	v51 =	vor.u32 $0x200, v7;
	v52 =	vor.u32 $0x200, v8;
	v50 =	vor.u32 $0x200, v11;
	v53 =	vld [tilespmem:s18+$0xFFFFFEC0];
	[tilespmem:v17+s23+$0x0] =	vst.idx.msk $0xffff, v16  }
0x2a9: {  	v56 =	vor.u32 $0x180, v4;
	v54 =	vor.u32 $0x200, v27;
	v55 =	vor.u32 $0x200, v28;
	[tilespmem:v29+s23+$0x0] =	vst.idx.msk $0xffff, v9;
	v16 =	vld [tilespmem:s18+$0xFFFFFFF0]  }
0x2aa: {  	v58 =	vor.u32 $0x200, v29;
	v59 =	vor.u32 $0x200, v30;
	v24 =	vor.u32 $0x280, v11;
	v57 =	vld [tilespmem:s18+$0xFFFFFED0];
	[tilespmem:v30+s23+$0x0] =	vst.idx.msk $0xffff, v13  }
0x2ab: {  	v60 =	vor.u32 $0x280, v7;
	v25 =	vor.u32 $0x280, v8;
	v22 =	vor.u32 $0x280, v27;
	[tilespmem:v10+s23+$0x0] =	vst.idx.msk $0xffff, v18;
	v61 =	vld [tilespmem:s18+$0xFFFFFEE0]  }
0x2ac: {  	v26 =	vor.u32 $0x280, v28;
	v23 =	vor.u32 $0x280, v29;
	v21 =	vor.u32 $0x280, v30;
	v62 =	vld [tilespmem:s18+$0xFFFFFF00];
	[tilespmem:v14+s23+$0x0] =	vst.idx.msk $0xffff, v6  }
0x2ad: {  	v20 =	vor.u32 $0x300, v11;
	v19 =	vor.u32 $0x300, v7;
	v17 =	vor.u32 $0x300, v8;
	v63 =	vld [tilespmem:s18+$0xFFFFFF10];
	[tilespmem:v15+s23+$0x0] =	vst.idx.msk $0xffff, v44  }
0x2ae: {  	v9 =	vor.u32 $0x300, v28;
	v18 =	vor.u32 $0x300, v27;
	v14 =	vor.u32 $0x300, v29;
	v44 =	vld [tilespmem:s18+$0xFFFFFF20];
	[tilespmem:v56+s23+$0x0] =	vst.idx.msk $0xffff, v16  }
0x2af: {  	v10 =	vor.u32 $0x380, v11;
	v16 =	vor.u32 $0x300, v30;
	[tilespmem:v31+s23+$0x0] =	vst.idx.msk $0xffff, v47;
	v31 =	vld [tilespmem:s18+$0x70];
	v47 =	vor.u32 $0x200, v4  }
0x2b0: {  	v13 =	vor.u32 $0x380, v8;
	v11 =	vor.u32 $0x380, v27;
	v15 =	vor.u32 $0x380, v7;
	v56 =	vld [tilespmem:s18+$0xFFFFFF30];
	[tilespmem:v32+s23+$0x0] =	vst.idx.msk $0xffff, v53  }
0x2b1: {  	v8 =	vor.u32 $0x380, v28;
	v6 =	vor.u32 $0x380, v30;
	v7 =	vor.u32 $0x380, v29;
	v27 =	vld [tilespmem:s18+$0xFFFFFF40];
	[tilespmem:v33+s23+$0x0] =	vst.idx.msk $0xffff, v57  }
0x2b2: {  	v28 =	vld [tilespmem:s18+$0xFFFFFF50];
	[tilespmem:v34+s23+$0x0] =	vst.idx.msk $0xffff, v61  }
0x2b3: {  	[tilespmem:v35+s23+$0x0] =	vst.idx.msk $0xffff, v62;
	v29 =	vld [tilespmem:s18+$0xFFFFFF60]  }
0x2b4: {  	v30 =	vld [tilespmem:s18+$0xFFFFFF80];
	[tilespmem:v47+s23+$0x0] =	vst.idx.msk $0xffff, v31  }
0x2b5: {  	v32 =	vor.u32 $0x280, v4;
	[tilespmem:v36+s23+$0x0] =	vst.idx.msk $0xffff, v63;
	v31 =	vld [tilespmem:s18+$0xF0]  }
0x2b6: {  	v33 =	vld [tilespmem:s18+$0xFFFFFF90];
	[tilespmem:v37+s23+$0x0] =	vst.idx.msk $0xffff, v44  }
0x2b7: {  	v34 =	vld [tilespmem:s18+$0xFFFFFFA0];
	[tilespmem:v38+s23+$0x0] =	vst.idx.msk $0xffff, v56  }
0x2b8: {  	v35 =	vld [tilespmem:s18+$0xFFFFFFB0];
	[tilespmem:v39+s23+$0x0] =	vst.idx.msk $0xffff, v27  }
0x2b9: {  	v27 =	vld [tilespmem:s18+$0xFFFFFFC0];
	[tilespmem:v41+s23+$0x0] =	vst.idx.msk $0xffff, v28  }
0x2ba: {  	v28 =	vld [tilespmem:s18+$0xFFFFFFD0];
	[tilespmem:v32+s23+$0x0] =	vst.idx.msk $0xffff, v31  }
0x2bb: {  	v31 =	vor.u32 $0x300, v4;
	[tilespmem:v42+s23+$0x0] =	vst.idx.msk $0xffff, v29;
	v29 =	vld [tilespmem:s18+$0x170]  }
0x2bc: {  	[tilespmem:v40+s23+$0x0] =	vst.idx.msk $0xffff, v30;
	v30 =	vld [tilespmem:s18+$0xFFFFFFE0]  }
0x2bd: {  	v32 =	vld [tilespmem:s18+$0x0];
	[tilespmem:v43+s23+$0x0] =	vst.idx.msk $0xffff, v33  }
0x2be: {  	v33 =	vld [tilespmem:s18+$0x10];
	[tilespmem:v45+s23+$0x0] =	vst.idx.msk $0xffff, v34  }
0x2bf: {  	v34 =	vld [tilespmem:s18+$0x20];
	[tilespmem:v46+s23+$0x0] =	vst.idx.msk $0xffff, v35  }
0x2c0: {  	v35 =	vld [tilespmem:s18+$0x30];
	[tilespmem:v31+s23+$0x0] =	vst.idx.msk $0xffff, v29  }
0x2c1: {  	v4 =	vor.u32 $0x380, v4;
	[tilespmem:v12+s23+$0x0] =	vst.idx.msk $0xffff, v27;
	v12 =	vld [tilespmem:s18+$0x1F0]  }
0x2c2: {  	v27 =	vld [tilespmem:s18+$0x40];
	[tilespmem:v48+s23+$0x0] =	vst.idx.msk $0xffff, v28  }
0x2c3: {  	v28 =	vld [tilespmem:s18+$0x50];
	[tilespmem:v49+s23+$0x0] =	vst.idx.msk $0xffff, v30  }
0x2c4: {  	[tilespmem:v50+s23+$0x0] =	vst.idx.msk $0xffff, v32;
	v29 =	vld [tilespmem:s18+$0x60]  }
0x2c5: {  	v30 =	vld [tilespmem:s18+$0x80];
	[tilespmem:v51+s23+$0x0] =	vst.idx.msk $0xffff, v33  }
0x2c6: {  	v31 =	vld [tilespmem:s18+$0x90];
	[tilespmem:v4+s23+$0x0] =	vst.idx.msk $0xffff, v12  }
0x2c7: {  	[tilespmem:v52+s23+$0x0] =	vst.idx.msk $0xffff, v34;
	v12 =	vld [tilespmem:s19+$0x1E0];
	s19 =	smov.u32 s18  }
0x2c8: {  	v4 =	vld [tilespmem:s18+$0xA0];
	[tilespmem:v54+s23+$0x0] =	vst.idx.msk $0xffff, v35  }
0x2c9: {  	v32 =	vld [tilespmem:s18+$0xB0];
	[tilespmem:v55+s23+$0x0] =	vst.idx.msk $0xffff, v27  }
0x2ca: {  	v27 =	vld [tilespmem:s18+$0xC0];
	[tilespmem:v58+s23+$0x0] =	vst.idx.msk $0xffff, v28  }
0x2cb: {  	v28 =	vld [tilespmem:s18+$0xD0];
	[tilespmem:v59+s23+$0x0] =	vst.idx.msk $0xffff, v29  }
0x2cc: {  	[tilespmem:v24+s23+$0x0] =	vst.idx.msk $0xffff, v30;
	v24 =	vld [tilespmem:s18+$0xE0]  }
0x2cd: {  	v29 =	vld [tilespmem:s18+$0x100];
	[tilespmem:v60+s23+$0x0] =	vst.idx.msk $0xffff, v31  }
0x2ce: {  	v30 =	vld [tilespmem:s18+$0x110];
	[tilespmem:v25+s23+$0x0] =	vst.idx.msk $0xffff, v4  }
0x2cf: {  	v25 =	vld [tilespmem:s18+$0x120];
	[tilespmem:v22+s23+$0x0] =	vst.idx.msk $0xffff, v32  }
0x2d0: {  	v31 =	vld [tilespmem:s18+$0x130];
	[tilespmem:v26+s23+$0x0] =	vst.idx.msk $0xffff, v27  }
0x2d1: {  	v26 =	vld [tilespmem:s18+$0x140];
	[tilespmem:v23+s23+$0x0] =	vst.idx.msk $0xffff, v28  }
0x2d2: {  	v22 =	vld [tilespmem:s18+$0x150];
	[tilespmem:v21+s23+$0x0] =	vst.idx.msk $0xffff, v24  }
.Ltmp4:
0x2d3: {  	[tilespmem:v20+s23+$0x0] =	vst.idx.msk $0xffff, v29;
	v20 =	vld [tilespmem:s18+$0x160];
	(pc) =	sbr.rel @p1 .LBB2_7-.Ltmp4, $4  }
0x2d4: {  	v4 =	vld [tilespmem:s18+$0x180];
	[tilespmem:v19+s23+$0x0] =	vst.idx.msk $0xffff, v30  }
0x2d5: {  	v19 =	vld [tilespmem:s18+$0x190];
	[tilespmem:v17+s23+$0x0] =	vst.idx.msk $0xffff, v25  }
0x2d6: {  	v21 =	vld [tilespmem:s18+$0x1A0];
	[tilespmem:v18+s23+$0x0] =	vst.idx.msk $0xffff, v31  }
0x2d7: {  	s9 =	sadd.s32 $0x80, s9;
	v17 =	vld [tilespmem:s18+$0x1B0];
	[tilespmem:v9+s23+$0x0] =	vst.idx.msk $0xffff, v26  }
0x2d8: {  	_ =	sdelay $0x3  }
0x2d9: {  	[tilespmem:v14+s23+$0x0] =	vst.idx.msk $0xffff, v22  }
0x2da: {  	[tilespmem:v16+s23+$0x0] =	vst.idx.msk $0xffff, v20  }
0x2db: {  	[tilespmem:v5+s23+$0x0] =	vst.idx.msk $0xffff, v0  }
0x2dc: {  	[tilespmem:v2+s23+$0x0] =	vst.idx.msk $0xffff, v1  }
0x2dd: {  	[tilespmem:v10+s23+$0x0] =	vst.idx.msk $0xffff, v4;
	v4 =	vld [tilespmem:s19+$0x1C0]  }
0x2de: {  	[tilespmem:v3+s23+$0x0] =	vst.idx.msk $0xffff, v12;
	v9 =	vld [tilespmem:s19+$0x1D0]  }
0x2df: {  	v0 =	vld [tilespmem:s19+$0x1E0];
	[tilespmem:v15+s23+$0x0] =	vst.idx.msk $0xffff, v19  }
0x2e0: {  	[tilespmem:v13+s23+$0x0] =	vst.idx.msk $0xffff, v21  }
0x2e1: {  	[tilespmem:v11+s23+$0x0] =	vst.idx.msk $0xffff, v17  }
0x2e2: {  	s3 =	sshll.u32 s3, $0x8;
	[tilespmem:v8+s23+$0x0] =	vst.idx.msk $0xffff, v4  }
0x2e3: {  	s3 =	sadd.s32 s4, s3;
	[tilespmem:v7+s23+$0x0] =	vst.idx.msk $0xffff, v9  }
0x2e4: {  	s8 =	sadd.s32 $0x1000, s3;
	[tilespmem:v6+s23+$0x0] =	vst.idx.msk $0xffff, v0  }
0x2e5: {  	[hbm4b:s8+s5] =	stream.linear.scatter [tilespmem:s23], [sflag:$0x5], $0x4000, $0x38;
	[tilespmem:$0x18800] =	vst v63  }
0x2e6: {  	s8 =	sadd.s32 @!p0 s1, s14  }
0x2e7: {  	s8 =	sshll.u32 @!p0 s8, $0xB  }
0x2e8: {  	s8 =	sand.u32 @!p0 $0x1FFFF000, s8  }
0x2e9: {  	s9 =	simm.s32 @!p0 $0x0;
	s18 =	simm.s32 @!p0 $0x8800;
	s8 =	sadd.s32 @!p0 s2, s8  }
0x2ea: {  	[tilespmem:s18], [sflag:$0x3] =	stream.linear.gather @!p0 [hbm4b:s8+s9], $0x4000, $0x38;
	[tilespmem:$0x18800] =	vst v63  }
0x2eb: {  	_ =	swait.ge [sflag:s29], $0x4000  }
0x2ec: {  	[sflag:s29] =	ssyncset.done $0x0  }
0x2ed: {  	[sflag:s29] =	ssyncadd.s32 $0xFFFFC000  }
0x2ee: {  	_ =	swait.ge [sflag:s30], $0x4000  }
0x2ef: {  	[sflag:s30] =	ssyncset.done $0x0  }
0x2f0: {  	s20 =	simm.s32 $0x40;
	[sflag:s30] =	ssyncadd.s32 $0xFFFFC000  }
0x2f1: {  	v0 =	vld [tilespmem:s20+$0x30]  }
0x2f2: {  	v1 =	vld [tilespmem:s20+$0xFFFFFFD0]  }
0x2f3: {  	v2 =	vld [tilespmem:s20+$0xFFFFFFE0]  }
0x2f4: {  	v3 =	vld [tilespmem:s20+$0xFFFFFFF0]  }
0x2f5: {  	s9 =	simm.s32 $0xCA00;
	v6 =	vld [tilespmem:s20+$0x0]  }
0x2f6: {  	v5 =	vld [tilespmem:s9+$0xFFFFFE70]  }
0x2f7: {  	v8 =	vld [tilespmem:s20+$0x10]  }
0x2f8: {  	v9 =	vld [tilespmem:s20+$0x20];
	v4 =	vshll.u32 v0, $0x3  }
0x2f9: {  	v11 =	vld [tilespmem:s9+$0xFFFFFE00];
	v0 =	vand.u32 $0x7F, v0;
	v4 =	vand.u32 $0xFFFFFC00, v4  }
0x2fa: {  	v0 =	vor.u32 v0, v4;
	v4 =	vld [tilespmem:s20+$0xFFFFFFC0]  }
0x2fb: {  	v13 =	vld [tilespmem:s9+$0xFFFFFE10]  }
0x2fc: {  	v16 =	vld [tilespmem:s9+$0xFFFFFE20];
	v7 =	vshll.u32 v1, $0x3  }
0x2fd: {  	s18 =	simm.s32 $0xCE00;
	v18 =	vld [tilespmem:s9+$0xFFFFFE30];
	v10 =	vshll.u32 v2, $0x3;
	v1 =	vand.u32 $0x7F, v1;
	v12 =	vshll.u32 v3, $0x3  }
0x2fe: {  	v26 =	vld [tilespmem:s18+$0xFFFFFE70];
	v2 =	vand.u32 $0x7F, v2;
	v17 =	vshll.u32 v6, $0x3;
	v7 =	vand.u32 $0xFFFFFC00, v7  }
0x2ff: {  	v52 =	vld [tilespmem:s18+$0xFFFFFE20];
	v3 =	vand.u32 $0x7F, v3;
	v1 =	vor.u32 v1, v7;
	[tilespmem:v0+s25+$0x0] =	vst.idx.msk $0xffff, v5;
	v5 =	vshll.u32 v4, $0x3  }
0x300: {  	s20 =	simm.s32 $0xC0;
	v15 =	vor.u32 $0x80, v0;
	v4 =	vand.u32 $0x7F, v4;
	v14 =	vld [tilespmem:s9+$0xFFFFFEF0];
	v5 =	vand.u32 $0xFFFFFC00, v5  }
0x301: {  	v10 =	vand.u32 $0xFFFFFC00, v10;
	v12 =	vand.u32 $0xFFFFFC00, v12;
	v22 =	vld [tilespmem:s20+$0x10];
	v7 =	vor.u32 v4, v5  }
0x302: {  	v27 =	vld [tilespmem:s20+$0xFFFFFFC0];
	v4 =	vand.u32 $0xFFFFFC00, v17;
	v5 =	vor.u32 v2, v10;
	v2 =	vshll.u32 v8, $0x3  }
0x303: {  	v10 =	vld [tilespmem:s9+$0xFFFFFE40];
	v17 =	vand.u32 $0x7F, v6;
	v6 =	vor.u32 v3, v12;
	v8 =	vand.u32 $0x7F, v8  }
0x304: {  	[tilespmem:v1+s25+$0x0] =	vst.idx.msk $0xffff, v13;
	v12 =	vld [tilespmem:s9+$0xFFFFFE50];
	v3 =	vand.u32 $0xFFFFFC00, v2;
	v2 =	vor.u32 v17, v4;
	v4 =	vshll.u32 v9, $0x3  }
0x305: {  	v17 =	vld [tilespmem:s9+$0xFFFFFE60];
	v9 =	vand.u32 $0x7F, v9;
	v4 =	vand.u32 $0xFFFFFC00, v4;
	v3 =	vor.u32 v8, v3;
	[tilespmem:v15+s25+$0x0] =	vst.idx.msk $0xffff, v14  }
0x306: {  	v8 =	vld [tilespmem:s9+$0xFFFFFE90];
	v4 =	vor.u32 v9, v4;
	[tilespmem:v7+s25+$0x0] =	vst.idx.msk $0xffff, v11  }
0x307: {  	v14 =	vor.u32 $0x100, v0;
	v13 =	vld [tilespmem:s9+$0xFFFFFF70];
	[tilespmem:v5+s25+$0x0] =	vst.idx.msk $0xffff, v16  }
0x308: {  	[tilespmem:v6+s25+$0x0] =	vst.idx.msk $0xffff, v18;
	v16 =	vor.u32 $0x80, v1;
	v9 =	vld [tilespmem:s9+$0xFFFFFE80]  }
0x309: {  	v11 =	vor.u32 $0x80, v7;
	v15 =	vld [tilespmem:s9+$0xFFFFFEA0];
	[tilespmem:v2+s25+$0x0] =	vst.idx.msk $0xffff, v10  }
0x30a: {  	v18 =	vld [tilespmem:s9+$0xFFFFFEB0];
	v10 =	vor.u32 $0x80, v5;
	[tilespmem:v3+s25+$0x0] =	vst.idx.msk $0xffff, v12  }
0x30b: {  	v19 =	vld [tilespmem:s9+$0xFFFFFEC0];
	[tilespmem:v4+s25+$0x0] =	vst.idx.msk $0xffff, v17;
	v17 =	vor.u32 $0x80, v2  }
0x30c: {  	v20 =	vld [tilespmem:s9+$0xFFFFFED0];
	[tilespmem:v14+s25+$0x0] =	vst.idx.msk $0xffff, v13;
	v14 =	vor.u32 $0x80, v6  }
0x30d: {  	v13 =	vor.u32 $0x180, v0;
	[tilespmem:v16+s25+$0x0] =	vst.idx.msk $0xffff, v8;
	v12 =	vld [tilespmem:s9+$0xFFFFFFF0]  }
0x30e: {  	[tilespmem:v11+s25+$0x0] =	vst.idx.msk $0xffff, v9;
	v9 =	vld [tilespmem:s9+$0xFFFFFEE0];
	v11 =	vor.u32 $0x80, v3  }
0x30f: {  	v8 =	vor.u32 $0x80, v4;
	v16 =	vld [tilespmem:s9+$0xFFFFFF10];
	[tilespmem:v10+s25+$0x0] =	vst.idx.msk $0xffff, v15  }
0x310: {  	v10 =	vor.u32 $0x100, v7;
	v21 =	vld [tilespmem:s9+$0xFFFFFF00];
	[tilespmem:v17+s25+$0x0] =	vst.idx.msk $0xffff, v19  }
0x311: {  	v15 =	vld [tilespmem:s9+$0xFFFFFF20];
	v17 =	vor.u32 $0x100, v5;
	[tilespmem:v14+s25+$0x0] =	vst.idx.msk $0xffff, v18  }
0x312: {  	v19 =	vld [tilespmem:s9+$0xFFFFFF40];
	v14 =	vor.u32 $0x100, v1;
	[tilespmem:v13+s25+$0x0] =	vst.idx.msk $0xffff, v12  }
0x313: {  	v18 =	vld [tilespmem:s9+$0xFFFFFF30];
	[tilespmem:v11+s25+$0x0] =	vst.idx.msk $0xffff, v20;
	v11 =	vor.u32 $0x100, v6  }
0x314: {  	[tilespmem:v8+s25+$0x0] =	vst.idx.msk $0xffff, v9;
	v8 =	vor.u32 $0x100, v2;
	v12 =	vld [tilespmem:s9+$0x70]  }
0x315: {  	v13 =	vor.u32 $0x200, v0;
	v20 =	vld [tilespmem:s9+$0xFFFFFF50];
	[tilespmem:v10+s25+$0x0] =	vst.idx.msk $0xffff, v21  }
0x316: {  	v9 =	vld [tilespmem:s9+$0xFFFFFF60];
	v10 =	vor.u32 $0x100, v3;
	[tilespmem:v17+s25+$0x0] =	vst.idx.msk $0xffff, v15  }
0x317: {  	v21 =	vld [tilespmem:s9+$0xFFFFFF80];
	v15 =	vor.u32 $0x180, v7;
	[tilespmem:v14+s25+$0x0] =	vst.idx.msk $0xffff, v16  }
0x318: {  	v17 =	vld [tilespmem:s9+$0xFFFFFFA0];
	v14 =	vor.u32 $0x100, v4;
	[tilespmem:v11+s25+$0x0] =	vst.idx.msk $0xffff, v18  }
0x319: {  	v16 =	vld [tilespmem:s9+$0xFFFFFF90];
	v11 =	vor.u32 $0x180, v1;
	[tilespmem:v8+s25+$0x0] =	vst.idx.msk $0xffff, v19  }
0x31a: {  	v8 =	vor.u32 $0x180, v5;
	[tilespmem:v13+s25+$0x0] =	vst.idx.msk $0xffff, v12;
	v18 =	vld [tilespmem:s9+$0xFFFFFFB0]  }
0x31b: {  	v19 =	vld [tilespmem:s9+$0xFFFFFFC0];
	[tilespmem:v10+s25+$0x0] =	vst.idx.msk $0xffff, v20;
	v10 =	vor.u32 $0x180, v6  }
0x31c: {  	v13 =	vor.u32 $0x280, v0;
	v12 =	vld [tilespmem:s9+$0xF0];
	[tilespmem:v15+s25+$0x0] =	vst.idx.msk $0xffff, v21  }
0x31d: {  	v20 =	vld [tilespmem:s9+$0xFFFFFFD0];
	v15 =	vor.u32 $0x180, v3;
	[tilespmem:v14+s25+$0x0] =	vst.idx.msk $0xffff, v9  }
0x31e: {  	v14 =	vld [tilespmem:s9+$0xFFFFFFE0];
	[tilespmem:v11+s25+$0x0] =	vst.idx.msk $0xffff, v16;
	v11 =	vor.u32 $0x180, v4  }
0x31f: {  	v21 =	vld [tilespmem:s9+$0x0];
	[tilespmem:v8+s25+$0x0] =	vst.idx.msk $0xffff, v17;
	v8 =	vor.u32 $0x200, v7  }
0x320: {  	v16 =	vld [tilespmem:s9+$0x10];
	[tilespmem:v10+s25+$0x0] =	vst.idx.msk $0xffff, v18;
	v10 =	vor.u32 $0x200, v1  }
0x321: {  	v17 =	vld [tilespmem:s9+$0x20];
	[tilespmem:v13+s25+$0x0] =	vst.idx.msk $0xffff, v12;
	v13 =	vor.u32 $0x180, v2  }
0x322: {  	v12 =	vor.u32 $0x300, v0;
	[tilespmem:v15+s25+$0x0] =	vst.idx.msk $0xffff, v20;
	v9 =	vld [tilespmem:s9+$0x170]  }
0x323: {  	v20 =	vld [tilespmem:s9+$0x50];
	[tilespmem:v11+s25+$0x0] =	vst.idx.msk $0xffff, v14;
	v11 =	vor.u32 $0x200, v3  }
0x324: {  	[tilespmem:v8+s25+$0x0] =	vst.idx.msk $0xffff, v21;
	v14 =	vor.u32 $0x200, v4;
	v8 =	vld [tilespmem:s9+$0x60]  }
0x325: {  	v21 =	vld [tilespmem:s9+$0x80];
	[tilespmem:v10+s25+$0x0] =	vst.idx.msk $0xffff, v16;
	v10 =	vor.u32 $0x280, v7  }
0x326: {  	v18 =	vld [tilespmem:s9+$0x30];
	[tilespmem:v13+s25+$0x0] =	vst.idx.msk $0xffff, v19;
	v13 =	vor.u32 $0x200, v6  }
0x327: {  	v16 =	vld [tilespmem:s9+$0x90];
	[tilespmem:v12+s25+$0x0] =	vst.idx.msk $0xffff, v9;
	v9 =	vor.u32 $0x200, v5  }
0x328: {  	v15 =	vor.u32 $0x200, v2;
	v19 =	vld [tilespmem:s9+$0x40];
	[tilespmem:v11+s25+$0x0] =	vst.idx.msk $0xffff, v20  }
0x329: {  	v12 =	vld [tilespmem:s9+$0x1F0];
	[tilespmem:v14+s25+$0x0] =	vst.idx.msk $0xffff, v8  }
0x32a: {  	v20 =	vld [tilespmem:s9+$0xD0];
	v8 =	vor.u32 $0x280, v3;
	[tilespmem:v10+s25+$0x0] =	vst.idx.msk $0xffff, v21  }
0x32b: {  	v14 =	vor.u32 $0x280, v4;
	[tilespmem:v13+s25+$0x0] =	vst.idx.msk $0xffff, v18;
	v10 =	vld [tilespmem:s9+$0xE0]  }
0x32c: {  	v21 =	vld [tilespmem:s9+$0x100];
	[tilespmem:v9+s25+$0x0] =	vst.idx.msk $0xffff, v17;
	v9 =	vor.u32 $0x280, v1  }
0x32d: {  	v18 =	vld [tilespmem:s9+$0xB0];
	[tilespmem:v15+s25+$0x0] =	vst.idx.msk $0xffff, v19;
	v15 =	vor.u32 $0x280, v6  }
0x32e: {  	v13 =	vor.u32 $0x280, v5;
	v17 =	vld [tilespmem:s9+$0xA0]  }
0x32f: {  	v11 =	vor.u32 $0x280, v2;
	v19 =	vld [tilespmem:s9+$0xC0];
	[tilespmem:v8+s25+$0x0] =	vst.idx.msk $0xffff, v20  }
0x330: {  	v8 =	vld [tilespmem:s9+$0x150];
	[tilespmem:v14+s25+$0x0] =	vst.idx.msk $0xffff, v10  }
0x331: {  	v10 =	vld [tilespmem:s20+$0x30];
	[tilespmem:v9+s25+$0x0] =	vst.idx.msk $0xffff, v16;
	v9 =	vor.u32 $0x300, v7  }
0x332: {  	v0 =	vor.u32 $0x380, v0;
	[tilespmem:v15+s25+$0x0] =	vst.idx.msk $0xffff, v18;
	v16 =	vld [tilespmem:s9+$0x110]  }
0x333: {  	[tilespmem:v13+s25+$0x0] =	vst.idx.msk $0xffff, v17;
	v13 =	vor.u32 $0x300, v1;
	v18 =	vld [tilespmem:s9+$0x130]  }
0x334: {  	[tilespmem:v11+s25+$0x0] =	vst.idx.msk $0xffff, v19;
	v11 =	vor.u32 $0x300, v6;
	v17 =	vld [tilespmem:s9+$0x120]  }
0x335: {  	v15 =	vor.u32 $0x300, v5;
	v19 =	vld [tilespmem:s9+$0x140]  }
0x336: {  	v24 =	vor.u32 $0x300, v3;
	v23 =	vshll.u32 v10, $0x3;
	[tilespmem:v9+s25+$0x0] =	vst.idx.msk $0xffff, v21;
	v9 =	vld [tilespmem:s9+$0x160]  }
0x337: {  	[tilespmem:v0+s25+$0x0] =	vst.idx.msk $0xffff, v12;
	v10 =	vand.u32 $0x7F, v10;
	v21 =	vor.u32 $0x300, v2;
	v23 =	vand.u32 $0xFFFFFC00, v23;
	v14 =	vld [tilespmem:s9+$0x180]  }
0x338: {  	[tilespmem:v13+s25+$0x0] =	vst.idx.msk $0xffff, v16;
	v16 =	vld [tilespmem:s20+$0xFFFFFFD0];
	v10 =	vor.u32 v10, v23  }
0x339: {  	[tilespmem:v11+s25+$0x0] =	vst.idx.msk $0xffff, v18;
	v18 =	vld [tilespmem:s20+$0xFFFFFFF0];
	v23 =	vor.u32 $0x300, v4  }
0x33a: {  	v7 =	vor.u32 $0x380, v7;
	[tilespmem:v15+s25+$0x0] =	vst.idx.msk $0xffff, v17;
	v17 =	vld [tilespmem:s20+$0xFFFFFFE0]  }
0x33b: {  	v20 =	vld [tilespmem:s20+$0x0];
	[tilespmem:v24+s25+$0x0] =	vst.idx.msk $0xffff, v8  }
0x33c: {  	v0 =	vor.u32 $0x380, v1;
	v13 =	vld [tilespmem:s9+$0x190];
	[tilespmem:v21+s25+$0x0] =	vst.idx.msk $0xffff, v19  }
0x33d: {  	v1 =	vor.u32 $0x380, v5;
	v15 =	vld [tilespmem:s9+$0x1A0];
	v21 =	vor.u32 $0x380, v6;
	v5 =	vshll.u32 v16, $0x3;
	[tilespmem:v10+s25+$0x0] =	vst.idx.msk $0xffff, v26  }
0x33e: {  	v25 =	vld [tilespmem:s20+$0x20];
	v8 =	vand.u32 $0x7F, v16;
	v28 =	vshll.u32 v18, $0x3;
	[tilespmem:v23+s25+$0x0] =	vst.idx.msk $0xffff, v9;
	v23 =	vor.u32 $0x80, v10  }
0x33f: {  	v11 =	vld [tilespmem:s9+$0x1B0];
	[tilespmem:v7+s25+$0x0] =	vst.idx.msk $0xffff, v14;
	v7 =	vand.u32 $0x7F, v27;
	v5 =	vand.u32 $0xFFFFFC00, v5;
	v6 =	vshll.u32 v17, $0x3  }
0x340: {  	v9 =	vand.u32 $0x7F, v17;
	v17 =	vld [tilespmem:s18+$0xFFFFFEF0];
	v16 =	vand.u32 $0xFFFFFC00, v6;
	v6 =	vshll.u32 v27, $0x3  }
0x341: {  	v19 =	vld [tilespmem:s18+$0xFFFFFE10];
	[tilespmem:v0+s25+$0x0] =	vst.idx.msk $0xffff, v13;
	v0 =	vand.u32 $0xFFFFFC00, v28;
	v14 =	vand.u32 $0xFFFFFC00, v6;
	v6 =	vor.u32 v8, v5  }
0x342: {  	v12 =	vld [tilespmem:s18+$0xFFFFFE00];
	v13 =	vshll.u32 v20, $0x3;
	[tilespmem:v1+s25+$0x0] =	vst.idx.msk $0xffff, v15;
	v1 =	vand.u32 $0x7F, v18;
	v8 =	vor.u32 v7, v14  }
0x343: {  	v29 =	vld [tilespmem:s18+$0xFFFFFE30];
	v13 =	vand.u32 $0xFFFFFC00, v13;
	v7 =	vor.u32 v9, v16;
	v9 =	vshll.u32 v22, $0x3  }
0x344: {  	v15 =	vld [tilespmem:s18+$0xFFFFFE60];
	[tilespmem:v21+s25+$0x0] =	vst.idx.msk $0xffff, v11;
	v16 =	vand.u32 $0x7F, v20;
	v11 =	vor.u32 v1, v0;
	v18 =	vand.u32 $0xFFFFFC00, v9  }
0x345: {  	v5 =	vld [tilespmem:s18+$0xFFFFFE40];
	v9 =	vor.u32 v16, v13;
	v13 =	vshll.u32 v25, $0x3;
	v16 =	vand.u32 $0x7F, v22;
	[tilespmem:v23+s25+$0x0] =	vst.idx.msk $0xffff, v17  }
0x346: {  	v14 =	vld [tilespmem:s18+$0xFFFFFE50];
	v21 =	vand.u32 $0x7F, v25;
	v13 =	vand.u32 $0xFFFFFC00, v13;
	v17 =	vor.u32 v16, v18;
	[tilespmem:v6+s25+$0x0] =	vst.idx.msk $0xffff, v19  }
0x347: {  	v0 =	vld [tilespmem:s9+$0x1C0];
	v18 =	vor.u32 v21, v13;
	[tilespmem:v8+s25+$0x0] =	vst.idx.msk $0xffff, v12  }
0x348: {  	v20 =	vor.u32 $0x100, v10;
	v19 =	vld [tilespmem:s18+$0xFFFFFF70];
	[tilespmem:v7+s25+$0x0] =	vst.idx.msk $0xffff, v52  }
0x349: {  	v22 =	vor.u32 $0x80, v6;
	v12 =	vld [tilespmem:s18+$0xFFFFFE90];
	[tilespmem:v11+s25+$0x0] =	vst.idx.msk $0xffff, v29  }
0x34a: {  	v16 =	vor.u32 $0x80, v8;
	v13 =	vld [tilespmem:s18+$0xFFFFFE80];
	[tilespmem:v9+s25+$0x0] =	vst.idx.msk $0xffff, v5  }
0x34b: {  	v21 =	vld [tilespmem:s18+$0xFFFFFEA0];
	v5 =	vor.u32 $0x80, v7;
	[tilespmem:v17+s25+$0x0] =	vst.idx.msk $0xffff, v14  }
0x34c: {  	v53 =	vld [tilespmem:s18+$0xFFFFFEC0];
	[tilespmem:v18+s25+$0x0] =	vst.idx.msk $0xffff, v15;
	v15 =	vor.u32 $0x80, v9  }
0x34d: {  	v23 =	vld [tilespmem:s18+$0xFFFFFEB0];
	[tilespmem:v20+s25+$0x0] =	vst.idx.msk $0xffff, v19;
	v20 =	vor.u32 $0x80, v11  }
0x34e: {  	v19 =	vor.u32 $0x180, v10;
	v14 =	vld [tilespmem:s18+$0xFFFFFFF0];
	[tilespmem:v22+s25+$0x0] =	vst.idx.msk $0xffff, v12  }
0x34f: {  	v54 =	vld [tilespmem:s18+$0xFFFFFED0];
	[tilespmem:v16+s25+$0x0] =	vst.idx.msk $0xffff, v13;
	v16 =	vor.u32 $0x80, v17  }
0x350: {  	v12 =	vor.u32 $0x80, v18;
	v13 =	vld [tilespmem:s18+$0xFFFFFEE0];
	[tilespmem:v5+s25+$0x0] =	vst.idx.msk $0xffff, v21  }
0x351: {  	v5 =	vor.u32 $0x100, v8;
	v55 =	vld [tilespmem:s18+$0xFFFFFF00];
	[tilespmem:v15+s25+$0x0] =	vst.idx.msk $0xffff, v53  }
0x352: {  	v21 =	vld [tilespmem:s18+$0xFFFFFF20];
	v15 =	vor.u32 $0x100, v7;
	[tilespmem:v20+s25+$0x0] =	vst.idx.msk $0xffff, v23  }
0x353: {  	v22 =	vld [tilespmem:s18+$0xFFFFFF10];
	v20 =	vor.u32 $0x100, v6;
	[tilespmem:v19+s25+$0x0] =	vst.idx.msk $0xffff, v14  }
0x354: {  	v19 =	vor.u32 $0x200, v10;
	v14 =	vld [tilespmem:s18+$0x70];
	[tilespmem:v16+s25+$0x0] =	vst.idx.msk $0xffff, v54  }
0x355: {  	v23 =	vld [tilespmem:s18+$0xFFFFFF30];
	v16 =	vor.u32 $0x100, v11;
	[tilespmem:v12+s25+$0x0] =	vst.idx.msk $0xffff, v13  }
0x356: {  	v24 =	vld [tilespmem:s18+$0xFFFFFF40];
	v12 =	vor.u32 $0x100, v9;
	[tilespmem:v5+s25+$0x0] =	vst.idx.msk $0xffff, v55  }
0x357: {  	v13 =	vor.u32 $0x100, v17;
	v25 =	vld [tilespmem:s18+$0xFFFFFF50];
	[tilespmem:v15+s25+$0x0] =	vst.idx.msk $0xffff, v21  }
0x358: {  	v26 =	vld [tilespmem:s18+$0xFFFFFF80];
	v15 =	vor.u32 $0x180, v8;
	[tilespmem:v20+s25+$0x0] =	vst.idx.msk $0xffff, v22  }
0x359: {  	v5 =	vld [tilespmem:s18+$0xFFFFFF60];
	v20 =	vor.u32 $0x100, v18;
	[tilespmem:v19+s25+$0x0] =	vst.idx.msk $0xffff, v14  }
0x35a: {  	v19 =	vor.u32 $0x280, v10;
	[tilespmem:v16+s25+$0x0] =	vst.idx.msk $0xffff, v23;
	v14 =	vld [tilespmem:s18+$0xF0]  }
0x35b: {  	v22 =	vld [tilespmem:s18+$0xFFFFFF90];
	v16 =	vor.u32 $0x180, v6;
	[tilespmem:v12+s25+$0x0] =	vst.idx.msk $0xffff, v24  }
0x35c: {  	v21 =	vld [tilespmem:s18+$0xFFFFFFA0];
	v12 =	vor.u32 $0x180, v7;
	[tilespmem:v13+s25+$0x0] =	vst.idx.msk $0xffff, v25  }
0x35d: {  	v23 =	vld [tilespmem:s18+$0xFFFFFFB0];
	v13 =	vor.u32 $0x180, v11;
	[tilespmem:v15+s25+$0x0] =	vst.idx.msk $0xffff, v26  }
0x35e: {  	v25 =	vld [tilespmem:s18+$0xFFFFFFD0];
	[tilespmem:v20+s25+$0x0] =	vst.idx.msk $0xffff, v5;
	v20 =	vor.u32 $0x180, v17  }
0x35f: {  	v24 =	vld [tilespmem:s18+$0xFFFFFFC0];
	[tilespmem:v19+s25+$0x0] =	vst.idx.msk $0xffff, v14;
	v19 =	vor.u32 $0x180, v9  }
0x360: {  	[tilespmem:v16+s25+$0x0] =	vst.idx.msk $0xffff, v22;
	v14 =	vor.u32 $0x300, v10;
	v5 =	vld [tilespmem:s18+$0x170]  }
0x361: {  	v15 =	vld [tilespmem:s18+$0xFFFFFFE0];
	v16 =	vor.u32 $0x180, v18;
	[tilespmem:v12+s25+$0x0] =	vst.idx.msk $0xffff, v21  }
0x362: {  	v26 =	vld [tilespmem:s18+$0x0];
	v12 =	vor.u32 $0x200, v8;
	[tilespmem:v13+s25+$0x0] =	vst.idx.msk $0xffff, v23  }
0x363: {  	v22 =	vld [tilespmem:s18+$0x10];
	v13 =	vor.u32 $0x200, v6;
	[tilespmem:v20+s25+$0x0] =	vst.idx.msk $0xffff, v25  }
0x364: {  	v23 =	vld [tilespmem:s18+$0x30];
	v20 =	vor.u32 $0x200, v11;
	[tilespmem:v19+s25+$0x0] =	vst.idx.msk $0xffff, v24  }
0x365: {  	v21 =	vld [tilespmem:s18+$0x20];
	[tilespmem:v14+s25+$0x0] =	vst.idx.msk $0xffff, v5;
	v14 =	vor.u32 $0x200, v7  }
0x366: {  	[tilespmem:v16+s25+$0x0] =	vst.idx.msk $0xffff, v15;
	v15 =	vor.u32 $0x200, v9;
	v19 =	vld [tilespmem:s18+$0x40]  }
0x367: {  	v10 =	vor.u32 $0x380, v10;
	[tilespmem:v12+s25+$0x0] =	vst.idx.msk $0xffff, v26;
	v5 =	vld [tilespmem:s18+$0x1F0]  }
0x368: {  	v1 =	vld [tilespmem:s9+$0x1D0];
	[tilespmem:v13+s25+$0x0] =	vst.idx.msk $0xffff, v22  }
0x369: {  	v57 =	vor.u32 $0x200, v17;
	v56 =	vld [tilespmem:s18+$0x50];
	[tilespmem:v20+s25+$0x0] =	vst.idx.msk $0xffff, v23  }
0x36a: {  	v16 =	vld [tilespmem:s18+$0x60];
	v13 =	vor.u32 $0x200, v18;
	[tilespmem:v14+s25+$0x0] =	vst.idx.msk $0xffff, v21  }
0x36b: {  	v21 =	vld [tilespmem:s18+$0xB0];
	[tilespmem:v15+s25+$0x0] =	vst.idx.msk $0xffff, v19;
	v15 =	vor.u32 $0x280, v11  }
0x36c: {  	v26 =	vld [tilespmem:s18+$0x80];
	[tilespmem:v10+s25+$0x0] =	vst.idx.msk $0xffff, v5;
	v5 =	vor.u32 $0x280, v8  }
0x36d: {  	v22 =	vld [tilespmem:s18+$0x90];
	v10 =	vor.u32 $0x280, v6  }
0x36e: {  	v23 =	vor.u32 $0x280, v9;
	[tilespmem:v57+s25+$0x0] =	vst.idx.msk $0xffff, v56;
	v19 =	vld [tilespmem:s18+$0xC0]  }
0x36f: {  	v20 =	vor.u32 $0x280, v7;
	[tilespmem:v13+s25+$0x0] =	vst.idx.msk $0xffff, v16;
	v14 =	vld [tilespmem:s18+$0xA0]  }
0x370: {  	v24 =	vld [tilespmem:s18+$0xD0];
	v13 =	vor.u32 $0x280, v17;
	[tilespmem:v15+s25+$0x0] =	vst.idx.msk $0xffff, v21  }
0x371: {  	v12 =	vld [tilespmem:s9+$0x1E0];
	[tilespmem:v5+s25+$0x0] =	vst.idx.msk $0xffff, v26  }
0x372: {  	v16 =	vor.u32 $0x280, v18;
	v5 =	vld [tilespmem:s18+$0xE0];
	[tilespmem:v10+s25+$0x0] =	vst.idx.msk $0xffff, v22  }
0x373: {  	v61 =	vld [tilespmem:s18+$0x130];
	[tilespmem:v23+s25+$0x0] =	vst.idx.msk $0xffff, v19;
	v23 =	vor.u32 $0x300, v11  }
0x374: {  	[tilespmem:v20+s25+$0x0] =	vst.idx.msk $0xffff, v14;
	v14 =	vor.u32 $0x300, v6;
	v59 =	vld [tilespmem:s18+$0x110]  }
0x375: {  	[tilespmem:v13+s25+$0x0] =	vst.idx.msk $0xffff, v24;
	v10 =	vor.u32 $0x300, v8;
	v58 =	vld [tilespmem:s18+$0x100]  }
0x376: {  	v22 =	vld [tilespmem:s18+$0x150]  }
0x377: {  	v15 =	vor.u32 $0x300, v7;
	v60 =	vld [tilespmem:s18+$0x120];
	[tilespmem:v16+s25+$0x0] =	vst.idx.msk $0xffff, v5  }
0x378: {  	v63 =	vor.u32 $0x300, v9;
	v62 =	vld [tilespmem:s18+$0x140];
	[tilespmem:v23+s25+$0x0] =	vst.idx.msk $0xffff, v61  }
0x379: {  	v13 =	vor.u32 $0x380, v7;
	v20 =	vld [tilespmem:s18+$0x160];
	[tilespmem:v14+s25+$0x0] =	vst.idx.msk $0xffff, v59;
	v14 =	vor.u32 $0x300, v17  }
0x37a: {  	v7 =	vor.u32 $0x380, v17;
	v5 =	vor.u32 $0x380, v2;
	v16 =	vor.u32 $0x300, v18;
	[tilespmem:v10+s25+$0x0] =	vst.idx.msk $0xffff, v58;
	v17 =	vld [tilespmem:s18+$0x1B0]  }
0x37b: {  	v2 =	vor.u32 $0x380, v3;
	v3 =	vor.u32 $0x380, v4;
	v10 =	vor.u32 $0x380, v8;
	v4 =	vld [tilespmem:s18+$0x180]  }
0x37c: {  	[tilespmem:v15+s25+$0x0] =	vst.idx.msk $0xffff, v60;
	v15 =	vor.u32 $0x380, v6;
	v19 =	vld [tilespmem:s18+$0x190]  }
0x37d: {  	s19 =	simm.s32 $0xCE00;
	s8 =	simm.s32 $0x8;
	s9 =	simm.s32 $0x140;
	v11 =	vor.u32 $0x380, v11;
	v8 =	vor.u32 $0x380, v9;
	v6 =	vor.u32 $0x380, v18;
	[tilespmem:v63+s25+$0x0] =	vst.idx.msk $0xffff, v62;
	v21 =	vld [tilespmem:s18+$0x1A0]  }
.LBB2_9:
0x37e: {  	v9 =	vld [tilespmem:s9+$0x30];
	s8 =	sadd.s32 $0x8, s8;
	[tilespmem:v14+s25+$0x0] =	vst.idx.msk $0xffff, v22  }
0x37f: {  	v14 =	vld [tilespmem:s9+$0xFFFFFFD0];
	p1 =	slt.u32 s8, $0x78;
	[tilespmem:v16+s25+$0x0] =	vst.idx.msk $0xffff, v20  }
0x380: {  	v16 =	vld [tilespmem:s9+$0xFFFFFFE0];
	[tilespmem:v10+s25+$0x0] =	vst.idx.msk $0xffff, v4  }
0x381: {  	v10 =	vld [tilespmem:s9+$0xFFFFFFF0];
	[tilespmem:v15+s25+$0x0] =	vst.idx.msk $0xffff, v19  }
0x382: {  	v15 =	vld [tilespmem:s9+$0x0];
	[tilespmem:v13+s25+$0x0] =	vst.idx.msk $0xffff, v21  }
0x383: {  	v13 =	vld [tilespmem:s9+$0x10];
	v4 =	vshll.u32 v9, $0x3;
	[tilespmem:v11+s25+$0x0] =	vst.idx.msk $0xffff, v17  }
0x384: {  	s18 =	sadd.s32 $0x400, s18;
	v9 =	vand.u32 $0x7F, v9;
	v11 =	vshll.u32 v14, $0x3;
	v17 =	vld [tilespmem:s9+$0x20];
	v4 =	vand.u32 $0xFFFFFC00, v4;
	[tilespmem:v5+s25+$0x0] =	vst.idx.msk $0xffff, v0;
	v5 =	vmovc v8  }
0x385: {  	v0 =	vand.u32 $0xFFFFFC00, v11;
	v8 =	vshll.u32 v16, $0x3;
	v11 =	vld [tilespmem:s18+$0xFFFFFE70];
	v4 =	vor.u32 v9, v4;
	[tilespmem:v2+s25+$0x0] =	vst.idx.msk $0xffff, v1;
	v2 =	vmovc v7  }
0x386: {  	v7 =	vand.u32 $0x7F, v14;
	v1 =	vld [tilespmem:s9+$0xFFFFFFC0];
	v8 =	vand.u32 $0xFFFFFC00, v8;
	v9 =	vshll.u32 v10, $0x3;
	[tilespmem:v3+s25+$0x0] =	vst.idx.msk $0xffff, v12;
	v3 =	vmovc v6  }
0x387: {  	v12 =	vand.u32 $0x7F, v16;
	v6 =	vld [tilespmem:s18+$0xFFFFFE00];
	v9 =	vand.u32 $0xFFFFFC00, v9;
	v14 =	vshll.u32 v15, $0x3  }
0x388: {  	v10 =	vand.u32 $0x7F, v10;
	v16 =	vld [tilespmem:s18+$0xFFFFFE10];
	v14 =	vand.u32 $0xFFFFFC00, v14;
	v18 =	vshll.u32 v13, $0x3  }
0x389: {  	v15 =	vand.u32 $0x7F, v15;
	v19 =	vld [tilespmem:s18+$0xFFFFFE20];
	v18 =	vand.u32 $0xFFFFFC00, v18;
	v20 =	vshll.u32 v17, $0x3  }
0x38a: {  	v13 =	vand.u32 $0x7F, v13;
	v17 =	vand.u32 $0x7F, v17;
	v21 =	vld [tilespmem:s18+$0xFFFFFE30];
	v20 =	vand.u32 $0xFFFFFC00, v20;
	[tilespmem:v4+s25+$0x0] =	vst.idx.msk $0xffff, v11  }
0x38b: {  	v23 =	vor.u32 $0x80, v4;
	v11 =	vand.u32 $0x7F, v1;
	v1 =	vshll.u32 v1, $0x3;
	v22 =	vld [tilespmem:s18+$0xFFFFFEF0]  }
0x38c: {  	v7 =	vor.u32 v7, v0;
	v8 =	vor.u32 v12, v8;
	v1 =	vand.u32 $0xFFFFFC00, v1;
	v12 =	vld [tilespmem:s18+$0xFFFFFE40]  }
0x38d: {  	v27 =	vor.u32 v10, v9;
	v28 =	vor.u32 v15, v14;
	v11 =	vor.u32 v11, v1;
	v9 =	vld [tilespmem:s18+$0xFFFFFE50]  }
0x38e: {  	v29 =	vor.u32 v13, v18;
	v30 =	vor.u32 v17, v20;
	v10 =	vor.u32 $0x80, v11;
	v13 =	vld [tilespmem:s18+$0xFFFFFE60]  }
0x38f: {  	v14 =	vor.u32 $0x80, v7;
	v15 =	vor.u32 $0x80, v8;
	v31 =	vor.u32 $0x80, v27;
	v0 =	vld [tilespmem:s19+$0x1C0]  }
0x390: {  	v32 =	vor.u32 $0x80, v28;
	v33 =	vor.u32 $0x80, v29;
	v34 =	vor.u32 $0x80, v30;
	[tilespmem:v23+s25+$0x0] =	vst.idx.msk $0xffff, v22;
	v1 =	vld [tilespmem:s19+$0x1D0]  }
0x391: {  	v36 =	vor.u32 $0x100, v7;
	v17 =	vor.u32 $0x100, v4;
	v35 =	vor.u32 $0x100, v11;
	[tilespmem:v7+s25+$0x0] =	vst.idx.msk $0xffff, v16;
	v16 =	vld [tilespmem:s18+$0xFFFFFF70]  }
0x392: {  	v37 =	vor.u32 $0x100, v8;
	v38 =	vor.u32 $0x100, v27;
	v39 =	vor.u32 $0x100, v28;
	[tilespmem:v11+s25+$0x0] =	vst.idx.msk $0xffff, v6;
	v6 =	vld [tilespmem:s18+$0xFFFFFE90]  }
0x393: {  	v41 =	vor.u32 $0x100, v29;
	v42 =	vor.u32 $0x100, v30;
	v40 =	vor.u32 $0x180, v11;
	v18 =	vld [tilespmem:s18+$0xFFFFFE80];
	[tilespmem:v8+s25+$0x0] =	vst.idx.msk $0xffff, v19  }
0x394: {  	v43 =	vor.u32 $0x180, v7;
	v45 =	vor.u32 $0x180, v8;
	v46 =	vor.u32 $0x180, v27;
	v44 =	vld [tilespmem:s18+$0xFFFFFEA0];
	[tilespmem:v27+s25+$0x0] =	vst.idx.msk $0xffff, v21  }
0x395: {  	v48 =	vor.u32 $0x180, v29;
	v49 =	vor.u32 $0x180, v30;
	v47 =	vld [tilespmem:s18+$0xFFFFFEB0];
	[tilespmem:v28+s25+$0x0] =	vst.idx.msk $0xffff, v12;
	v12 =	vor.u32 $0x180, v28  }
0x396: {  	v51 =	vor.u32 $0x200, v7;
	v52 =	vor.u32 $0x200, v8;
	v50 =	vor.u32 $0x200, v11;
	v53 =	vld [tilespmem:s18+$0xFFFFFEC0];
	[tilespmem:v17+s25+$0x0] =	vst.idx.msk $0xffff, v16  }
0x397: {  	v56 =	vor.u32 $0x180, v4;
	v54 =	vor.u32 $0x200, v27;
	v55 =	vor.u32 $0x200, v28;
	[tilespmem:v29+s25+$0x0] =	vst.idx.msk $0xffff, v9;
	v16 =	vld [tilespmem:s18+$0xFFFFFFF0]  }
0x398: {  	v58 =	vor.u32 $0x200, v29;
	v59 =	vor.u32 $0x200, v30;
	v24 =	vor.u32 $0x280, v11;
	v57 =	vld [tilespmem:s18+$0xFFFFFED0];
	[tilespmem:v30+s25+$0x0] =	vst.idx.msk $0xffff, v13  }
0x399: {  	v60 =	vor.u32 $0x280, v7;
	v25 =	vor.u32 $0x280, v8;
	v22 =	vor.u32 $0x280, v27;
	[tilespmem:v10+s25+$0x0] =	vst.idx.msk $0xffff, v18;
	v61 =	vld [tilespmem:s18+$0xFFFFFEE0]  }
0x39a: {  	v26 =	vor.u32 $0x280, v28;
	v23 =	vor.u32 $0x280, v29;
	v21 =	vor.u32 $0x280, v30;
	v62 =	vld [tilespmem:s18+$0xFFFFFF00];
	[tilespmem:v14+s25+$0x0] =	vst.idx.msk $0xffff, v6  }
0x39b: {  	v20 =	vor.u32 $0x300, v11;
	v19 =	vor.u32 $0x300, v7;
	v17 =	vor.u32 $0x300, v8;
	v63 =	vld [tilespmem:s18+$0xFFFFFF10];
	[tilespmem:v15+s25+$0x0] =	vst.idx.msk $0xffff, v44  }
0x39c: {  	v9 =	vor.u32 $0x300, v28;
	v18 =	vor.u32 $0x300, v27;
	v14 =	vor.u32 $0x300, v29;
	v44 =	vld [tilespmem:s18+$0xFFFFFF20];
	[tilespmem:v56+s25+$0x0] =	vst.idx.msk $0xffff, v16  }
0x39d: {  	v10 =	vor.u32 $0x380, v11;
	v16 =	vor.u32 $0x300, v30;
	[tilespmem:v31+s25+$0x0] =	vst.idx.msk $0xffff, v47;
	v31 =	vld [tilespmem:s18+$0x70];
	v47 =	vor.u32 $0x200, v4  }
0x39e: {  	v13 =	vor.u32 $0x380, v8;
	v11 =	vor.u32 $0x380, v27;
	v15 =	vor.u32 $0x380, v7;
	v56 =	vld [tilespmem:s18+$0xFFFFFF30];
	[tilespmem:v32+s25+$0x0] =	vst.idx.msk $0xffff, v53  }
0x39f: {  	v8 =	vor.u32 $0x380, v28;
	v6 =	vor.u32 $0x380, v30;
	v7 =	vor.u32 $0x380, v29;
	v27 =	vld [tilespmem:s18+$0xFFFFFF40];
	[tilespmem:v33+s25+$0x0] =	vst.idx.msk $0xffff, v57  }
0x3a0: {  	v28 =	vld [tilespmem:s18+$0xFFFFFF50];
	[tilespmem:v34+s25+$0x0] =	vst.idx.msk $0xffff, v61  }
0x3a1: {  	[tilespmem:v35+s25+$0x0] =	vst.idx.msk $0xffff, v62;
	v29 =	vld [tilespmem:s18+$0xFFFFFF60]  }
0x3a2: {  	v30 =	vld [tilespmem:s18+$0xFFFFFF80];
	[tilespmem:v47+s25+$0x0] =	vst.idx.msk $0xffff, v31  }
0x3a3: {  	v32 =	vor.u32 $0x280, v4;
	[tilespmem:v36+s25+$0x0] =	vst.idx.msk $0xffff, v63;
	v31 =	vld [tilespmem:s18+$0xF0]  }
0x3a4: {  	v33 =	vld [tilespmem:s18+$0xFFFFFF90];
	[tilespmem:v37+s25+$0x0] =	vst.idx.msk $0xffff, v44  }
0x3a5: {  	v34 =	vld [tilespmem:s18+$0xFFFFFFA0];
	[tilespmem:v38+s25+$0x0] =	vst.idx.msk $0xffff, v56  }
0x3a6: {  	v35 =	vld [tilespmem:s18+$0xFFFFFFB0];
	[tilespmem:v39+s25+$0x0] =	vst.idx.msk $0xffff, v27  }
0x3a7: {  	v27 =	vld [tilespmem:s18+$0xFFFFFFC0];
	[tilespmem:v41+s25+$0x0] =	vst.idx.msk $0xffff, v28  }
0x3a8: {  	v28 =	vld [tilespmem:s18+$0xFFFFFFD0];
	[tilespmem:v32+s25+$0x0] =	vst.idx.msk $0xffff, v31  }
0x3a9: {  	v31 =	vor.u32 $0x300, v4;
	[tilespmem:v42+s25+$0x0] =	vst.idx.msk $0xffff, v29;
	v29 =	vld [tilespmem:s18+$0x170]  }
0x3aa: {  	[tilespmem:v40+s25+$0x0] =	vst.idx.msk $0xffff, v30;
	v30 =	vld [tilespmem:s18+$0xFFFFFFE0]  }
0x3ab: {  	v32 =	vld [tilespmem:s18+$0x0];
	[tilespmem:v43+s25+$0x0] =	vst.idx.msk $0xffff, v33  }
0x3ac: {  	v33 =	vld [tilespmem:s18+$0x10];
	[tilespmem:v45+s25+$0x0] =	vst.idx.msk $0xffff, v34  }
0x3ad: {  	v34 =	vld [tilespmem:s18+$0x20];
	[tilespmem:v46+s25+$0x0] =	vst.idx.msk $0xffff, v35  }
0x3ae: {  	v35 =	vld [tilespmem:s18+$0x30];
	[tilespmem:v31+s25+$0x0] =	vst.idx.msk $0xffff, v29  }
0x3af: {  	v4 =	vor.u32 $0x380, v4;
	[tilespmem:v12+s25+$0x0] =	vst.idx.msk $0xffff, v27;
	v12 =	vld [tilespmem:s18+$0x1F0]  }
0x3b0: {  	v27 =	vld [tilespmem:s18+$0x40];
	[tilespmem:v48+s25+$0x0] =	vst.idx.msk $0xffff, v28  }
0x3b1: {  	v28 =	vld [tilespmem:s18+$0x50];
	[tilespmem:v49+s25+$0x0] =	vst.idx.msk $0xffff, v30  }
0x3b2: {  	[tilespmem:v50+s25+$0x0] =	vst.idx.msk $0xffff, v32;
	v29 =	vld [tilespmem:s18+$0x60]  }
0x3b3: {  	v30 =	vld [tilespmem:s18+$0x80];
	[tilespmem:v51+s25+$0x0] =	vst.idx.msk $0xffff, v33  }
0x3b4: {  	v31 =	vld [tilespmem:s18+$0x90];
	[tilespmem:v4+s25+$0x0] =	vst.idx.msk $0xffff, v12  }
0x3b5: {  	[tilespmem:v52+s25+$0x0] =	vst.idx.msk $0xffff, v34;
	v12 =	vld [tilespmem:s19+$0x1E0];
	s19 =	smov.u32 s18  }
0x3b6: {  	v4 =	vld [tilespmem:s18+$0xA0];
	[tilespmem:v54+s25+$0x0] =	vst.idx.msk $0xffff, v35  }
0x3b7: {  	v32 =	vld [tilespmem:s18+$0xB0];
	[tilespmem:v55+s25+$0x0] =	vst.idx.msk $0xffff, v27  }
0x3b8: {  	v27 =	vld [tilespmem:s18+$0xC0];
	[tilespmem:v58+s25+$0x0] =	vst.idx.msk $0xffff, v28  }
0x3b9: {  	v28 =	vld [tilespmem:s18+$0xD0];
	[tilespmem:v59+s25+$0x0] =	vst.idx.msk $0xffff, v29  }
0x3ba: {  	[tilespmem:v24+s25+$0x0] =	vst.idx.msk $0xffff, v30;
	v24 =	vld [tilespmem:s18+$0xE0]  }
0x3bb: {  	v29 =	vld [tilespmem:s18+$0x100];
	[tilespmem:v60+s25+$0x0] =	vst.idx.msk $0xffff, v31  }
0x3bc: {  	v30 =	vld [tilespmem:s18+$0x110];
	[tilespmem:v25+s25+$0x0] =	vst.idx.msk $0xffff, v4  }
0x3bd: {  	v25 =	vld [tilespmem:s18+$0x120];
	[tilespmem:v22+s25+$0x0] =	vst.idx.msk $0xffff, v32  }
0x3be: {  	v31 =	vld [tilespmem:s18+$0x130];
	[tilespmem:v26+s25+$0x0] =	vst.idx.msk $0xffff, v27  }
0x3bf: {  	v26 =	vld [tilespmem:s18+$0x140];
	[tilespmem:v23+s25+$0x0] =	vst.idx.msk $0xffff, v28  }
0x3c0: {  	v22 =	vld [tilespmem:s18+$0x150];
	[tilespmem:v21+s25+$0x0] =	vst.idx.msk $0xffff, v24  }
.Ltmp5:
0x3c1: {  	[tilespmem:v20+s25+$0x0] =	vst.idx.msk $0xffff, v29;
	v20 =	vld [tilespmem:s18+$0x160];
	(pc) =	sbr.rel @p1 .LBB2_9-.Ltmp5, $4  }
0x3c2: {  	v4 =	vld [tilespmem:s18+$0x180];
	[tilespmem:v19+s25+$0x0] =	vst.idx.msk $0xffff, v30  }
0x3c3: {  	v19 =	vld [tilespmem:s18+$0x190];
	[tilespmem:v17+s25+$0x0] =	vst.idx.msk $0xffff, v25  }
0x3c4: {  	v21 =	vld [tilespmem:s18+$0x1A0];
	[tilespmem:v18+s25+$0x0] =	vst.idx.msk $0xffff, v31  }
0x3c5: {  	s9 =	sadd.s32 $0x80, s9;
	v17 =	vld [tilespmem:s18+$0x1B0];
	[tilespmem:v9+s25+$0x0] =	vst.idx.msk $0xffff, v26  }
0x3c6: {  	_ =	sdelay $0x3  }
0x3c7: {  	[tilespmem:v14+s25+$0x0] =	vst.idx.msk $0xffff, v22  }
0x3c8: {  	[tilespmem:v16+s25+$0x0] =	vst.idx.msk $0xffff, v20  }
0x3c9: {  	[tilespmem:v5+s25+$0x0] =	vst.idx.msk $0xffff, v0  }
0x3ca: {  	[tilespmem:v2+s25+$0x0] =	vst.idx.msk $0xffff, v1  }
0x3cb: {  	v62 =	vld [tilespmem:s19+$0x1C0];
	[tilespmem:v3+s25+$0x0] =	vst.idx.msk $0xffff, v12  }
0x3cc: {  	[tilespmem:v10+s25+$0x0] =	vst.idx.msk $0xffff, v4;
	v9 =	vld [tilespmem:s19+$0x1D0]  }
0x3cd: {  	v63 =	vld [tilespmem:s19+$0x1E0];
	[tilespmem:v15+s25+$0x0] =	vst.idx.msk $0xffff, v19  }
0x3ce: {  	[tilespmem:v13+s25+$0x0] =	vst.idx.msk $0xffff, v21  }
.Ltmp6:
0x3cf: {  	[tilespmem:v11+s25+$0x0] =	vst.idx.msk $0xffff, v17;
	(pc) =	sbr.rel @p0 .LBB2_12-.Ltmp6, $4  }
0x3d0: {  	[tilespmem:v8+s25+$0x0] =	vst.idx.msk $0xffff, v62  }
0x3d1: {  	[tilespmem:v7+s25+$0x0] =	vst.idx.msk $0xffff, v9  }
0x3d2: {  	s3 =	sadd.s32 $0x1800, s3;
	[tilespmem:v6+s25+$0x0] =	vst.idx.msk $0xffff, v63  }
0x3d3: {  	[hbm4b:s3+s5] =	stream.linear.scatter [tilespmem:s25], [sflag:$0x6], $0x4000, $0x38;
	[tilespmem:$0x18800] =	vst v63  }
.Ltmp7:
0x3d4: {  	(pc) =	sbr.rel .LBB2_2-.Ltmp7, $4  }
0x3d5: {  	s1 =	sadd.s32 s1, s15  }
0x3d6: {  	s1 =	sshll.u32 s1, $0xB  }
0x3d7: {  	s0 =	sadd.s32 $0x1, s0;
	s1 =	sadd.s32 s2, s1  }
0x3d8: {  	[tilespmem:s21], [sflag:$0x4] =	stream.linear.gather [hbm4b:s1+s5], $0x4000, $0x38;
	[tilespmem:$0x18800] =	vst v63  }
.LBB2_13:
0x3d9: {  	_ =	sfence.sel $0x180000  }
0x3da: {  	[bflag:$0x0] =	sbarrier.arrive $0xFFFF  }
0x3db: {  	_ =	strace $0x90000047  }
0x3dc: {  	s0 =	stileid.u32;
	[bflag:$0x2] =	sbarrier.arrive $0xFFFF  }
0x3dd: {  	p0 =	sne.s32 s0, $0x0;
	s0 =	rddreg [dreg:$0x3]  }
0x3de: {  	s0 =	sadd.s32 @!p0 $0x100000, s0  }
0x3df: {  	[sflag:s0] =	ssyncadd.tile.s32 @!p0 $0x1;
	_ =	shalt  }
.Lfunc_end2:
_tile_overlayer_lowered:
.L_overlay_start_2:
0x3e0: {  	(tag) =	ssettag $0x2  }
0x3e1: {  	s0 =	rddreg [dreg:$0x0];
	s2 =	stileid.u32  }
0x3e2: {  	s1 =	rddreg [dreg:$0x1];
	p0 =	sne.s32 s2, $0x0  }
0x3e3: {  	s3 =	rddreg [dreg:$0x2];
	[bflag:$0x3] =	sbarrier.arrive $0xFFFF;
	s2 =	simm.s32 @!p0 $0x1C07  }
0x3e4: {  	[timem:s3], [sflag:s2] =	dma.local @!p0 [hbm:s0], s1  }
0x3e5: {  	s0 =	simm.s32 @!p0 $0x7  }
0x3e6: {  	_ =	swait.ge @!p0 [sflag:s0], s1  }
0x3e7: {  	s1 =	ssub.s32 @!p0 $0x0, s1;
	[sflag:s0] =	ssyncset.done @!p0 $0x0  }
0x3e8: {  	[sflag:s0] =	ssyncadd.s32 @!p0 s1  }
0x3e9: {  	[bflag:$0x3] =	sbarrier.arrive $0xFFFF  }
0x3ea: {  	_ =	shalt  }

</sc_bundles>
